<compile_context>
chip_gen: v7x
topology: tpu7x:2x2x1
jax: 0.10.2.dev20260603
libtpu: 0.0.44.dev20260713+nightly
codegen_flags: <defaults>
</compile_context>

<pallas_src>
import functools

import jax
import jax.numpy as jnp
from jax import lax
from jax.experimental import pallas as pl
from jax.experimental.pallas import tpu as pltpu
from jax.experimental.pallas import tpu_sc as plsc

_SOLVE_ITERS = 8
_ROW_BLOCK = 32

_SC_ROWS = 32
_SC_SOLVE_ITERS = 6
_L = 16
_UNROLL = 32



def _sparsemax_block(x_ref, o_ref):
    zmax = jnp.max(x_ref[...], axis=-1, keepdims=True)
    lo = zmax - 1.0
    hi = zmax
    f_lo = jnp.sum(jnp.maximum(x_ref[...] - lo, 0.0), axis=-1,
                   keepdims=True) - 1.0
    t_p = lo - 1.0
    f_p = f_lo + 1.0

    def step(_, carry):
        lo, hi, f_lo, t_p, f_p = carry
        mid = 0.5 * (lo + hi)
        sec = lo + f_lo * (lo - t_p) / jnp.maximum(f_p - f_lo, 1e-30)
        t = jnp.where(sec < hi, jnp.maximum(sec, mid), mid)
        ft = jnp.sum(jnp.maximum(x_ref[...] - t, 0.0), axis=-1,
                     keepdims=True) - 1.0
        ge = ft >= 0.0
        return (
            jnp.where(ge, t, lo),
            jnp.where(ge, hi, t),
            jnp.where(ge, ft, f_lo),
            jnp.where(ge, lo, t_p),
            jnp.where(ge, f_lo, f_p),
        )

    lo, hi, f_lo, t_p, f_p = jax.lax.fori_loop(
        0, _SOLVE_ITERS, step, (lo, hi, f_lo, t_p, f_p))

    cnt = jnp.sum((x_ref[...] > lo).astype(jnp.float32), axis=-1,
                  keepdims=True)
    tau = lo + f_lo / jnp.maximum(cnt, 1.0)
    o_ref[...] = jnp.maximum(x_ref[...] - tau, 0.0)


def _tc_sparsemax(x):
    n_rows, d = x.shape
    grid = (n_rows // _ROW_BLOCK,)
    return pl.pallas_call(
        _sparsemax_block,
        grid=grid,
        in_specs=[pl.BlockSpec((_ROW_BLOCK, d), lambda i: (i, 0))],
        out_specs=pl.BlockSpec((_ROW_BLOCK, d), lambda i: (i, 0)),
        out_shape=jax.ShapeDtypeStruct((n_rows, d), x.dtype),
        compiler_params=pltpu.CompilerParams(
            dimension_semantics=("parallel",),
        ),
    )(x)



def _sc_reduce_pass(row_v, d, acc_op, merge_op, init):
    span = _L * _UNROLL

    def body(i, accs):
        base = i * span
        new = []
        for j in range(_UNROLL):
            v = row_v[pl.ds(base + j * _L, _L)]
            new.append(acc_op(accs[j], v))
        return tuple(new)

    accs = tuple(jnp.full((_L,), init, jnp.float32) for _ in range(_UNROLL))
    accs = lax.fori_loop(0, d // span, body, accs)
    out = accs[0]
    for j in range(1, _UNROLL):
        out = merge_op(out, accs[j])
    return out


def _sc_sparsemax_body(x_hbm, o_hbm, row_v, out_v, sem):
    d = x_hbm.shape[-1]
    wid = lax.axis_index("s") * 2 + lax.axis_index("c")

    pltpu.sync_copy(x_hbm.at[wid], row_v)

    def lane_reduce(vec, op):
        s = vec[0]
        for i in range(1, _L):
            s = op(s, vec[i])
        return jnp.full((_L,), s, jnp.float32)

    def recip(x):
        seed = jnp.int32(0x7EF311C7) - lax.bitcast_convert_type(x, jnp.int32)
        r = lax.bitcast_convert_type(seed, jnp.float32)
        for _ in range(3):
            r = r * (2.0 - x * r)
        return r

    add = lambda a, b: a + b
    mvec = _sc_reduce_pass(row_v, d, jnp.maximum, jnp.maximum, -jnp.inf)
    zmax = lane_reduce(mvec, jnp.maximum)

    def relu_sum(t):
        acc = _sc_reduce_pass(
            row_v, d, lambda a, v: a + jnp.maximum(v - t, 0.0), add, 0.0)
        return lane_reduce(acc, add)

    lo = zmax - 1.0
    hi = zmax
    f_lo = relu_sum(lo) - 1.0
    t_p = lo - 1.0
    f_p = f_lo + 1.0

    def step(_, carry):
        lo, hi, f_lo, t_p, f_p = carry
        mid = 0.5 * (lo + hi)
        sec = lo + f_lo * (lo - t_p) * recip(jnp.maximum(f_p - f_lo, 1e-20))
        t = jnp.where(sec < hi, jnp.maximum(sec, mid), mid)
        ft = relu_sum(t) - 1.0
        ge = ft >= 0.0
        return (
            jnp.where(ge, t, lo),
            jnp.where(ge, hi, t),
            jnp.where(ge, ft, f_lo),
            jnp.where(ge, lo, t_p),
            jnp.where(ge, f_lo, f_p),
        )

    lo, hi, f_lo, t_p, f_p = lax.fori_loop(
        0, _SC_SOLVE_ITERS, step, (lo, hi, f_lo, t_p, f_p))

    cnt = _sc_reduce_pass(
        row_v, d,
        lambda a, v: a + jnp.where(v > lo, 1.0, 0.0), add, 0.0)
    cnt = lane_reduce(cnt, add)
    tau = lo + f_lo * recip(jnp.maximum(cnt, 1.0))

    span = _L * _UNROLL

    def out_body(i, carry):
        base = i * span
        for j in range(_UNROLL):
            sl = pl.ds(base + j * _L, _L)
            out_v[sl] = jnp.maximum(row_v[sl] - tau, 0.0)
        return carry

    lax.fori_loop(0, d // span, out_body, 0)
    pltpu.sync_copy(out_v, o_hbm.at[wid])


def _sc_sparsemax(x):
    n_rows, d = x.shape
    mesh = plsc.VectorSubcoreMesh(core_axis_name="c", subcore_axis_name="s")
    k = functools.partial(
        pl.kernel,
        mesh=mesh,
        out_type=jax.ShapeDtypeStruct((n_rows, d), jnp.float32),
        scratch_types=[
            pltpu.VMEM((d,), jnp.float32),
            pltpu.VMEM((d,), jnp.float32),
            pltpu.SemaphoreType.DMA,
        ],
    )(_sc_sparsemax_body)
    return k(x)


@jax.jit
def kernel(input):
    n_rows, _ = input.shape
    n_tc = n_rows - _SC_ROWS
    out_sc = _sc_sparsemax(input[n_tc:])
    out_tc = _tc_sparsemax(input[:n_tc])
    return jnp.concatenate([out_tc, out_sc], axis=0)

# --- scband reference (transcript-rebuilt; emitter-appended) ---
"""Pipeline reference for scband-sparsemax-13907104105177 (READ-ONLY COPY).

The authoritative reference and input builder live on the scoring server;
editing this copy changes nothing except your own understanding.
"""

import jax, jax.numpy as jnp
import numpy as np


def setup_inputs(seed: int = 0) -> dict:
    key = jax.random.key(seed)
    x = jax.random.normal(key, (128, 32768), dtype=jnp.float32)
    return {"input": x}


def reference(input):
    # Sparsemax: Euclidean projection of each row onto the probability simplex.
    # Closed form via sorting (Martins & Astudillo, 2016), faithful to the
    # per-row project_onto_simplex in the original torch module.
    z = input
    d = z.shape[-1]
    z_sorted = -jnp.sort(-z, axis=-1)                     # descending sort
    z_cumsum = jnp.cumsum(z_sorted, axis=-1)
    ks = jnp.arange(1, d + 1, dtype=z.dtype)
    support = z_sorted > (z_cumsum - 1.0) / ks            # y0 > val
    k_sel = jnp.sum(support.astype(jnp.int32), axis=-1)   # rho + 1
    idx = (k_sel - 1)[..., None]
    tau = (jnp.take_along_axis(z_cumsum, idx, axis=-1) - 1.0) / k_sel[..., None].astype(z.dtype)
    probs = jnp.maximum(z - tau, 0.0)
    return probs

if __name__ == "__main__":
    import jax
    _d = setup_inputs()
    print(jax.jit(kernel)(*tuple(_d.values())))

</pallas_src>

<mosaic_0001>
#map = affine_map<(d0, d1) -> (0, 0)>
module attributes {stable_mosaic.version = 14 : i64} {
  func.func @_sc_sparsemax_body(%arg0: i32, %arg1: i32, %arg2: memref<32x32768xf32, #tpu.memory_space<hbm>>, %arg3: memref<32x32768xf32, #tpu.memory_space<hbm>>, %arg4: memref<32768xf32, #tpu.memory_space<vmem>>, %arg5: memref<32768xf32, #tpu.memory_space<vmem>>, %arg6: memref<!tpu.dma_semaphore, #tpu.memory_space<semaphore_mem>>) attributes {dimension_semantics = [#tpu.dimension_semantics<core_parallel>, #tpu.dimension_semantics<subcore_parallel>], iteration_bounds = array<i64: 2, 16>, scalar_prefetch = 0 : i64, scratch_operands = 3 : i64, tpu.core_type = #tpu.core_type<sc_vector_subcore>, window_params = [{transform_indices = #map}, {transform_indices = #map}]} {
    %mul3A = arith.constant 2 : i32
    %mul3A_0 = arith.muli %arg1, %mul3A : i32
    %add3A = arith.addi %mul3A_0, %arg0 : i32
    "tpu.region"() ({
      %run_scoped3A = tpu.sem_alloc : memref<!tpu.dma_semaphore, #tpu.memory_space<semaphore_mem>>
      %dma_start3A = arith.constant 0 : i32
      %dma_start3A_490 = tpu.memref_slice %arg2[%add3A, %dma_start3A] : memref<32x32768xf32, #tpu.memory_space<hbm>> -> memref<1x32768xf32, #tpu.memory_space<hbm>>
      %dma_start3A_491 = tpu.memref_squeeze %dma_start3A_490 : memref<1x32768xf32, #tpu.memory_space<hbm>> -> memref<32768xf32, #tpu.memory_space<hbm>>
      %dma_start3A_492 = arith.constant 0 : i32
      %dma_start3A_493 = tpu.memref_slice %arg2[%add3A, %dma_start3A_492] : memref<32x32768xf32, #tpu.memory_space<hbm>> -> memref<1x32768xf32, #tpu.memory_space<hbm>>
      %dma_start3A_494 = tpu.memref_squeeze %dma_start3A_493 : memref<1x32768xf32, #tpu.memory_space<hbm>> -> memref<32768xf32, #tpu.memory_space<hbm>>
      tpu.enqueue_dma source(%dma_start3A_494 : memref<32768xf32, #tpu.memory_space<hbm>>) target(%arg4 : memref<32768xf32, #tpu.memory_space<vmem>>) target_semaphore(%run_scoped3A : memref<!tpu.dma_semaphore, #tpu.memory_space<semaphore_mem>>)
      %dma_wait3A = arith.constant 0 : i32
      %dma_wait3A_495 = tpu.memref_slice %arg2[%add3A, %dma_wait3A] : memref<32x32768xf32, #tpu.memory_space<hbm>> -> memref<1x32768xf32, #tpu.memory_space<hbm>>
      %dma_wait3A_496 = tpu.memref_squeeze %dma_wait3A_495 : memref<1x32768xf32, #tpu.memory_space<hbm>> -> memref<32768xf32, #tpu.memory_space<hbm>>
      %dma_wait3A_497 = arith.constant 0 : i32
      %dma_wait3A_498 = tpu.memref_slice %arg2[%add3A, %dma_wait3A_497] : memref<32x32768xf32, #tpu.memory_space<hbm>> -> memref<1x32768xf32, #tpu.memory_space<hbm>>
      %dma_wait3A_499 = tpu.memref_squeeze %dma_wait3A_498 : memref<1x32768xf32, #tpu.memory_space<hbm>> -> memref<32768xf32, #tpu.memory_space<hbm>>
      tpu.wait_dma2 semaphore(%run_scoped3A : memref<!tpu.dma_semaphore, #tpu.memory_space<semaphore_mem>>) src(%dma_wait3A_499 : memref<32768xf32, #tpu.memory_space<hbm>>) dst(%arg4 : memref<32768xf32, #tpu.memory_space<vmem>>)
      tpu.yield
    }) : () -> ()
    %broadcast_in_dim3A = arith.constant 0xFF800000 : f32
    %broadcast_in_dim3A_1 = vector.broadcast %broadcast_in_dim3A : f32 to vector<16xf32>
    %broadcast_in_dim3A_2 = arith.constant 0xFF800000 : f32
    %broadcast_in_dim3A_3 = vector.broadcast %broadcast_in_dim3A_2 : f32 to vector<16xf32>
    %broadcast_in_dim3A_4 = arith.constant 0xFF800000 : f32
    %broadcast_in_dim3A_5 = vector.broadcast %broadcast_in_dim3A_4 : f32 to vector<16xf32>
    %broadcast_in_dim3A_6 = arith.constant 0xFF800000 : f32
    %broadcast_in_dim3A_7 = vector.broadcast %broadcast_in_dim3A_6 : f32 to vector<16xf32>
    %broadcast_in_dim3A_8 = arith.constant 0xFF800000 : f32
    %broadcast_in_dim3A_9 = vector.broadcast %broadcast_in_dim3A_8 : f32 to vector<16xf32>
    %broadcast_in_dim3A_10 = arith.constant 0xFF800000 : f32
    %broadcast_in_dim3A_11 = vector.broadcast %broadcast_in_dim3A_10 : f32 to vector<16xf32>
    %broadcast_in_dim3A_12 = arith.constant 0xFF800000 : f32
    %broadcast_in_dim3A_13 = vector.broadcast %broadcast_in_dim3A_12 : f32 to vector<16xf32>
    %broadcast_in_dim3A_14 = arith.constant 0xFF800000 : f32
    %broadcast_in_dim3A_15 = vector.broadcast %broadcast_in_dim3A_14 : f32 to vector<16xf32>
    %broadcast_in_dim3A_16 = arith.constant 0xFF800000 : f32
    %broadcast_in_dim3A_17 = vector.broadcast %broadcast_in_dim3A_16 : f32 to vector<16xf32>
    %broadcast_in_dim3A_18 = arith.constant 0xFF800000 : f32
    %broadcast_in_dim3A_19 = vector.broadcast %broadcast_in_dim3A_18 : f32 to vector<16xf32>
    %broadcast_in_dim3A_20 = arith.constant 0xFF800000 : f32
    %broadcast_in_dim3A_21 = vector.broadcast %broadcast_in_dim3A_20 : f32 to vector<16xf32>
    %broadcast_in_dim3A_22 = arith.constant 0xFF800000 : f32
    %broadcast_in_dim3A_23 = vector.broadcast %broadcast_in_dim3A_22 : f32 to vector<16xf32>
    %broadcast_in_dim3A_24 = arith.constant 0xFF800000 : f32
    %broadcast_in_dim3A_25 = vector.broadcast %broadcast_in_dim3A_24 : f32 to vector<16xf32>
    %broadcast_in_dim3A_26 = arith.constant 0xFF800000 : f32
    %broadcast_in_dim3A_27 = vector.broadcast %broadcast_in_dim3A_26 : f32 to vector<16xf32>
    %broadcast_in_dim3A_28 = arith.constant 0xFF800000 : f32
    %broadcast_in_dim3A_29 = vector.broadcast %broadcast_in_dim3A_28 : f32 to vector<16xf32>
    %broadcast_in_dim3A_30 = arith.constant 0xFF800000 : f32
    %broadcast_in_dim3A_31 = vector.broadcast %broadcast_in_dim3A_30 : f32 to vector<16xf32>
    %broadcast_in_dim3A_32 = arith.constant 0xFF800000 : f32
    %broadcast_in_dim3A_33 = vector.broadcast %broadcast_in_dim3A_32 : f32 to vector<16xf32>
    %broadcast_in_dim3A_34 = arith.constant 0xFF800000 : f32
    %broadcast_in_dim3A_35 = vector.broadcast %broadcast_in_dim3A_34 : f32 to vector<16xf32>
    %broadcast_in_dim3A_36 = arith.constant 0xFF800000 : f32
    %broadcast_in_dim3A_37 = vector.broadcast %broadcast_in_dim3A_36 : f32 to vector<16xf32>
    %broadcast_in_dim3A_38 = arith.constant 0xFF800000 : f32
    %broadcast_in_dim3A_39 = vector.broadcast %broadcast_in_dim3A_38 : f32 to vector<16xf32>
    %broadcast_in_dim3A_40 = arith.constant 0xFF800000 : f32
    %broadcast_in_dim3A_41 = vector.broadcast %broadcast_in_dim3A_40 : f32 to vector<16xf32>
    %broadcast_in_dim3A_42 = arith.constant 0xFF800000 : f32
    %broadcast_in_dim3A_43 = vector.broadcast %broadcast_in_dim3A_42 : f32 to vector<16xf32>
    %broadcast_in_dim3A_44 = arith.constant 0xFF800000 : f32
    %broadcast_in_dim3A_45 = vector.broadcast %broadcast_in_dim3A_44 : f32 to vector<16xf32>
    %broadcast_in_dim3A_46 = arith.constant 0xFF800000 : f32
    %broadcast_in_dim3A_47 = vector.broadcast %broadcast_in_dim3A_46 : f32 to vector<16xf32>
    %broadcast_in_dim3A_48 = arith.constant 0xFF800000 : f32
    %broadcast_in_dim3A_49 = vector.broadcast %broadcast_in_dim3A_48 : f32 to vector<16xf32>
    %broadcast_in_dim3A_50 = arith.constant 0xFF800000 : f32
    %broadcast_in_dim3A_51 = vector.broadcast %broadcast_in_dim3A_50 : f32 to vector<16xf32>
    %broadcast_in_dim3A_52 = arith.constant 0xFF800000 : f32
    %broadcast_in_dim3A_53 = vector.broadcast %broadcast_in_dim3A_52 : f32 to vector<16xf32>
    %broadcast_in_dim3A_54 = arith.constant 0xFF800000 : f32
    %broadcast_in_dim3A_55 = vector.broadcast %broadcast_in_dim3A_54 : f32 to vector<16xf32>
    %broadcast_in_dim3A_56 = arith.constant 0xFF800000 : f32
    %broadcast_in_dim3A_57 = vector.broadcast %broadcast_in_dim3A_56 : f32 to vector<16xf32>
    %broadcast_in_dim3A_58 = arith.constant 0xFF800000 : f32
    %broadcast_in_dim3A_59 = vector.broadcast %broadcast_in_dim3A_58 : f32 to vector<16xf32>
    %broadcast_in_dim3A_60 = arith.constant 0xFF800000 : f32
    %broadcast_in_dim3A_61 = vector.broadcast %broadcast_in_dim3A_60 : f32 to vector<16xf32>
    %broadcast_in_dim3A_62 = arith.constant 0xFF800000 : f32
    %broadcast_in_dim3A_63 = vector.broadcast %broadcast_in_dim3A_62 : f32 to vector<16xf32>
    %scan3A = arith.constant 0 : i32
    %scan3A_64 = arith.constant 64 : i32
    %scan3A_65 = arith.addi %scan3A, %scan3A_64 : i32
    %scan3A_66 = arith.constant 1 : i32
    %scan3A_67:32 = scf.for %scan3A_490 = %scan3A to %scan3A_65 step %scan3A_66 iter_args(%scan3A_491 = %broadcast_in_dim3A_1, %scan3A_492 = %broadcast_in_dim3A_3, %scan3A_493 = %broadcast_in_dim3A_5, %scan3A_494 = %broadcast_in_dim3A_7, %scan3A_495 = %broadcast_in_dim3A_9, %scan3A_496 = %broadcast_in_dim3A_11, %scan3A_497 = %broadcast_in_dim3A_13, %scan3A_498 = %broadcast_in_dim3A_15, %scan3A_499 = %broadcast_in_dim3A_17, %scan3A_500 = %broadcast_in_dim3A_19, %scan3A_501 = %broadcast_in_dim3A_21, %scan3A_502 = %broadcast_in_dim3A_23, %scan3A_503 = %broadcast_in_dim3A_25, %scan3A_504 = %broadcast_in_dim3A_27, %scan3A_505 = %broadcast_in_dim3A_29, %scan3A_506 = %broadcast_in_dim3A_31, %scan3A_507 = %broadcast_in_dim3A_33, %scan3A_508 = %broadcast_in_dim3A_35, %scan3A_509 = %broadcast_in_dim3A_37, %scan3A_510 = %broadcast_in_dim3A_39, %scan3A_511 = %broadcast_in_dim3A_41, %scan3A_512 = %broadcast_in_dim3A_43, %scan3A_513 = %broadcast_in_dim3A_45, %scan3A_514 = %broadcast_in_dim3A_47, %scan3A_515 = %broadcast_in_dim3A_49, %scan3A_516 = %broadcast_in_dim3A_51, %scan3A_517 = %broadcast_in_dim3A_53, %scan3A_518 = %broadcast_in_dim3A_55, %scan3A_519 = %broadcast_in_dim3A_57, %scan3A_520 = %broadcast_in_dim3A_59, %scan3A_521 = %broadcast_in_dim3A_61, %scan3A_522 = %broadcast_in_dim3A_63) -> (vector<16xf32>, vector<16xf32>, vector<16xf32>, vector<16xf32>, vector<16xf32>, vector<16xf32>, vector<16xf32>, vector<16xf32>, vector<16xf32>, vector<16xf32>, vector<16xf32>, vector<16xf32>, vector<16xf32>, vector<16xf32>, vector<16xf32>, vector<16xf32>, vector<16xf32>, vector<16xf32>, vector<16xf32>, vector<16xf32>, vector<16xf32>, vector<16xf32>, vector<16xf32>, vector<16xf32>, vector<16xf32>, vector<16xf32>, vector<16xf32>, vector<16xf32>, vector<16xf32>, vector<16xf32>, vector<16xf32>, vector<16xf32>)  : i32 {
      %mul3A_523 = arith.constant 512 : i32
      %mul3A_524 = arith.muli %scan3A_490, %mul3A_523 : i32
      %add3A_525 = arith.constant 0 : i32
      %add3A_526 = arith.addi %mul3A_524, %add3A_525 : i32
      %get3A = arith.index_cast %add3A_526 : i32 to index
      %get3A_527 = tpu.vector_load %arg4[%get3A] {strides = array<i32>} : memref<32768xf32, #tpu.memory_space<vmem>>, vector<16xf32>,
      %get3A_528 = vector.shape_cast %get3A_527 : vector<16xf32> to vector<16xf32>
      %max3A_529 = arith.maximumf %scan3A_491, %get3A_528 : vector<16xf32>
      %add3A_530 = arith.constant 16 : i32
      %add3A_531 = arith.addi %mul3A_524, %add3A_530 : i32
      %get3A_532 = arith.index_cast %add3A_531 : i32 to index
      %get3A_533 = tpu.vector_load %arg4[%get3A_532] {strides = array<i32>} : memref<32768xf32, #tpu.memory_space<vmem>>, vector<16xf32>,
      %get3A_534 = vector.shape_cast %get3A_533 : vector<16xf32> to vector<16xf32>
      %max3A_535 = arith.maximumf %scan3A_492, %get3A_534 : vector<16xf32>
      %add3A_536 = arith.constant 32 : i32
      %add3A_537 = arith.addi %mul3A_524, %add3A_536 : i32
      %get3A_538 = arith.index_cast %add3A_537 : i32 to index
      %get3A_539 = tpu.vector_load %arg4[%get3A_538] {strides = array<i32>} : memref<32768xf32, #tpu.memory_space<vmem>>, vector<16xf32>,
      %get3A_540 = vector.shape_cast %get3A_539 : vector<16xf32> to vector<16xf32>
      %max3A_541 = arith.maximumf %scan3A_493, %get3A_540 : vector<16xf32>
      %add3A_542 = arith.constant 48 : i32
      %add3A_543 = arith.addi %mul3A_524, %add3A_542 : i32
      %get3A_544 = arith.index_cast %add3A_543 : i32 to index
      %get3A_545 = tpu.vector_load %arg4[%get3A_544] {strides = array<i32>} : memref<32768xf32, #tpu.memory_space<vmem>>, vector<16xf32>,
      %get3A_546 = vector.shape_cast %get3A_545 : vector<16xf32> to vector<16xf32>
      %max3A_547 = arith.maximumf %scan3A_494, %get3A_546 : vector<16xf32>
      %add3A_548 = arith.constant 64 : i32
      %add3A_549 = arith.addi %mul3A_524, %add3A_548 : i32
      %get3A_550 = arith.index_cast %add3A_549 : i32 to index
      %get3A_551 = tpu.vector_load %arg4[%get3A_550] {strides = array<i32>} : memref<32768xf32, #tpu.memory_space<vmem>>, vector<16xf32>,
      %get3A_552 = vector.shape_cast %get3A_551 : vector<16xf32> to vector<16xf32>
      %max3A_553 = arith.maximumf %scan3A_495, %get3A_552 : vector<16xf32>
      %add3A_554 = arith.constant 80 : i32
      %add3A_555 = arith.addi %mul3A_524, %add3A_554 : i32
      %get3A_556 = arith.index_cast %add3A_555 : i32 to index
      %get3A_557 = tpu.vector_load %arg4[%get3A_556] {strides = array<i32>} : memref<32768xf32, #tpu.memory_space<vmem>>, vector<16xf32>,
      %get3A_558 = vector.shape_cast %get3A_557 : vector<16xf32> to vector<16xf32>
      %max3A_559 = arith.maximumf %scan3A_496, %get3A_558 : vector<16xf32>
      %add3A_560 = arith.constant 96 : i32
      %add3A_561 = arith.addi %mul3A_524, %add3A_560 : i32
      %get3A_562 = arith.index_cast %add3A_561 : i32 to index
      %get3A_563 = tpu.vector_load %arg4[%get3A_562] {strides = array<i32>} : memref<32768xf32, #tpu.memory_space<vmem>>, vector<16xf32>,
      %get3A_564 = vector.shape_cast %get3A_563 : vector<16xf32> to vector<16xf32>
      %max3A_565 = arith.maximumf %scan3A_497, %get3A_564 : vector<16xf32>
      %add3A_566 = arith.constant 112 : i32
      %add3A_567 = arith.addi %mul3A_524, %add3A_566 : i32
      %get3A_568 = arith.index_cast %add3A_567 : i32 to index
      %get3A_569 = tpu.vector_load %arg4[%get3A_568] {strides = array<i32>} : memref<32768xf32, #tpu.memory_space<vmem>>, vector<16xf32>,
      %get3A_570 = vector.shape_cast %get3A_569 : vector<16xf32> to vector<16xf32>
      %max3A_571 = arith.maximumf %scan3A_498, %get3A_570 : vector<16xf32>
      %add3A_572 = arith.constant 128 : i32
      %add3A_573 = arith.addi %mul3A_524, %add3A_572 : i32
      %get3A_574 = arith.index_cast %add3A_573 : i32 to index
      %get3A_575 = tpu.vector_load %arg4[%get3A_574] {strides = array<i32>} : memref<32768xf32, #tpu.memory_space<vmem>>, vector<16xf32>,
      %get3A_576 = vector.shape_cast %get3A_575 : vector<16xf32> to vector<16xf32>
      %max3A_577 = arith.maximumf %scan3A_499, %get3A_576 : vector<16xf32>
      %add3A_578 = arith.constant 144 : i32
      %add3A_579 = arith.addi %mul3A_524, %add3A_578 : i32
      %get3A_580 = arith.index_cast %add3A_579 : i32 to index
      %get3A_581 = tpu.vector_load %arg4[%get3A_580] {strides = array<i32>} : memref<32768xf32, #tpu.memory_space<vmem>>, vector<16xf32>,
      %get3A_582 = vector.shape_cast %get3A_581 : vector<16xf32> to vector<16xf32>
      %max3A_583 = arith.maximumf %scan3A_500, %get3A_582 : vector<16xf32>
      %add3A_584 = arith.constant 160 : i32
      %add3A_585 = arith.addi %mul3A_524, %add3A_584 : i32
      %get3A_586 = arith.index_cast %add3A_585 : i32 to index
      %get3A_587 = tpu.vector_load %arg4[%get3A_586] {strides = array<i32>} : memref<32768xf32, #tpu.memory_space<vmem>>, vector<16xf32>,
      %get3A_588 = vector.shape_cast %get3A_587 : vector<16xf32> to vector<16xf32>
      %max3A_589 = arith.maximumf %scan3A_501, %get3A_588 : vector<16xf32>
      %add3A_590 = arith.constant 176 : i32
      %add3A_591 = arith.addi %mul3A_524, %add3A_590 : i32
      %get3A_592 = arith.index_cast %add3A_591 : i32 to index
      %get3A_593 = tpu.vector_load %arg4[%get3A_592] {strides = array<i32>} : memref<32768xf32, #tpu.memory_space<vmem>>, vector<16xf32>,
      %get3A_594 = vector.shape_cast %get3A_593 : vector<16xf32> to vector<16xf32>
      %max3A_595 = arith.maximumf %scan3A_502, %get3A_594 : vector<16xf32>
      %add3A_596 = arith.constant 192 : i32
      %add3A_597 = arith.addi %mul3A_524, %add3A_596 : i32
      %get3A_598 = arith.index_cast %add3A_597 : i32 to index
      %get3A_599 = tpu.vector_load %arg4[%get3A_598] {strides = array<i32>} : memref<32768xf32, #tpu.memory_space<vmem>>, vector<16xf32>,
      %get3A_600 = vector.shape_cast %get3A_599 : vector<16xf32> to vector<16xf32>
      %max3A_601 = arith.maximumf %scan3A_503, %get3A_600 : vector<16xf32>
      %add3A_602 = arith.constant 208 : i32
      %add3A_603 = arith.addi %mul3A_524, %add3A_602 : i32
      %get3A_604 = arith.index_cast %add3A_603 : i32 to index
      %get3A_605 = tpu.vector_load %arg4[%get3A_604] {strides = array<i32>} : memref<32768xf32, #tpu.memory_space<vmem>>, vector<16xf32>,
      %get3A_606 = vector.shape_cast %get3A_605 : vector<16xf32> to vector<16xf32>
      %max3A_607 = arith.maximumf %scan3A_504, %get3A_606 : vector<16xf32>
      %add3A_608 = arith.constant 224 : i32
      %add3A_609 = arith.addi %mul3A_524, %add3A_608 : i32
      %get3A_610 = arith.index_cast %add3A_609 : i32 to index
      %get3A_611 = tpu.vector_load %arg4[%get3A_610] {strides = array<i32>} : memref<32768xf32, #tpu.memory_space<vmem>>, vector<16xf32>,
      %get3A_612 = vector.shape_cast %get3A_611 : vector<16xf32> to vector<16xf32>
      %max3A_613 = arith.maximumf %scan3A_505, %get3A_612 : vector<16xf32>
      %add3A_614 = arith.constant 240 : i32
      %add3A_615 = arith.addi %mul3A_524, %add3A_614 : i32
      %get3A_616 = arith.index_cast %add3A_615 : i32 to index
      %get3A_617 = tpu.vector_load %arg4[%get3A_616] {strides = array<i32>} : memref<32768xf32, #tpu.memory_space<vmem>>, vector<16xf32>,
      %get3A_618 = vector.shape_cast %get3A_617 : vector<16xf32> to vector<16xf32>
      %max3A_619 = arith.maximumf %scan3A_506, %get3A_618 : vector<16xf32>
      %add3A_620 = arith.constant 256 : i32
      %add3A_621 = arith.addi %mul3A_524, %add3A_620 : i32
      %get3A_622 = arith.index_cast %add3A_621 : i32 to index
      %get3A_623 = tpu.vector_load %arg4[%get3A_622] {strides = array<i32>} : memref<32768xf32, #tpu.memory_space<vmem>>, vector<16xf32>,
      %get3A_624 = vector.shape_cast %get3A_623 : vector<16xf32> to vector<16xf32>
      %max3A_625 = arith.maximumf %scan3A_507, %get3A_624 : vector<16xf32>
      %add3A_626 = arith.constant 272 : i32
      %add3A_627 = arith.addi %mul3A_524, %add3A_626 : i32
      %get3A_628 = arith.index_cast %add3A_627 : i32 to index
      %get3A_629 = tpu.vector_load %arg4[%get3A_628] {strides = array<i32>} : memref<32768xf32, #tpu.memory_space<vmem>>, vector<16xf32>,
      %get3A_630 = vector.shape_cast %get3A_629 : vector<16xf32> to vector<16xf32>
      %max3A_631 = arith.maximumf %scan3A_508, %get3A_630 : vector<16xf32>
      %add3A_632 = arith.constant 288 : i32
      %add3A_633 = arith.addi %mul3A_524, %add3A_632 : i32
      %get3A_634 = arith.index_cast %add3A_633 : i32 to index
      %get3A_635 = tpu.vector_load %arg4[%get3A_634] {strides = array<i32>} : memref<32768xf32, #tpu.memory_space<vmem>>, vector<16xf32>,
      %get3A_636 = vector.shape_cast %get3A_635 : vector<16xf32> to vector<16xf32>
      %max3A_637 = arith.maximumf %scan3A_509, %get3A_636 : vector<16xf32>
      %add3A_638 = arith.constant 304 : i32
      %add3A_639 = arith.addi %mul3A_524, %add3A_638 : i32
      %get3A_640 = arith.index_cast %add3A_639 : i32 to index
      %get3A_641 = tpu.vector_load %arg4[%get3A_640] {strides = array<i32>} : memref<32768xf32, #tpu.memory_space<vmem>>, vector<16xf32>,
      %get3A_642 = vector.shape_cast %get3A_641 : vector<16xf32> to vector<16xf32>
      %max3A_643 = arith.maximumf %scan3A_510, %get3A_642 : vector<16xf32>
      %add3A_644 = arith.constant 320 : i32
      %add3A_645 = arith.addi %mul3A_524, %add3A_644 : i32
      %get3A_646 = arith.index_cast %add3A_645 : i32 to index
      %get3A_647 = tpu.vector_load %arg4[%get3A_646] {strides = array<i32>} : memref<32768xf32, #tpu.memory_space<vmem>>, vector<16xf32>,
      %get3A_648 = vector.shape_cast %get3A_647 : vector<16xf32> to vector<16xf32>
      %max3A_649 = arith.maximumf %scan3A_511, %get3A_648 : vector<16xf32>
      %add3A_650 = arith.constant 336 : i32
      %add3A_651 = arith.addi %mul3A_524, %add3A_650 : i32
      %get3A_652 = arith.index_cast %add3A_651 : i32 to index
      %get3A_653 = tpu.vector_load %arg4[%get3A_652] {strides = array<i32>} : memref<32768xf32, #tpu.memory_space<vmem>>, vector<16xf32>,
      %get3A_654 = vector.shape_cast %get3A_653 : vector<16xf32> to vector<16xf32>
      %max3A_655 = arith.maximumf %scan3A_512, %get3A_654 : vector<16xf32>
      %add3A_656 = arith.constant 352 : i32
      %add3A_657 = arith.addi %mul3A_524, %add3A_656 : i32
      %get3A_658 = arith.index_cast %add3A_657 : i32 to index
      %get3A_659 = tpu.vector_load %arg4[%get3A_658] {strides = array<i32>} : memref<32768xf32, #tpu.memory_space<vmem>>, vector<16xf32>,
      %get3A_660 = vector.shape_cast %get3A_659 : vector<16xf32> to vector<16xf32>
      %max3A_661 = arith.maximumf %scan3A_513, %get3A_660 : vector<16xf32>
      %add3A_662 = arith.constant 368 : i32
      %add3A_663 = arith.addi %mul3A_524, %add3A_662 : i32
      %get3A_664 = arith.index_cast %add3A_663 : i32 to index
      %get3A_665 = tpu.vector_load %arg4[%get3A_664] {strides = array<i32>} : memref<32768xf32, #tpu.memory_space<vmem>>, vector<16xf32>,
      %get3A_666 = vector.shape_cast %get3A_665 : vector<16xf32> to vector<16xf32>
      %max3A_667 = arith.maximumf %scan3A_514, %get3A_666 : vector<16xf32>
      %add3A_668 = arith.constant 384 : i32
      %add3A_669 = arith.addi %mul3A_524, %add3A_668 : i32
      %get3A_670 = arith.index_cast %add3A_669 : i32 to index
      %get3A_671 = tpu.vector_load %arg4[%get3A_670] {strides = array<i32>} : memref<32768xf32, #tpu.memory_space<vmem>>, vector<16xf32>,
      %get3A_672 = vector.shape_cast %get3A_671 : vector<16xf32> to vector<16xf32>
      %max3A_673 = arith.maximumf %scan3A_515, %get3A_672 : vector<16xf32>
      %add3A_674 = arith.constant 400 : i32
      %add3A_675 = arith.addi %mul3A_524, %add3A_674 : i32
      %get3A_676 = arith.index_cast %add3A_675 : i32 to index
      %get3A_677 = tpu.vector_load %arg4[%get3A_676] {strides = array<i32>} : memref<32768xf32, #tpu.memory_space<vmem>>, vector<16xf32>,
      %get3A_678 = vector.shape_cast %get3A_677 : vector<16xf32> to vector<16xf32>
      %max3A_679 = arith.maximumf %scan3A_516, %get3A_678 : vector<16xf32>
      %add3A_680 = arith.constant 416 : i32
      %add3A_681 = arith.addi %mul3A_524, %add3A_680 : i32
      %get3A_682 = arith.index_cast %add3A_681 : i32 to index
      %get3A_683 = tpu.vector_load %arg4[%get3A_682] {strides = array<i32>} : memref<32768xf32, #tpu.memory_space<vmem>>, vector<16xf32>,
      %get3A_684 = vector.shape_cast %get3A_683 : vector<16xf32> to vector<16xf32>
      %max3A_685 = arith.maximumf %scan3A_517, %get3A_684 : vector<16xf32>
      %add3A_686 = arith.constant 432 : i32
      %add3A_687 = arith.addi %mul3A_524, %add3A_686 : i32
      %get3A_688 = arith.index_cast %add3A_687 : i32 to index
      %get3A_689 = tpu.vector_load %arg4[%get3A_688] {strides = array<i32>} : memref<32768xf32, #tpu.memory_space<vmem>>, vector<16xf32>,
      %get3A_690 = vector.shape_cast %get3A_689 : vector<16xf32> to vector<16xf32>
      %max3A_691 = arith.maximumf %scan3A_518, %get3A_690 : vector<16xf32>
      %add3A_692 = arith.constant 448 : i32
      %add3A_693 = arith.addi %mul3A_524, %add3A_692 : i32
      %get3A_694 = arith.index_cast %add3A_693 : i32 to index
      %get3A_695 = tpu.vector_load %arg4[%get3A_694] {strides = array<i32>} : memref<32768xf32, #tpu.memory_space<vmem>>, vector<16xf32>,
      %get3A_696 = vector.shape_cast %get3A_695 : vector<16xf32> to vector<16xf32>
      %max3A_697 = arith.maximumf %scan3A_519, %get3A_696 : vector<16xf32>
      %add3A_698 = arith.constant 464 : i32
      %add3A_699 = arith.addi %mul3A_524, %add3A_698 : i32
      %get3A_700 = arith.index_cast %add3A_699 : i32 to index
      %get3A_701 = tpu.vector_load %arg4[%get3A_700] {strides = array<i32>} : memref<32768xf32, #tpu.memory_space<vmem>>, vector<16xf32>,
      %get3A_702 = vector.shape_cast %get3A_701 : vector<16xf32> to vector<16xf32>
      %max3A_703 = arith.maximumf %scan3A_520, %get3A_702 : vector<16xf32>
      %add3A_704 = arith.constant 480 : i32
      %add3A_705 = arith.addi %mul3A_524, %add3A_704 : i32
      %get3A_706 = arith.index_cast %add3A_705 : i32 to index
      %get3A_707 = tpu.vector_load %arg4[%get3A_706] {strides = array<i32>} : memref<32768xf32, #tpu.memory_space<vmem>>, vector<16xf32>,
      %get3A_708 = vector.shape_cast %get3A_707 : vector<16xf32> to vector<16xf32>
      %max3A_709 = arith.maximumf %scan3A_521, %get3A_708 : vector<16xf32>
      %add3A_710 = arith.constant 496 : i32
      %add3A_711 = arith.addi %mul3A_524, %add3A_710 : i32
      %get3A_712 = arith.index_cast %add3A_711 : i32 to index
      %get3A_713 = tpu.vector_load %arg4[%get3A_712] {strides = array<i32>} : memref<32768xf32, #tpu.memory_space<vmem>>, vector<16xf32>,
      %get3A_714 = vector.shape_cast %get3A_713 : vector<16xf32> to vector<16xf32>
      %max3A_715 = arith.maximumf %scan3A_522, %get3A_714 : vector<16xf32>
      scf.yield %max3A_529, %max3A_535, %max3A_541, %max3A_547, %max3A_553, %max3A_559, %max3A_565, %max3A_571, %max3A_577, %max3A_583, %max3A_589, %max3A_595, %max3A_601, %max3A_607, %max3A_613, %max3A_619, %max3A_625, %max3A_631, %max3A_637, %max3A_643, %max3A_649, %max3A_655, %max3A_661, %max3A_667, %max3A_673, %max3A_679, %max3A_685, %max3A_691, %max3A_697, %max3A_703, %max3A_709, %max3A_715 : vector<16xf32>, vector<16xf32>, vector<16xf32>, vector<16xf32>, vector<16xf32>, vector<16xf32>, vector<16xf32>, vector<16xf32>, vector<16xf32>, vector<16xf32>, vector<16xf32>, vector<16xf32>, vector<16xf32>, vector<16xf32>, vector<16xf32>, vector<16xf32>, vector<16xf32>, vector<16xf32>, vector<16xf32>, vector<16xf32>, vector<16xf32>, vector<16xf32>, vector<16xf32>, vector<16xf32>, vector<16xf32>, vector<16xf32>, vector<16xf32>, vector<16xf32>, vector<16xf32>, vector<16xf32>, vector<16xf32>, vector<16xf32>
    }
    %scan3A_68 = arith.constant 64 : i32
    %max3A = arith.maximumf %scan3A_67#0, %scan3A_67#1 : vector<16xf32>
    %max3A_69 = arith.maximumf %max3A, %scan3A_67#2 : vector<16xf32>
    %max3A_70 = arith.maximumf %max3A_69, %scan3A_67#3 : vector<16xf32>
    %max3A_71 = arith.maximumf %max3A_70, %scan3A_67#4 : vector<16xf32>
    %max3A_72 = arith.maximumf %max3A_71, %scan3A_67#5 : vector<16xf32>
    %max3A_73 = arith.maximumf %max3A_72, %scan3A_67#6 : vector<16xf32>
    %max3A_74 = arith.maximumf %max3A_73, %scan3A_67#7 : vector<16xf32>
    %max3A_75 = arith.maximumf %max3A_74, %scan3A_67#8 : vector<16xf32>
    %max3A_76 = arith.maximumf %max3A_75, %scan3A_67#9 : vector<16xf32>
    %max3A_77 = arith.maximumf %max3A_76, %scan3A_67#10 : vector<16xf32>
    %max3A_78 = arith.maximumf %max3A_77, %scan3A_67#11 : vector<16xf32>
    %max3A_79 = arith.maximumf %max3A_78, %scan3A_67#12 : vector<16xf32>
    %max3A_80 = arith.maximumf %max3A_79, %scan3A_67#13 : vector<16xf32>
    %max3A_81 = arith.maximumf %max3A_80, %scan3A_67#14 : vector<16xf32>
    %max3A_82 = arith.maximumf %max3A_81, %scan3A_67#15 : vector<16xf32>
    %max3A_83 = arith.maximumf %max3A_82, %scan3A_67#16 : vector<16xf32>
    %max3A_84 = arith.maximumf %max3A_83, %scan3A_67#17 : vector<16xf32>
    %max3A_85 = arith.maximumf %max3A_84, %scan3A_67#18 : vector<16xf32>
    %max3A_86 = arith.maximumf %max3A_85, %scan3A_67#19 : vector<16xf32>
    %max3A_87 = arith.maximumf %max3A_86, %scan3A_67#20 : vector<16xf32>
    %max3A_88 = arith.maximumf %max3A_87, %scan3A_67#21 : vector<16xf32>
    %max3A_89 = arith.maximumf %max3A_88, %scan3A_67#22 : vector<16xf32>
    %max3A_90 = arith.maximumf %max3A_89, %scan3A_67#23 : vector<16xf32>
    %max3A_91 = arith.maximumf %max3A_90, %scan3A_67#24 : vector<16xf32>
    %max3A_92 = arith.maximumf %max3A_91, %scan3A_67#25 : vector<16xf32>
    %max3A_93 = arith.maximumf %max3A_92, %scan3A_67#26 : vector<16xf32>
    %max3A_94 = arith.maximumf %max3A_93, %scan3A_67#27 : vector<16xf32>
    %max3A_95 = arith.maximumf %max3A_94, %scan3A_67#28 : vector<16xf32>
    %max3A_96 = arith.maximumf %max3A_95, %scan3A_67#29 : vector<16xf32>
    %max3A_97 = arith.maximumf %max3A_96, %scan3A_67#30 : vector<16xf32>
    %max3A_98 = arith.maximumf %max3A_97, %scan3A_67#31 : vector<16xf32>
    %slice3A = vector.extract_strided_slice %max3A_98 {offsets = [0], sizes = [1], strides = [1]} : vector<16xf32> to vector<1xf32>
    %squeeze3A = vector.extract %slice3A[0] : f32 from vector<1xf32>
    %slice3A_99 = vector.extract_strided_slice %max3A_98 {offsets = [1], sizes = [1], strides = [1]} : vector<16xf32> to vector<1xf32>
    %squeeze3A_100 = vector.extract %slice3A_99[0] : f32 from vector<1xf32>
    %max3A_101 = arith.maximumf %squeeze3A, %squeeze3A_100 : f32
    %slice3A_102 = vector.extract_strided_slice %max3A_98 {offsets = [2], sizes = [1], strides = [1]} : vector<16xf32> to vector<1xf32>
    %squeeze3A_103 = vector.extract %slice3A_102[0] : f32 from vector<1xf32>
    %max3A_104 = arith.maximumf %max3A_101, %squeeze3A_103 : f32
    %slice3A_105 = vector.extract_strided_slice %max3A_98 {offsets = [3], sizes = [1], strides = [1]} : vector<16xf32> to vector<1xf32>
    %squeeze3A_106 = vector.extract %slice3A_105[0] : f32 from vector<1xf32>
    %max3A_107 = arith.maximumf %max3A_104, %squeeze3A_106 : f32
    %slice3A_108 = vector.extract_strided_slice %max3A_98 {offsets = [4], sizes = [1], strides = [1]} : vector<16xf32> to vector<1xf32>
    %squeeze3A_109 = vector.extract %slice3A_108[0] : f32 from vector<1xf32>
    %max3A_110 = arith.maximumf %max3A_107, %squeeze3A_109 : f32
    %slice3A_111 = vector.extract_strided_slice %max3A_98 {offsets = [5], sizes = [1], strides = [1]} : vector<16xf32> to vector<1xf32>
    %squeeze3A_112 = vector.extract %slice3A_111[0] : f32 from vector<1xf32>
    %max3A_113 = arith.maximumf %max3A_110, %squeeze3A_112 : f32
    %slice3A_114 = vector.extract_strided_slice %max3A_98 {offsets = [6], sizes = [1], strides = [1]} : vector<16xf32> to vector<1xf32>
    %squeeze3A_115 = vector.extract %slice3A_114[0] : f32 from vector<1xf32>
    %max3A_116 = arith.maximumf %max3A_113, %squeeze3A_115 : f32
    %slice3A_117 = vector.extract_strided_slice %max3A_98 {offsets = [7], sizes = [1], strides = [1]} : vector<16xf32> to vector<1xf32>
    %squeeze3A_118 = vector.extract %slice3A_117[0] : f32 from vector<1xf32>
    %max3A_119 = arith.maximumf %max3A_116, %squeeze3A_118 : f32
    %slice3A_120 = vector.extract_strided_slice %max3A_98 {offsets = [8], sizes = [1], strides = [1]} : vector<16xf32> to vector<1xf32>
    %squeeze3A_121 = vector.extract %slice3A_120[0] : f32 from vector<1xf32>
    %max3A_122 = arith.maximumf %max3A_119, %squeeze3A_121 : f32
    %slice3A_123 = vector.extract_strided_slice %max3A_98 {offsets = [9], sizes = [1], strides = [1]} : vector<16xf32> to vector<1xf32>
    %squeeze3A_124 = vector.extract %slice3A_123[0] : f32 from vector<1xf32>
    %max3A_125 = arith.maximumf %max3A_122, %squeeze3A_124 : f32
    %slice3A_126 = vector.extract_strided_slice %max3A_98 {offsets = [10], sizes = [1], strides = [1]} : vector<16xf32> to vector<1xf32>
    %squeeze3A_127 = vector.extract %slice3A_126[0] : f32 from vector<1xf32>
    %max3A_128 = arith.maximumf %max3A_125, %squeeze3A_127 : f32
    %slice3A_129 = vector.extract_strided_slice %max3A_98 {offsets = [11], sizes = [1], strides = [1]} : vector<16xf32> to vector<1xf32>
    %squeeze3A_130 = vector.extract %slice3A_129[0] : f32 from vector<1xf32>
    %max3A_131 = arith.maximumf %max3A_128, %squeeze3A_130 : f32
    %slice3A_132 = vector.extract_strided_slice %max3A_98 {offsets = [12], sizes = [1], strides = [1]} : vector<16xf32> to vector<1xf32>
    %squeeze3A_133 = vector.extract %slice3A_132[0] : f32 from vector<1xf32>
    %max3A_134 = arith.maximumf %max3A_131, %squeeze3A_133 : f32
    %slice3A_135 = vector.extract_strided_slice %max3A_98 {offsets = [13], sizes = [1], strides = [1]} : vector<16xf32> to vector<1xf32>
    %squeeze3A_136 = vector.extract %slice3A_135[0] : f32 from vector<1xf32>
    %max3A_137 = arith.maximumf %max3A_134, %squeeze3A_136 : f32
    %slice3A_138 = vector.extract_strided_slice %max3A_98 {offsets = [14], sizes = [1], strides = [1]} : vector<16xf32> to vector<1xf32>
    %squeeze3A_139 = vector.extract %slice3A_138[0] : f32 from vector<1xf32>
    %max3A_140 = arith.maximumf %max3A_137, %squeeze3A_139 : f32
    %slice3A_141 = vector.extract_strided_slice %max3A_98 {offsets = [15], sizes = [1], strides = [1]} : vector<16xf32> to vector<1xf32>
    %squeeze3A_142 = vector.extract %slice3A_141[0] : f32 from vector<1xf32>
    %max3A_143 = arith.maximumf %max3A_140, %squeeze3A_142 : f32
    %broadcast_in_dim3A_144 = vector.broadcast %max3A_143 : f32 to vector<16xf32>
    %sub3A = arith.constant 1.000000e+00 : f32
    %sub3A_145 = vector.broadcast %sub3A : f32 to vector<16xf32>
    %sub3A_146 = arith.subf %broadcast_in_dim3A_144, %sub3A_145 : vector<16xf32>
    %broadcast_in_dim3A_147 = arith.constant 0.000000e+00 : f32
    %broadcast_in_dim3A_148 = vector.broadcast %broadcast_in_dim3A_147 : f32 to vector<16xf32>
    %broadcast_in_dim3A_149 = arith.constant 0.000000e+00 : f32
    %broadcast_in_dim3A_150 = vector.broadcast %broadcast_in_dim3A_149 : f32 to vector<16xf32>
    %broadcast_in_dim3A_151 = arith.constant 0.000000e+00 : f32
    %broadcast_in_dim3A_152 = vector.broadcast %broadcast_in_dim3A_151 : f32 to vector<16xf32>
    %broadcast_in_dim3A_153 = arith.constant 0.000000e+00 : f32
    %broadcast_in_dim3A_154 = vector.broadcast %broadcast_in_dim3A_153 : f32 to vector<16xf32>
    %broadcast_in_dim3A_155 = arith.constant 0.000000e+00 : f32
    %broadcast_in_dim3A_156 = vector.broadcast %broadcast_in_dim3A_155 : f32 to vector<16xf32>
    %broadcast_in_dim3A_157 = arith.constant 0.000000e+00 : f32
    %broadcast_in_dim3A_158 = vector.broadcast %broadcast_in_dim3A_157 : f32 to vector<16xf32>
    %broadcast_in_dim3A_159 = arith.constant 0.000000e+00 : f32
    %broadcast_in_dim3A_160 = vector.broadcast %broadcast_in_dim3A_159 : f32 to vector<16xf32>
    %broadcast_in_dim3A_161 = arith.constant 0.000000e+00 : f32
    %broadcast_in_dim3A_162 = vector.broadcast %broadcast_in_dim3A_161 : f32 to vector<16xf32>
    %broadcast_in_dim3A_163 = arith.constant 0.000000e+00 : f32
    %broadcast_in_dim3A_164 = vector.broadcast %broadcast_in_dim3A_163 : f32 to vector<16xf32>
    %broadcast_in_dim3A_165 = arith.constant 0.000000e+00 : f32
    %broadcast_in_dim3A_166 = vector.broadcast %broadcast_in_dim3A_165 : f32 to vector<16xf32>
    %broadcast_in_dim3A_167 = arith.constant 0.000000e+00 : f32
    %broadcast_in_dim3A_168 = vector.broadcast %broadcast_in_dim3A_167 : f32 to vector<16xf32>
    %broadcast_in_dim3A_169 = arith.constant 0.000000e+00 : f32
    %broadcast_in_dim3A_170 = vector.broadcast %broadcast_in_dim3A_169 : f32 to vector<16xf32>
    %broadcast_in_dim3A_171 = arith.constant 0.000000e+00 : f32
    %broadcast_in_dim3A_172 = vector.broadcast %broadcast_in_dim3A_171 : f32 to vector<16xf32>
    %broadcast_in_dim3A_173 = arith.constant 0.000000e+00 : f32
    %broadcast_in_dim3A_174 = vector.broadcast %broadcast_in_dim3A_173 : f32 to vector<16xf32>
    %broadcast_in_dim3A_175 = arith.constant 0.000000e+00 : f32
    %broadcast_in_dim3A_176 = vector.broadcast %broadcast_in_dim3A_175 : f32 to vector<16xf32>
    %broadcast_in_dim3A_177 = arith.constant 0.000000e+00 : f32
    %broadcast_in_dim3A_178 = vector.broadcast %broadcast_in_dim3A_177 : f32 to vector<16xf32>
    %broadcast_in_dim3A_179 = arith.constant 0.000000e+00 : f32
    %broadcast_in_dim3A_180 = vector.broadcast %broadcast_in_dim3A_179 : f32 to vector<16xf32>
    %broadcast_in_dim3A_181 = arith.constant 0.000000e+00 : f32
    %broadcast_in_dim3A_182 = vector.broadcast %broadcast_in_dim3A_181 : f32 to vector<16xf32>
    %broadcast_in_dim3A_183 = arith.constant 0.000000e+00 : f32
    %broadcast_in_dim3A_184 = vector.broadcast %broadcast_in_dim3A_183 : f32 to vector<16xf32>
    %broadcast_in_dim3A_185 = arith.constant 0.000000e+00 : f32
    %broadcast_in_dim3A_186 = vector.broadcast %broadcast_in_dim3A_185 : f32 to vector<16xf32>
    %broadcast_in_dim3A_187 = arith.constant 0.000000e+00 : f32
    %broadcast_in_dim3A_188 = vector.broadcast %broadcast_in_dim3A_187 : f32 to vector<16xf32>
    %broadcast_in_dim3A_189 = arith.constant 0.000000e+00 : f32
    %broadcast_in_dim3A_190 = vector.broadcast %broadcast_in_dim3A_189 : f32 to vector<16xf32>
    %broadcast_in_dim3A_191 = arith.constant 0.000000e+00 : f32
    %broadcast_in_dim3A_192 = vector.broadcast %broadcast_in_dim3A_191 : f32 to vector<16xf32>
    %broadcast_in_dim3A_193 = arith.constant 0.000000e+00 : f32
    %broadcast_in_dim3A_194 = vector.broadcast %broadcast_in_dim3A_193 : f32 to vector<16xf32>
    %broadcast_in_dim3A_195 = arith.constant 0.000000e+00 : f32
    %broadcast_in_dim3A_196 = vector.broadcast %broadcast_in_dim3A_195 : f32 to vector<16xf32>
    %broadcast_in_dim3A_197 = arith.constant 0.000000e+00 : f32
    %broadcast_in_dim3A_198 = vector.broadcast %broadcast_in_dim3A_197 : f32 to vector<16xf32>
    %broadcast_in_dim3A_199 = arith.constant 0.000000e+00 : f32
    %broadcast_in_dim3A_200 = vector.broadcast %broadcast_in_dim3A_199 : f32 to vector<16xf32>
    %broadcast_in_dim3A_201 = arith.constant 0.000000e+00 : f32
    %broadcast_in_dim3A_202 = vector.broadcast %broadcast_in_dim3A_201 : f32 to vector<16xf32>
    %broadcast_in_dim3A_203 = arith.constant 0.000000e+00 : f32
    %broadcast_in_dim3A_204 = vector.broadcast %broadcast_in_dim3A_203 : f32 to vector<16xf32>
    %broadcast_in_dim3A_205 = arith.constant 0.000000e+00 : f32
    %broadcast_in_dim3A_206 = vector.broadcast %broadcast_in_dim3A_205 : f32 to vector<16xf32>
    %broadcast_in_dim3A_207 = arith.constant 0.000000e+00 : f32
    %broadcast_in_dim3A_208 = vector.broadcast %broadcast_in_dim3A_207 : f32 to vector<16xf32>
    %broadcast_in_dim3A_209 = arith.constant 0.000000e+00 : f32
    %broadcast_in_dim3A_210 = vector.broadcast %broadcast_in_dim3A_209 : f32 to vector<16xf32>
    %scan3A_211 = arith.constant 0 : i32
    %scan3A_212 = arith.constant 64 : i32
    %scan3A_213 = arith.addi %scan3A_211, %scan3A_212 : i32
    %scan3A_214 = arith.constant 1 : i32
    %scan3A_215:32 = scf.for %scan3A_490 = %scan3A_211 to %scan3A_213 step %scan3A_214 iter_args(%scan3A_491 = %broadcast_in_dim3A_148, %scan3A_492 = %broadcast_in_dim3A_150, %scan3A_493 = %broadcast_in_dim3A_152, %scan3A_494 = %broadcast_in_dim3A_154, %scan3A_495 = %broadcast_in_dim3A_156, %scan3A_496 = %broadcast_in_dim3A_158, %scan3A_497 = %broadcast_in_dim3A_160, %scan3A_498 = %broadcast_in_dim3A_162, %scan3A_499 = %broadcast_in_dim3A_164, %scan3A_500 = %broadcast_in_dim3A_166, %scan3A_501 = %broadcast_in_dim3A_168, %scan3A_502 = %broadcast_in_dim3A_170, %scan3A_503 = %broadcast_in_dim3A_172, %scan3A_504 = %broadcast_in_dim3A_174, %scan3A_505 = %broadcast_in_dim3A_176, %scan3A_506 = %broadcast_in_dim3A_178, %scan3A_507 = %broadcast_in_dim3A_180, %scan3A_508 = %broadcast_in_dim3A_182, %scan3A_509 = %broadcast_in_dim3A_184, %scan3A_510 = %broadcast_in_dim3A_186, %scan3A_511 = %broadcast_in_dim3A_188, %scan3A_512 = %broadcast_in_dim3A_190, %scan3A_513 = %broadcast_in_dim3A_192, %scan3A_514 = %broadcast_in_dim3A_194, %scan3A_515 = %broadcast_in_dim3A_196, %scan3A_516 = %broadcast_in_dim3A_198, %scan3A_517 = %broadcast_in_dim3A_200, %scan3A_518 = %broadcast_in_dim3A_202, %scan3A_519 = %broadcast_in_dim3A_204, %scan3A_520 = %broadcast_in_dim3A_206, %scan3A_521 = %broadcast_in_dim3A_208, %scan3A_522 = %broadcast_in_dim3A_210) -> (vector<16xf32>, vector<16xf32>, vector<16xf32>, vector<16xf32>, vector<16xf32>, vector<16xf32>, vector<16xf32>, vector<16xf32>, vector<16xf32>, vector<16xf32>, vector<16xf32>, vector<16xf32>, vector<16xf32>, vector<16xf32>, vector<16xf32>, vector<16xf32>, vector<16xf32>, vector<16xf32>, vector<16xf32>, vector<16xf32>, vector<16xf32>, vector<16xf32>, vector<16xf32>, vector<16xf32>, vector<16xf32>, vector<16xf32>, vector<16xf32>, vector<16xf32>, vector<16xf32>, vector<16xf32>, vector<16xf32>, vector<16xf32>)  : i32 {
      %mul3A_523 = arith.constant 512 : i32
      %mul3A_524 = arith.muli %scan3A_490, %mul3A_523 : i32
      %add3A_525 = arith.constant 0 : i32
      %add3A_526 = arith.addi %mul3A_524, %add3A_525 : i32
      %get3A = arith.index_cast %add3A_526 : i32 to index
      %get3A_527 = tpu.vector_load %arg4[%get3A] {strides = array<i32>} : memref<32768xf32, #tpu.memory_space<vmem>>, vector<16xf32>,
      %get3A_528 = vector.shape_cast %get3A_527 : vector<16xf32> to vector<16xf32>
      %sub3A_529 = arith.subf %get3A_528, %sub3A_146 : vector<16xf32>
      %max3A_530 = arith.constant 0.000000e+00 : f32
      %max3A_531 = vector.broadcast %max3A_530 : f32 to vector<16xf32>
      %max3A_532 = arith.maximumf %sub3A_529, %max3A_531 : vector<16xf32>
      %add3A_533 = arith.addf %scan3A_491, %max3A_532 : vector<16xf32>
      %add3A_534 = arith.constant 16 : i32
      %add3A_535 = arith.addi %mul3A_524, %add3A_534 : i32
      %get3A_536 = arith.index_cast %add3A_535 : i32 to index
      %get3A_537 = tpu.vector_load %arg4[%get3A_536] {strides = array<i32>} : memref<32768xf32, #tpu.memory_space<vmem>>, vector<16xf32>,
      %get3A_538 = vector.shape_cast %get3A_537 : vector<16xf32> to vector<16xf32>
      %sub3A_539 = arith.subf %get3A_538, %sub3A_146 : vector<16xf32>
      %max3A_540 = arith.constant 0.000000e+00 : f32
      %max3A_541 = vector.broadcast %max3A_540 : f32 to vector<16xf32>
      %max3A_542 = arith.maximumf %sub3A_539, %max3A_541 : vector<16xf32>
      %add3A_543 = arith.addf %scan3A_492, %max3A_542 : vector<16xf32>
      %add3A_544 = arith.constant 32 : i32
      %add3A_545 = arith.addi %mul3A_524, %add3A_544 : i32
      %get3A_546 = arith.index_cast %add3A_545 : i32 to index
      %get3A_547 = tpu.vector_load %arg4[%get3A_546] {strides = array<i32>} : memref<32768xf32, #tpu.memory_space<vmem>>, vector<16xf32>,
      %get3A_548 = vector.shape_cast %get3A_547 : vector<16xf32> to vector<16xf32>
      %sub3A_549 = arith.subf %get3A_548, %sub3A_146 : vector<16xf32>
      %max3A_550 = arith.constant 0.000000e+00 : f32
      %max3A_551 = vector.broadcast %max3A_550 : f32 to vector<16xf32>
      %max3A_552 = arith.maximumf %sub3A_549, %max3A_551 : vector<16xf32>
      %add3A_553 = arith.addf %scan3A_493, %max3A_552 : vector<16xf32>
      %add3A_554 = arith.constant 48 : i32
      %add3A_555 = arith.addi %mul3A_524, %add3A_554 : i32
      %get3A_556 = arith.index_cast %add3A_555 : i32 to index
      %get3A_557 = tpu.vector_load %arg4[%get3A_556] {strides = array<i32>} : memref<32768xf32, #tpu.memory_space<vmem>>, vector<16xf32>,
      %get3A_558 = vector.shape_cast %get3A_557 : vector<16xf32> to vector<16xf32>
      %sub3A_559 = arith.subf %get3A_558, %sub3A_146 : vector<16xf32>
      %max3A_560 = arith.constant 0.000000e+00 : f32
      %max3A_561 = vector.broadcast %max3A_560 : f32 to vector<16xf32>
      %max3A_562 = arith.maximumf %sub3A_559, %max3A_561 : vector<16xf32>
      %add3A_563 = arith.addf %scan3A_494, %max3A_562 : vector<16xf32>
      %add3A_564 = arith.constant 64 : i32
      %add3A_565 = arith.addi %mul3A_524, %add3A_564 : i32
      %get3A_566 = arith.index_cast %add3A_565 : i32 to index
      %get3A_567 = tpu.vector_load %arg4[%get3A_566] {strides = array<i32>} : memref<32768xf32, #tpu.memory_space<vmem>>, vector<16xf32>,
      %get3A_568 = vector.shape_cast %get3A_567 : vector<16xf32> to vector<16xf32>
      %sub3A_569 = arith.subf %get3A_568, %sub3A_146 : vector<16xf32>
      %max3A_570 = arith.constant 0.000000e+00 : f32
      %max3A_571 = vector.broadcast %max3A_570 : f32 to vector<16xf32>
      %max3A_572 = arith.maximumf %sub3A_569, %max3A_571 : vector<16xf32>
      %add3A_573 = arith.addf %scan3A_495, %max3A_572 : vector<16xf32>
      %add3A_574 = arith.constant 80 : i32
      %add3A_575 = arith.addi %mul3A_524, %add3A_574 : i32
      %get3A_576 = arith.index_cast %add3A_575 : i32 to index
      %get3A_577 = tpu.vector_load %arg4[%get3A_576] {strides = array<i32>} : memref<32768xf32, #tpu.memory_space<vmem>>, vector<16xf32>,
      %get3A_578 = vector.shape_cast %get3A_577 : vector<16xf32> to vector<16xf32>
      %sub3A_579 = arith.subf %get3A_578, %sub3A_146 : vector<16xf32>
      %max3A_580 = arith.constant 0.000000e+00 : f32
      %max3A_581 = vector.broadcast %max3A_580 : f32 to vector<16xf32>
      %max3A_582 = arith.maximumf %sub3A_579, %max3A_581 : vector<16xf32>
      %add3A_583 = arith.addf %scan3A_496, %max3A_582 : vector<16xf32>
      %add3A_584 = arith.constant 96 : i32
      %add3A_585 = arith.addi %mul3A_524, %add3A_584 : i32
      %get3A_586 = arith.index_cast %add3A_585 : i32 to index
      %get3A_587 = tpu.vector_load %arg4[%get3A_586] {strides = array<i32>} : memref<32768xf32, #tpu.memory_space<vmem>>, vector<16xf32>,
      %get3A_588 = vector.shape_cast %get3A_587 : vector<16xf32> to vector<16xf32>
      %sub3A_589 = arith.subf %get3A_588, %sub3A_146 : vector<16xf32>
      %max3A_590 = arith.constant 0.000000e+00 : f32
      %max3A_591 = vector.broadcast %max3A_590 : f32 to vector<16xf32>
      %max3A_592 = arith.maximumf %sub3A_589, %max3A_591 : vector<16xf32>
      %add3A_593 = arith.addf %scan3A_497, %max3A_592 : vector<16xf32>
      %add3A_594 = arith.constant 112 : i32
      %add3A_595 = arith.addi %mul3A_524, %add3A_594 : i32
      %get3A_596 = arith.index_cast %add3A_595 : i32 to index
      %get3A_597 = tpu.vector_load %arg4[%get3A_596] {strides = array<i32>} : memref<32768xf32, #tpu.memory_space<vmem>>, vector<16xf32>,
      %get3A_598 = vector.shape_cast %get3A_597 : vector<16xf32> to vector<16xf32>
      %sub3A_599 = arith.subf %get3A_598, %sub3A_146 : vector<16xf32>
      %max3A_600 = arith.constant 0.000000e+00 : f32
      %max3A_601 = vector.broadcast %max3A_600 : f32 to vector<16xf32>
      %max3A_602 = arith.maximumf %sub3A_599, %max3A_601 : vector<16xf32>
      %add3A_603 = arith.addf %scan3A_498, %max3A_602 : vector<16xf32>
      %add3A_604 = arith.constant 128 : i32
      %add3A_605 = arith.addi %mul3A_524, %add3A_604 : i32
      %get3A_606 = arith.index_cast %add3A_605 : i32 to index
      %get3A_607 = tpu.vector_load %arg4[%get3A_606] {strides = array<i32>} : memref<32768xf32, #tpu.memory_space<vmem>>, vector<16xf32>,
      %get3A_608 = vector.shape_cast %get3A_607 : vector<16xf32> to vector<16xf32>
      %sub3A_609 = arith.subf %get3A_608, %sub3A_146 : vector<16xf32>
      %max3A_610 = arith.constant 0.000000e+00 : f32
      %max3A_611 = vector.broadcast %max3A_610 : f32 to vector<16xf32>
      %max3A_612 = arith.maximumf %sub3A_609, %max3A_611 : vector<16xf32>
      %add3A_613 = arith.addf %scan3A_499, %max3A_612 : vector<16xf32>
      %add3A_614 = arith.constant 144 : i32
      %add3A_615 = arith.addi %mul3A_524, %add3A_614 : i32
      %get3A_616 = arith.index_cast %add3A_615 : i32 to index
      %get3A_617 = tpu.vector_load %arg4[%get3A_616] {strides = array<i32>} : memref<32768xf32, #tpu.memory_space<vmem>>, vector<16xf32>,
      %get3A_618 = vector.shape_cast %get3A_617 : vector<16xf32> to vector<16xf32>
      %sub3A_619 = arith.subf %get3A_618, %sub3A_146 : vector<16xf32>
      %max3A_620 = arith.constant 0.000000e+00 : f32
      %max3A_621 = vector.broadcast %max3A_620 : f32 to vector<16xf32>
      %max3A_622 = arith.maximumf %sub3A_619, %max3A_621 : vector<16xf32>
      %add3A_623 = arith.addf %scan3A_500, %max3A_622 : vector<16xf32>
      %add3A_624 = arith.constant 160 : i32
      %add3A_625 = arith.addi %mul3A_524, %add3A_624 : i32
      %get3A_626 = arith.index_cast %add3A_625 : i32 to index
      %get3A_627 = tpu.vector_load %arg4[%get3A_626] {strides = array<i32>} : memref<32768xf32, #tpu.memory_space<vmem>>, vector<16xf32>,
      %get3A_628 = vector.shape_cast %get3A_627 : vector<16xf32> to vector<16xf32>
      %sub3A_629 = arith.subf %get3A_628, %sub3A_146 : vector<16xf32>
      %max3A_630 = arith.constant 0.000000e+00 : f32
      %max3A_631 = vector.broadcast %max3A_630 : f32 to vector<16xf32>
      %max3A_632 = arith.maximumf %sub3A_629, %max3A_631 : vector<16xf32>
      %add3A_633 = arith.addf %scan3A_501, %max3A_632 : vector<16xf32>
      %add3A_634 = arith.constant 176 : i32
      %add3A_635 = arith.addi %mul3A_524, %add3A_634 : i32
      %get3A_636 = arith.index_cast %add3A_635 : i32 to index
      %get3A_637 = tpu.vector_load %arg4[%get3A_636] {strides = array<i32>} : memref<32768xf32, #tpu.memory_space<vmem>>, vector<16xf32>,
      %get3A_638 = vector.shape_cast %get3A_637 : vector<16xf32> to vector<16xf32>
      %sub3A_639 = arith.subf %get3A_638, %sub3A_146 : vector<16xf32>
      %max3A_640 = arith.constant 0.000000e+00 : f32
      %max3A_641 = vector.broadcast %max3A_640 : f32 to vector<16xf32>
      %max3A_642 = arith.maximumf %sub3A_639, %max3A_641 : vector<16xf32>
      %add3A_643 = arith.addf %scan3A_502, %max3A_642 : vector<16xf32>
      %add3A_644 = arith.constant 192 : i32
      %add3A_645 = arith.addi %mul3A_524, %add3A_644 : i32
      %get3A_646 = arith.index_cast %add3A_645 : i32 to index
      %get3A_647 = tpu.vector_load %arg4[%get3A_646] {strides = array<i32>} : memref<32768xf32, #tpu.memory_space<vmem>>, vector<16xf32>,
      %get3A_648 = vector.shape_cast %get3A_647 : vector<16xf32> to vector<16xf32>
      %sub3A_649 = arith.subf %get3A_648, %sub3A_146 : vector<16xf32>
      %max3A_650 = arith.constant 0.000000e+00 : f32
      %max3A_651 = vector.broadcast %max3A_650 : f32 to vector<16xf32>
      %max3A_652 = arith.maximumf %sub3A_649, %max3A_651 : vector<16xf32>
      %add3A_653 = arith.addf %scan3A_503, %max3A_652 : vector<16xf32>
      %add3A_654 = arith.constant 208 : i32
      %add3A_655 = arith.addi %mul3A_524, %add3A_654 : i32
      %get3A_656 = arith.index_cast %add3A_655 : i32 to index
      %get3A_657 = tpu.vector_load %arg4[%get3A_656] {strides = array<i32>} : memref<32768xf32, #tpu.memory_space<vmem>>, vector<16xf32>,
      %get3A_658 = vector.shape_cast %get3A_657 : vector<16xf32> to vector<16xf32>
      %sub3A_659 = arith.subf %get3A_658, %sub3A_146 : vector<16xf32>
      %max3A_660 = arith.constant 0.000000e+00 : f32
      %max3A_661 = vector.broadcast %max3A_660 : f32 to vector<16xf32>
      %max3A_662 = arith.maximumf %sub3A_659, %max3A_661 : vector<16xf32>
      %add3A_663 = arith.addf %scan3A_504, %max3A_662 : vector<16xf32>
      %add3A_664 = arith.constant 224 : i32
      %add3A_665 = arith.addi %mul3A_524, %add3A_664 : i32
      %get3A_666 = arith.index_cast %add3A_665 : i32 to index
      %get3A_667 = tpu.vector_load %arg4[%get3A_666] {strides = array<i32>} : memref<32768xf32, #tpu.memory_space<vmem>>, vector<16xf32>,
      %get3A_668 = vector.shape_cast %get3A_667 : vector<16xf32> to vector<16xf32>
      %sub3A_669 = arith.subf %get3A_668, %sub3A_146 : vector<16xf32>
      %max3A_670 = arith.constant 0.000000e+00 : f32
      %max3A_671 = vector.broadcast %max3A_670 : f32 to vector<16xf32>
      %max3A_672 = arith.maximumf %sub3A_669, %max3A_671 : vector<16xf32>
      %add3A_673 = arith.addf %scan3A_505, %max3A_672 : vector<16xf32>
      %add3A_674 = arith.constant 240 : i32
      %add3A_675 = arith.addi %mul3A_524, %add3A_674 : i32
      %get3A_676 = arith.index_cast %add3A_675 : i32 to index
      %get3A_677 = tpu.vector_load %arg4[%get3A_676] {strides = array<i32>} : memref<32768xf32, #tpu.memory_space<vmem>>, vector<16xf32>,
      %get3A_678 = vector.shape_cast %get3A_677 : vector<16xf32> to vector<16xf32>
      %sub3A_679 = arith.subf %get3A_678, %sub3A_146 : vector<16xf32>
      %max3A_680 = arith.constant 0.000000e+00 : f32
      %max3A_681 = vector.broadcast %max3A_680 : f32 to vector<16xf32>
      %max3A_682 = arith.maximumf %sub3A_679, %max3A_681 : vector<16xf32>
      %add3A_683 = arith.addf %scan3A_506, %max3A_682 : vector<16xf32>
      %add3A_684 = arith.constant 256 : i32
      %add3A_685 = arith.addi %mul3A_524, %add3A_684 : i32
      %get3A_686 = arith.index_cast %add3A_685 : i32 to index
      %get3A_687 = tpu.vector_load %arg4[%get3A_686] {strides = array<i32>} : memref<32768xf32, #tpu.memory_space<vmem>>, vector<16xf32>,
      %get3A_688 = vector.shape_cast %get3A_687 : vector<16xf32> to vector<16xf32>
      %sub3A_689 = arith.subf %get3A_688, %sub3A_146 : vector<16xf32>
      %max3A_690 = arith.constant 0.000000e+00 : f32
      %max3A_691 = vector.broadcast %max3A_690 : f32 to vector<16xf32>
      %max3A_692 = arith.maximumf %sub3A_689, %max3A_691 : vector<16xf32>
      %add3A_693 = arith.addf %scan3A_507, %max3A_692 : vector<16xf32>
      %add3A_694 = arith.constant 272 : i32
      %add3A_695 = arith.addi %mul3A_524, %add3A_694 : i32
      %get3A_696 = arith.index_cast %add3A_695 : i32 to index
      %get3A_697 = tpu.vector_load %arg4[%get3A_696] {strides = array<i32>} : memref<32768xf32, #tpu.memory_space<vmem>>, vector<16xf32>,
      %get3A_698 = vector.shape_cast %get3A_697 : vector<16xf32> to vector<16xf32>
      %sub3A_699 = arith.subf %get3A_698, %sub3A_146 : vector<16xf32>
      %max3A_700 = arith.constant 0.000000e+00 : f32
      %max3A_701 = vector.broadcast %max3A_700 : f32 to vector<16xf32>
      %max3A_702 = arith.maximumf %sub3A_699, %max3A_701 : vector<16xf32>
      %add3A_703 = arith.addf %scan3A_508, %max3A_702 : vector<16xf32>
      %add3A_704 = arith.constant 288 : i32
      %add3A_705 = arith.addi %mul3A_524, %add3A_704 : i32
      %get3A_706 = arith.index_cast %add3A_705 : i32 to index
      %get3A_707 = tpu.vector_load %arg4[%get3A_706] {strides = array<i32>} : memref<32768xf32, #tpu.memory_space<vmem>>, vector<16xf32>,
      %get3A_708 = vector.shape_cast %get3A_707 : vector<16xf32> to vector<16xf32>
      %sub3A_709 = arith.subf %get3A_708, %sub3A_146 : vector<16xf32>
      %max3A_710 = arith.constant 0.000000e+00 : f32
      %max3A_711 = vector.broadcast %max3A_710 : f32 to vector<16xf32>
      %max3A_712 = arith.maximumf %sub3A_709, %max3A_711 : vector<16xf32>
      %add3A_713 = arith.addf %scan3A_509, %max3A_712 : vector<16xf32>
      %add3A_714 = arith.constant 304 : i32
      %add3A_715 = arith.addi %mul3A_524, %add3A_714 : i32
      %get3A_716 = arith.index_cast %add3A_715 : i32 to index
      %get3A_717 = tpu.vector_load %arg4[%get3A_716] {strides = array<i32>} : memref<32768xf32, #tpu.memory_space<vmem>>, vector<16xf32>,
      %get3A_718 = vector.shape_cast %get3A_717 : vector<16xf32> to vector<16xf32>
      %sub3A_719 = arith.subf %get3A_718, %sub3A_146 : vector<16xf32>
      %max3A_720 = arith.constant 0.000000e+00 : f32
      %max3A_721 = vector.broadcast %max3A_720 : f32 to vector<16xf32>
      %max3A_722 = arith.maximumf %sub3A_719, %max3A_721 : vector<16xf32>
      %add3A_723 = arith.addf %scan3A_510, %max3A_722 : vector<16xf32>
      %add3A_724 = arith.constant 320 : i32
      %add3A_725 = arith.addi %mul3A_524, %add3A_724 : i32
      %get3A_726 = arith.index_cast %add3A_725 : i32 to index
      %get3A_727 = tpu.vector_load %arg4[%get3A_726] {strides = array<i32>} : memref<32768xf32, #tpu.memory_space<vmem>>, vector<16xf32>,
      %get3A_728 = vector.shape_cast %get3A_727 : vector<16xf32> to vector<16xf32>
      %sub3A_729 = arith.subf %get3A_728, %sub3A_146 : vector<16xf32>
      %max3A_730 = arith.constant 0.000000e+00 : f32
      %max3A_731 = vector.broadcast %max3A_730 : f32 to vector<16xf32>
      %max3A_732 = arith.maximumf %sub3A_729, %max3A_731 : vector<16xf32>
      %add3A_733 = arith.addf %scan3A_511, %max3A_732 : vector<16xf32>
      %add3A_734 = arith.constant 336 : i32
      %add3A_735 = arith.addi %mul3A_524, %add3A_734 : i32
      %get3A_736 = arith.index_cast %add3A_735 : i32 to index
      %get3A_737 = tpu.vector_load %arg4[%get3A_736] {strides = array<i32>} : memref<32768xf32, #tpu.memory_space<vmem>>, vector<16xf32>,
      %get3A_738 = vector.shape_cast %get3A_737 : vector<16xf32> to vector<16xf32>
      %sub3A_739 = arith.subf %get3A_738, %sub3A_146 : vector<16xf32>
      %max3A_740 = arith.constant 0.000000e+00 : f32
      %max3A_741 = vector.broadcast %max3A_740 : f32 to vector<16xf32>
      %max3A_742 = arith.maximumf %sub3A_739, %max3A_741 : vector<16xf32>
      %add3A_743 = arith.addf %scan3A_512, %max3A_742 : vector<16xf32>
      %add3A_744 = arith.constant 352 : i32
      %add3A_745 = arith.addi %mul3A_524, %add3A_744 : i32
      %get3A_746 = arith.index_cast %add3A_745 : i32 to index
      %get3A_747 = tpu.vector_load %arg4[%get3A_746] {strides = array<i32>} : memref<32768xf32, #tpu.memory_space<vmem>>, vector<16xf32>,
      %get3A_748 = vector.shape_cast %get3A_747 : vector<16xf32> to vector<16xf32>
      %sub3A_749 = arith.subf %get3A_748, %sub3A_146 : vector<16xf32>
      %max3A_750 = arith.constant 0.000000e+00 : f32
      %max3A_751 = vector.broadcast %max3A_750 : f32 to vector<16xf32>
      %max3A_752 = arith.maximumf %sub3A_749, %max3A_751 : vector<16xf32>
      %add3A_753 = arith.addf %scan3A_513, %max3A_752 : vector<16xf32>
      %add3A_754 = arith.constant 368 : i32
      %add3A_755 = arith.addi %mul3A_524, %add3A_754 : i32
      %get3A_756 = arith.index_cast %add3A_755 : i32 to index
      %get3A_757 = tpu.vector_load %arg4[%get3A_756] {strides = array<i32>} : memref<32768xf32, #tpu.memory_space<vmem>>, vector<16xf32>,
      %get3A_758 = vector.shape_cast %get3A_757 : vector<16xf32> to vector<16xf32>
      %sub3A_759 = arith.subf %get3A_758, %sub3A_146 : vector<16xf32>
      %max3A_760 = arith.constant 0.000000e+00 : f32
      %max3A_761 = vector.broadcast %max3A_760 : f32 to vector<16xf32>
      %max3A_762 = arith.maximumf %sub3A_759, %max3A_761 : vector<16xf32>
      %add3A_763 = arith.addf %scan3A_514, %max3A_762 : vector<16xf32>
      %add3A_764 = arith.constant 384 : i32
      %add3A_765 = arith.addi %mul3A_524, %add3A_764 : i32
      %get3A_766 = arith.index_cast %add3A_765 : i32 to index
      %get3A_767 = tpu.vector_load %arg4[%get3A_766] {strides = array<i32>} : memref<32768xf32, #tpu.memory_space<vmem>>, vector<16xf32>,
      %get3A_768 = vector.shape_cast %get3A_767 : vector<16xf32> to vector<16xf32>
      %sub3A_769 = arith.subf %get3A_768, %sub3A_146 : vector<16xf32>
      %max3A_770 = arith.constant 0.000000e+00 : f32
      %max3A_771 = vector.broadcast %max3A_770 : f32 to vector<16xf32>
      %max3A_772 = arith.maximumf %sub3A_769, %max3A_771 : vector<16xf32>
      %add3A_773 = arith.addf %scan3A_515, %max3A_772 : vector<16xf32>
      %add3A_774 = arith.constant 400 : i32
      %add3A_775 = arith.addi %mul3A_524, %add3A_774 : i32
      %get3A_776 = arith.index_cast %add3A_775 : i32 to index
      %get3A_777 = tpu.vector_load %arg4[%get3A_776] {strides = array<i32>} : memref<32768xf32, #tpu.memory_space<vmem>>, vector<16xf32>,
      %get3A_778 = vector.shape_cast %get3A_777 : vector<16xf32> to vector<16xf32>
      %sub3A_779 = arith.subf %get3A_778, %sub3A_146 : vector<16xf32>
      %max3A_780 = arith.constant 0.000000e+00 : f32
      %max3A_781 = vector.broadcast %max3A_780 : f32 to vector<16xf32>
      %max3A_782 = arith.maximumf %sub3A_779, %max3A_781 : vector<16xf32>
      %add3A_783 = arith.addf %scan3A_516, %max3A_782 : vector<16xf32>
      %add3A_784 = arith.constant 416 : i32
      %add3A_785 = arith.addi %mul3A_524, %add3A_784 : i32
      %get3A_786 = arith.index_cast %add3A_785 : i32 to index
      %get3A_787 = tpu.vector_load %arg4[%get3A_786] {strides = array<i32>} : memref<32768xf32, #tpu.memory_space<vmem>>, vector<16xf32>,
      %get3A_788 = vector.shape_cast %get3A_787 : vector<16xf32> to vector<16xf32>
      %sub3A_789 = arith.subf %get3A_788, %sub3A_146 : vector<16xf32>
      %max3A_790 = arith.constant 0.000000e+00 : f32
      %max3A_791 = vector.broadcast %max3A_790 : f32 to vector<16xf32>
      %max3A_792 = arith.maximumf %sub3A_789, %max3A_791 : vector<16xf32>
      %add3A_793 = arith.addf %scan3A_517, %max3A_792 : vector<16xf32>
      %add3A_794 = arith.constant 432 : i32
      %add3A_795 = arith.addi %mul3A_524, %add3A_794 : i32
      %get3A_796 = arith.index_cast %add3A_795 : i32 to index
      %get3A_797 = tpu.vector_load %arg4[%get3A_796] {strides = array<i32>} : memref<32768xf32, #tpu.memory_space<vmem>>, vector<16xf32>,
      %get3A_798 = vector.shape_cast %get3A_797 : vector<16xf32> to vector<16xf32>
      %sub3A_799 = arith.subf %get3A_798, %sub3A_146 : vector<16xf32>
      %max3A_800 = arith.constant 0.000000e+00 : f32
      %max3A_801 = vector.broadcast %max3A_800 : f32 to vector<16xf32>
      %max3A_802 = arith.maximumf %sub3A_799, %max3A_801 : vector<16xf32>
      %add3A_803 = arith.addf %scan3A_518, %max3A_802 : vector<16xf32>
      %add3A_804 = arith.constant 448 : i32
      %add3A_805 = arith.addi %mul3A_524, %add3A_804 : i32
      %get3A_806 = arith.index_cast %add3A_805 : i32 to index
      %get3A_807 = tpu.vector_load %arg4[%get3A_806] {strides = array<i32>} : memref<32768xf32, #tpu.memory_space<vmem>>, vector<16xf32>,
      %get3A_808 = vector.shape_cast %get3A_807 : vector<16xf32> to vector<16xf32>
      %sub3A_809 = arith.subf %get3A_808, %sub3A_146 : vector<16xf32>
      %max3A_810 = arith.constant 0.000000e+00 : f32
      %max3A_811 = vector.broadcast %max3A_810 : f32 to vector<16xf32>
      %max3A_812 = arith.maximumf %sub3A_809, %max3A_811 : vector<16xf32>
      %add3A_813 = arith.addf %scan3A_519, %max3A_812 : vector<16xf32>
      %add3A_814 = arith.constant 464 : i32
      %add3A_815 = arith.addi %mul3A_524, %add3A_814 : i32
      %get3A_816 = arith.index_cast %add3A_815 : i32 to index
      %get3A_817 = tpu.vector_load %arg4[%get3A_816] {strides = array<i32>} : memref<32768xf32, #tpu.memory_space<vmem>>, vector<16xf32>,
      %get3A_818 = vector.shape_cast %get3A_817 : vector<16xf32> to vector<16xf32>
      %sub3A_819 = arith.subf %get3A_818, %sub3A_146 : vector<16xf32>
      %max3A_820 = arith.constant 0.000000e+00 : f32
      %max3A_821 = vector.broadcast %max3A_820 : f32 to vector<16xf32>
      %max3A_822 = arith.maximumf %sub3A_819, %max3A_821 : vector<16xf32>
      %add3A_823 = arith.addf %scan3A_520, %max3A_822 : vector<16xf32>
      %add3A_824 = arith.constant 480 : i32
      %add3A_825 = arith.addi %mul3A_524, %add3A_824 : i32
      %get3A_826 = arith.index_cast %add3A_825 : i32 to index
      %get3A_827 = tpu.vector_load %arg4[%get3A_826] {strides = array<i32>} : memref<32768xf32, #tpu.memory_space<vmem>>, vector<16xf32>,
      %get3A_828 = vector.shape_cast %get3A_827 : vector<16xf32> to vector<16xf32>
      %sub3A_829 = arith.subf %get3A_828, %sub3A_146 : vector<16xf32>
      %max3A_830 = arith.constant 0.000000e+00 : f32
      %max3A_831 = vector.broadcast %max3A_830 : f32 to vector<16xf32>
      %max3A_832 = arith.maximumf %sub3A_829, %max3A_831 : vector<16xf32>
      %add3A_833 = arith.addf %scan3A_521, %max3A_832 : vector<16xf32>
      %add3A_834 = arith.constant 496 : i32
      %add3A_835 = arith.addi %mul3A_524, %add3A_834 : i32
      %get3A_836 = arith.index_cast %add3A_835 : i32 to index
      %get3A_837 = tpu.vector_load %arg4[%get3A_836] {strides = array<i32>} : memref<32768xf32, #tpu.memory_space<vmem>>, vector<16xf32>,
      %get3A_838 = vector.shape_cast %get3A_837 : vector<16xf32> to vector<16xf32>
      %sub3A_839 = arith.subf %get3A_838, %sub3A_146 : vector<16xf32>
      %max3A_840 = arith.constant 0.000000e+00 : f32
      %max3A_841 = vector.broadcast %max3A_840 : f32 to vector<16xf32>
      %max3A_842 = arith.maximumf %sub3A_839, %max3A_841 : vector<16xf32>
      %add3A_843 = arith.addf %scan3A_522, %max3A_842 : vector<16xf32>
      scf.yield %add3A_533, %add3A_543, %add3A_553, %add3A_563, %add3A_573, %add3A_583, %add3A_593, %add3A_603, %add3A_613, %add3A_623, %add3A_633, %add3A_643, %add3A_653, %add3A_663, %add3A_673, %add3A_683, %add3A_693, %add3A_703, %add3A_713, %add3A_723, %add3A_733, %add3A_743, %add3A_753, %add3A_763, %add3A_773, %add3A_783, %add3A_793, %add3A_803, %add3A_813, %add3A_823, %add3A_833, %add3A_843 : vector<16xf32>, vector<16xf32>, vector<16xf32>, vector<16xf32>, vector<16xf32>, vector<16xf32>, vector<16xf32>, vector<16xf32>, vector<16xf32>, vector<16xf32>, vector<16xf32>, vector<16xf32>, vector<16xf32>, vector<16xf32>, vector<16xf32>, vector<16xf32>, vector<16xf32>, vector<16xf32>, vector<16xf32>, vector<16xf32>, vector<16xf32>, vector<16xf32>, vector<16xf32>, vector<16xf32>, vector<16xf32>, vector<16xf32>, vector<16xf32>, vector<16xf32>, vector<16xf32>, vector<16xf32>, vector<16xf32>, vector<16xf32>
    }
    %scan3A_216 = arith.constant 64 : i32
    %add3A_217 = arith.addf %scan3A_215#0, %scan3A_215#1 : vector<16xf32>
    %add3A_218 = arith.addf %add3A_217, %scan3A_215#2 : vector<16xf32>
    %add3A_219 = arith.addf %add3A_218, %scan3A_215#3 : vector<16xf32>
    %add3A_220 = arith.addf %add3A_219, %scan3A_215#4 : vector<16xf32>
    %add3A_221 = arith.addf %add3A_220, %scan3A_215#5 : vector<16xf32>
    %add3A_222 = arith.addf %add3A_221, %scan3A_215#6 : vector<16xf32>
    %add3A_223 = arith.addf %add3A_222, %scan3A_215#7 : vector<16xf32>
    %add3A_224 = arith.addf %add3A_223, %scan3A_215#8 : vector<16xf32>
    %add3A_225 = arith.addf %add3A_224, %scan3A_215#9 : vector<16xf32>
    %add3A_226 = arith.addf %add3A_225, %scan3A_215#10 : vector<16xf32>
    %add3A_227 = arith.addf %add3A_226, %scan3A_215#11 : vector<16xf32>
    %add3A_228 = arith.addf %add3A_227, %scan3A_215#12 : vector<16xf32>
    %add3A_229 = arith.addf %add3A_228, %scan3A_215#13 : vector<16xf32>
    %add3A_230 = arith.addf %add3A_229, %scan3A_215#14 : vector<16xf32>
    %add3A_231 = arith.addf %add3A_230, %scan3A_215#15 : vector<16xf32>
    %add3A_232 = arith.addf %add3A_231, %scan3A_215#16 : vector<16xf32>
    %add3A_233 = arith.addf %add3A_232, %scan3A_215#17 : vector<16xf32>
    %add3A_234 = arith.addf %add3A_233, %scan3A_215#18 : vector<16xf32>
    %add3A_235 = arith.addf %add3A_234, %scan3A_215#19 : vector<16xf32>
    %add3A_236 = arith.addf %add3A_235, %scan3A_215#20 : vector<16xf32>
    %add3A_237 = arith.addf %add3A_236, %scan3A_215#21 : vector<16xf32>
    %add3A_238 = arith.addf %add3A_237, %scan3A_215#22 : vector<16xf32>
    %add3A_239 = arith.addf %add3A_238, %scan3A_215#23 : vector<16xf32>
    %add3A_240 = arith.addf %add3A_239, %scan3A_215#24 : vector<16xf32>
    %add3A_241 = arith.addf %add3A_240, %scan3A_215#25 : vector<16xf32>
    %add3A_242 = arith.addf %add3A_241, %scan3A_215#26 : vector<16xf32>
    %add3A_243 = arith.addf %add3A_242, %scan3A_215#27 : vector<16xf32>
    %add3A_244 = arith.addf %add3A_243, %scan3A_215#28 : vector<16xf32>
    %add3A_245 = arith.addf %add3A_244, %scan3A_215#29 : vector<16xf32>
    %add3A_246 = arith.addf %add3A_245, %scan3A_215#30 : vector<16xf32>
    %add3A_247 = arith.addf %add3A_246, %scan3A_215#31 : vector<16xf32>
    %slice3A_248 = vector.extract_strided_slice %add3A_247 {offsets = [0], sizes = [1], strides = [1]} : vector<16xf32> to vector<1xf32>
    %squeeze3A_249 = vector.extract %slice3A_248[0] : f32 from vector<1xf32>
    %slice3A_250 = vector.extract_strided_slice %add3A_247 {offsets = [1], sizes = [1], strides = [1]} : vector<16xf32> to vector<1xf32>
    %squeeze3A_251 = vector.extract %slice3A_250[0] : f32 from vector<1xf32>
    %add3A_252 = arith.addf %squeeze3A_249, %squeeze3A_251 : f32
    %slice3A_253 = vector.extract_strided_slice %add3A_247 {offsets = [2], sizes = [1], strides = [1]} : vector<16xf32> to vector<1xf32>
    %squeeze3A_254 = vector.extract %slice3A_253[0] : f32 from vector<1xf32>
    %add3A_255 = arith.addf %add3A_252, %squeeze3A_254 : f32
    %slice3A_256 = vector.extract_strided_slice %add3A_247 {offsets = [3], sizes = [1], strides = [1]} : vector<16xf32> to vector<1xf32>
    %squeeze3A_257 = vector.extract %slice3A_256[0] : f32 from vector<1xf32>
    %add3A_258 = arith.addf %add3A_255, %squeeze3A_257 : f32
    %slice3A_259 = vector.extract_strided_slice %add3A_247 {offsets = [4], sizes = [1], strides = [1]} : vector<16xf32> to vector<1xf32>
    %squeeze3A_260 = vector.extract %slice3A_259[0] : f32 from vector<1xf32>
    %add3A_261 = arith.addf %add3A_258, %squeeze3A_260 : f32
    %slice3A_262 = vector.extract_strided_slice %add3A_247 {offsets = [5], sizes = [1], strides = [1]} : vector<16xf32> to vector<1xf32>
    %squeeze3A_263 = vector.extract %slice3A_262[0] : f32 from vector<1xf32>
    %add3A_264 = arith.addf %add3A_261, %squeeze3A_263 : f32
    %slice3A_265 = vector.extract_strided_slice %add3A_247 {offsets = [6], sizes = [1], strides = [1]} : vector<16xf32> to vector<1xf32>
    %squeeze3A_266 = vector.extract %slice3A_265[0] : f32 from vector<1xf32>
    %add3A_267 = arith.addf %add3A_264, %squeeze3A_266 : f32
    %slice3A_268 = vector.extract_strided_slice %add3A_247 {offsets = [7], sizes = [1], strides = [1]} : vector<16xf32> to vector<1xf32>
    %squeeze3A_269 = vector.extract %slice3A_268[0] : f32 from vector<1xf32>
    %add3A_270 = arith.addf %add3A_267, %squeeze3A_269 : f32
    %slice3A_271 = vector.extract_strided_slice %add3A_247 {offsets = [8], sizes = [1], strides = [1]} : vector<16xf32> to vector<1xf32>
    %squeeze3A_272 = vector.extract %slice3A_271[0] : f32 from vector<1xf32>
    %add3A_273 = arith.addf %add3A_270, %squeeze3A_272 : f32
    %slice3A_274 = vector.extract_strided_slice %add3A_247 {offsets = [9], sizes = [1], strides = [1]} : vector<16xf32> to vector<1xf32>
    %squeeze3A_275 = vector.extract %slice3A_274[0] : f32 from vector<1xf32>
    %add3A_276 = arith.addf %add3A_273, %squeeze3A_275 : f32
    %slice3A_277 = vector.extract_strided_slice %add3A_247 {offsets = [10], sizes = [1], strides = [1]} : vector<16xf32> to vector<1xf32>
    %squeeze3A_278 = vector.extract %slice3A_277[0] : f32 from vector<1xf32>
    %add3A_279 = arith.addf %add3A_276, %squeeze3A_278 : f32
    %slice3A_280 = vector.extract_strided_slice %add3A_247 {offsets = [11], sizes = [1], strides = [1]} : vector<16xf32> to vector<1xf32>
    %squeeze3A_281 = vector.extract %slice3A_280[0] : f32 from vector<1xf32>
    %add3A_282 = arith.addf %add3A_279, %squeeze3A_281 : f32
    %slice3A_283 = vector.extract_strided_slice %add3A_247 {offsets = [12], sizes = [1], strides = [1]} : vector<16xf32> to vector<1xf32>
    %squeeze3A_284 = vector.extract %slice3A_283[0] : f32 from vector<1xf32>
    %add3A_285 = arith.addf %add3A_282, %squeeze3A_284 : f32
    %slice3A_286 = vector.extract_strided_slice %add3A_247 {offsets = [13], sizes = [1], strides = [1]} : vector<16xf32> to vector<1xf32>
    %squeeze3A_287 = vector.extract %slice3A_286[0] : f32 from vector<1xf32>
    %add3A_288 = arith.addf %add3A_285, %squeeze3A_287 : f32
    %slice3A_289 = vector.extract_strided_slice %add3A_247 {offsets = [14], sizes = [1], strides = [1]} : vector<16xf32> to vector<1xf32>
    %squeeze3A_290 = vector.extract %slice3A_289[0] : f32 from vector<1xf32>
    %add3A_291 = arith.addf %add3A_288, %squeeze3A_290 : f32
    %slice3A_292 = vector.extract_strided_slice %add3A_247 {offsets = [15], sizes = [1], strides = [1]} : vector<16xf32> to vector<1xf32>
    %squeeze3A_293 = vector.extract %slice3A_292[0] : f32 from vector<1xf32>
    %add3A_294 = arith.addf %add3A_291, %squeeze3A_293 : f32
    %broadcast_in_dim3A_295 = vector.broadcast %add3A_294 : f32 to vector<16xf32>
    %sub3A_296 = arith.constant 1.000000e+00 : f32
    %sub3A_297 = vector.broadcast %sub3A_296 : f32 to vector<16xf32>
    %sub3A_298 = arith.subf %broadcast_in_dim3A_295, %sub3A_297 : vector<16xf32>
    %sub3A_299 = arith.constant 1.000000e+00 : f32
    %sub3A_300 = vector.broadcast %sub3A_299 : f32 to vector<16xf32>
    %sub3A_301 = arith.subf %sub3A_146, %sub3A_300 : vector<16xf32>
    %add3A_302 = arith.constant 1.000000e+00 : f32
    %add3A_303 = vector.broadcast %add3A_302 : f32 to vector<16xf32>
    %add3A_304 = arith.addf %sub3A_298, %add3A_303 : vector<16xf32>
    %scan3A_305 = arith.constant 0 : i32
    %scan3A_306 = arith.constant 6 : i32
    %scan3A_307 = arith.addi %scan3A_305, %scan3A_306 : i32
    %scan3A_308 = arith.constant 1 : i32
    %scan3A_309:5 = scf.for %scan3A_490 = %scan3A_305 to %scan3A_307 step %scan3A_308 iter_args(%scan3A_491 = %sub3A_146, %scan3A_492 = %broadcast_in_dim3A_144, %scan3A_493 = %sub3A_298, %scan3A_494 = %sub3A_301, %scan3A_495 = %add3A_304) -> (vector<16xf32>, vector<16xf32>, vector<16xf32>, vector<16xf32>, vector<16xf32>)  : i32 {
      %add3A_496 = arith.addf %scan3A_491, %scan3A_492 : vector<16xf32>
      %mul3A_497 = arith.constant 5.000000e-01 : f32
      %mul3A_498 = vector.broadcast %mul3A_497 : f32 to vector<16xf32>
      %mul3A_499 = arith.mulf %mul3A_498, %add3A_496 : vector<16xf32>
      %sub3A_500 = arith.subf %scan3A_491, %scan3A_494 : vector<16xf32>
      %mul3A_501 = arith.mulf %scan3A_493, %sub3A_500 : vector<16xf32>
      %sub3A_502 = arith.subf %scan3A_495, %scan3A_493 : vector<16xf32>
      %max3A_503 = arith.constant 9.99999968E-21 : f32
      %max3A_504 = vector.broadcast %max3A_503 : f32 to vector<16xf32>
      %max3A_505 = arith.maximumf %sub3A_502, %max3A_504 : vector<16xf32>
      %bitcast_convert_type3A_506 = tpu.bitcast %max3A_505 : vector<16xf32> -> vector<16xi32>
      %sub3A_507 = arith.constant 2129859015 : i32
      %sub3A_508 = vector.broadcast %sub3A_507 : i32 to vector<16xi32>
      %sub3A_509 = arith.subi %sub3A_508, %bitcast_convert_type3A_506 : vector<16xi32>
      %bitcast_convert_type3A_510 = tpu.bitcast %sub3A_509 : vector<16xi32> -> vector<16xf32>
      %mul3A_511 = arith.mulf %max3A_505, %bitcast_convert_type3A_510 : vector<16xf32>
      %sub3A_512 = arith.constant 2.000000e+00 : f32
      %sub3A_513 = vector.broadcast %sub3A_512 : f32 to vector<16xf32>
      %sub3A_514 = arith.subf %sub3A_513, %mul3A_511 : vector<16xf32>
      %mul3A_515 = arith.mulf %bitcast_convert_type3A_510, %sub3A_514 : vector<16xf32>
      %mul3A_516 = arith.mulf %max3A_505, %mul3A_515 : vector<16xf32>
      %sub3A_517 = arith.constant 2.000000e+00 : f32
      %sub3A_518 = vector.broadcast %sub3A_517 : f32 to vector<16xf32>
      %sub3A_519 = arith.subf %sub3A_518, %mul3A_516 : vector<16xf32>
      %mul3A_520 = arith.mulf %mul3A_515, %sub3A_519 : vector<16xf32>
      %mul3A_521 = arith.mulf %max3A_505, %mul3A_520 : vector<16xf32>
      %sub3A_522 = arith.constant 2.000000e+00 : f32
      %sub3A_523 = vector.broadcast %sub3A_522 : f32 to vector<16xf32>
      %sub3A_524 = arith.subf %sub3A_523, %mul3A_521 : vector<16xf32>
      %mul3A_525 = arith.mulf %mul3A_520, %sub3A_524 : vector<16xf32>
      %mul3A_526 = arith.mulf %mul3A_501, %mul3A_525 : vector<16xf32>
      %add3A_527 = arith.addf %scan3A_491, %mul3A_526 : vector<16xf32>
      %lt3A = arith.cmpf olt, %add3A_527, %scan3A_492 : vector<16xf32>
      %max3A_528 = arith.maximumf %add3A_527, %mul3A_499 : vector<16xf32>
      %select_n3A = arith.select %lt3A, %max3A_528, %mul3A_499 : vector<16xi1>, vector<16xf32>
      %broadcast_in_dim3A_529 = arith.constant 0.000000e+00 : f32
      %broadcast_in_dim3A_530 = vector.broadcast %broadcast_in_dim3A_529 : f32 to vector<16xf32>
      %broadcast_in_dim3A_531 = arith.constant 0.000000e+00 : f32
      %broadcast_in_dim3A_532 = vector.broadcast %broadcast_in_dim3A_531 : f32 to vector<16xf32>
      %broadcast_in_dim3A_533 = arith.constant 0.000000e+00 : f32
      %broadcast_in_dim3A_534 = vector.broadcast %broadcast_in_dim3A_533 : f32 to vector<16xf32>
      %broadcast_in_dim3A_535 = arith.constant 0.000000e+00 : f32
      %broadcast_in_dim3A_536 = vector.broadcast %broadcast_in_dim3A_535 : f32 to vector<16xf32>
      %broadcast_in_dim3A_537 = arith.constant 0.000000e+00 : f32
      %broadcast_in_dim3A_538 = vector.broadcast %broadcast_in_dim3A_537 : f32 to vector<16xf32>
      %broadcast_in_dim3A_539 = arith.constant 0.000000e+00 : f32
      %broadcast_in_dim3A_540 = vector.broadcast %broadcast_in_dim3A_539 : f32 to vector<16xf32>
      %broadcast_in_dim3A_541 = arith.constant 0.000000e+00 : f32
      %broadcast_in_dim3A_542 = vector.broadcast %broadcast_in_dim3A_541 : f32 to vector<16xf32>
      %broadcast_in_dim3A_543 = arith.constant 0.000000e+00 : f32
      %broadcast_in_dim3A_544 = vector.broadcast %broadcast_in_dim3A_543 : f32 to vector<16xf32>
      %broadcast_in_dim3A_545 = arith.constant 0.000000e+00 : f32
      %broadcast_in_dim3A_546 = vector.broadcast %broadcast_in_dim3A_545 : f32 to vector<16xf32>
      %broadcast_in_dim3A_547 = arith.constant 0.000000e+00 : f32
      %broadcast_in_dim3A_548 = vector.broadcast %broadcast_in_dim3A_547 : f32 to vector<16xf32>
      %broadcast_in_dim3A_549 = arith.constant 0.000000e+00 : f32
      %broadcast_in_dim3A_550 = vector.broadcast %broadcast_in_dim3A_549 : f32 to vector<16xf32>
      %broadcast_in_dim3A_551 = arith.constant 0.000000e+00 : f32
      %broadcast_in_dim3A_552 = vector.broadcast %broadcast_in_dim3A_551 : f32 to vector<16xf32>
      %broadcast_in_dim3A_553 = arith.constant 0.000000e+00 : f32
      %broadcast_in_dim3A_554 = vector.broadcast %broadcast_in_dim3A_553 : f32 to vector<16xf32>
      %broadcast_in_dim3A_555 = arith.constant 0.000000e+00 : f32
      %broadcast_in_dim3A_556 = vector.broadcast %broadcast_in_dim3A_555 : f32 to vector<16xf32>
      %broadcast_in_dim3A_557 = arith.constant 0.000000e+00 : f32
      %broadcast_in_dim3A_558 = vector.broadcast %broadcast_in_dim3A_557 : f32 to vector<16xf32>
      %broadcast_in_dim3A_559 = arith.constant 0.000000e+00 : f32
      %broadcast_in_dim3A_560 = vector.broadcast %broadcast_in_dim3A_559 : f32 to vector<16xf32>
      %broadcast_in_dim3A_561 = arith.constant 0.000000e+00 : f32
      %broadcast_in_dim3A_562 = vector.broadcast %broadcast_in_dim3A_561 : f32 to vector<16xf32>
      %broadcast_in_dim3A_563 = arith.constant 0.000000e+00 : f32
      %broadcast_in_dim3A_564 = vector.broadcast %broadcast_in_dim3A_563 : f32 to vector<16xf32>
      %broadcast_in_dim3A_565 = arith.constant 0.000000e+00 : f32
      %broadcast_in_dim3A_566 = vector.broadcast %broadcast_in_dim3A_565 : f32 to vector<16xf32>
      %broadcast_in_dim3A_567 = arith.constant 0.000000e+00 : f32
      %broadcast_in_dim3A_568 = vector.broadcast %broadcast_in_dim3A_567 : f32 to vector<16xf32>
      %broadcast_in_dim3A_569 = arith.constant 0.000000e+00 : f32
      %broadcast_in_dim3A_570 = vector.broadcast %broadcast_in_dim3A_569 : f32 to vector<16xf32>
      %broadcast_in_dim3A_571 = arith.constant 0.000000e+00 : f32
      %broadcast_in_dim3A_572 = vector.broadcast %broadcast_in_dim3A_571 : f32 to vector<16xf32>
      %broadcast_in_dim3A_573 = arith.constant 0.000000e+00 : f32
      %broadcast_in_dim3A_574 = vector.broadcast %broadcast_in_dim3A_573 : f32 to vector<16xf32>
      %broadcast_in_dim3A_575 = arith.constant 0.000000e+00 : f32
      %broadcast_in_dim3A_576 = vector.broadcast %broadcast_in_dim3A_575 : f32 to vector<16xf32>
      %broadcast_in_dim3A_577 = arith.constant 0.000000e+00 : f32
      %broadcast_in_dim3A_578 = vector.broadcast %broadcast_in_dim3A_577 : f32 to vector<16xf32>
      %broadcast_in_dim3A_579 = arith.constant 0.000000e+00 : f32
      %broadcast_in_dim3A_580 = vector.broadcast %broadcast_in_dim3A_579 : f32 to vector<16xf32>
      %broadcast_in_dim3A_581 = arith.constant 0.000000e+00 : f32
      %broadcast_in_dim3A_582 = vector.broadcast %broadcast_in_dim3A_581 : f32 to vector<16xf32>
      %broadcast_in_dim3A_583 = arith.constant 0.000000e+00 : f32
      %broadcast_in_dim3A_584 = vector.broadcast %broadcast_in_dim3A_583 : f32 to vector<16xf32>
      %broadcast_in_dim3A_585 = arith.constant 0.000000e+00 : f32
      %broadcast_in_dim3A_586 = vector.broadcast %broadcast_in_dim3A_585 : f32 to vector<16xf32>
      %broadcast_in_dim3A_587 = arith.constant 0.000000e+00 : f32
      %broadcast_in_dim3A_588 = vector.broadcast %broadcast_in_dim3A_587 : f32 to vector<16xf32>
      %broadcast_in_dim3A_589 = arith.constant 0.000000e+00 : f32
      %broadcast_in_dim3A_590 = vector.broadcast %broadcast_in_dim3A_589 : f32 to vector<16xf32>
      %broadcast_in_dim3A_591 = arith.constant 0.000000e+00 : f32
      %broadcast_in_dim3A_592 = vector.broadcast %broadcast_in_dim3A_591 : f32 to vector<16xf32>
      %scan3A_593 = arith.constant 0 : i32
      %scan3A_594 = arith.constant 64 : i32
      %scan3A_595 = arith.addi %scan3A_593, %scan3A_594 : i32
      %scan3A_596 = arith.constant 1 : i32
      %scan3A_597:32 = scf.for %scan3A_688 = %scan3A_593 to %scan3A_595 step %scan3A_596 iter_args(%scan3A_689 = %broadcast_in_dim3A_530, %scan3A_690 = %broadcast_in_dim3A_532, %scan3A_691 = %broadcast_in_dim3A_534, %scan3A_692 = %broadcast_in_dim3A_536, %scan3A_693 = %broadcast_in_dim3A_538, %scan3A_694 = %broadcast_in_dim3A_540, %scan3A_695 = %broadcast_in_dim3A_542, %scan3A_696 = %broadcast_in_dim3A_544, %scan3A_697 = %broadcast_in_dim3A_546, %scan3A_698 = %broadcast_in_dim3A_548, %scan3A_699 = %broadcast_in_dim3A_550, %scan3A_700 = %broadcast_in_dim3A_552, %scan3A_701 = %broadcast_in_dim3A_554, %scan3A_702 = %broadcast_in_dim3A_556, %scan3A_703 = %broadcast_in_dim3A_558, %scan3A_704 = %broadcast_in_dim3A_560, %scan3A_705 = %broadcast_in_dim3A_562, %scan3A_706 = %broadcast_in_dim3A_564, %scan3A_707 = %broadcast_in_dim3A_566, %scan3A_708 = %broadcast_in_dim3A_568, %scan3A_709 = %broadcast_in_dim3A_570, %scan3A_710 = %broadcast_in_dim3A_572, %scan3A_711 = %broadcast_in_dim3A_574, %scan3A_712 = %broadcast_in_dim3A_576, %scan3A_713 = %broadcast_in_dim3A_578, %scan3A_714 = %broadcast_in_dim3A_580, %scan3A_715 = %broadcast_in_dim3A_582, %scan3A_716 = %broadcast_in_dim3A_584, %scan3A_717 = %broadcast_in_dim3A_586, %scan3A_718 = %broadcast_in_dim3A_588, %scan3A_719 = %broadcast_in_dim3A_590, %scan3A_720 = %broadcast_in_dim3A_592) -> (vector<16xf32>, vector<16xf32>, vector<16xf32>, vector<16xf32>, vector<16xf32>, vector<16xf32>, vector<16xf32>, vector<16xf32>, vector<16xf32>, vector<16xf32>, vector<16xf32>, vector<16xf32>, vector<16xf32>, vector<16xf32>, vector<16xf32>, vector<16xf32>, vector<16xf32>, vector<16xf32>, vector<16xf32>, vector<16xf32>, vector<16xf32>, vector<16xf32>, vector<16xf32>, vector<16xf32>, vector<16xf32>, vector<16xf32>, vector<16xf32>, vector<16xf32>, vector<16xf32>, vector<16xf32>, vector<16xf32>, vector<16xf32>)  : i32 {
        %mul3A_721 = arith.constant 512 : i32
        %mul3A_722 = arith.muli %scan3A_688, %mul3A_721 : i32
        %add3A_723 = arith.constant 0 : i32
        %add3A_724 = arith.addi %mul3A_722, %add3A_723 : i32
        %get3A = arith.index_cast %add3A_724 : i32 to index
        %get3A_725 = tpu.vector_load %arg4[%get3A] {strides = array<i32>} : memref<32768xf32, #tpu.memory_space<vmem>>, vector<16xf32>,
        %get3A_726 = vector.shape_cast %get3A_725 : vector<16xf32> to vector<16xf32>
        %sub3A_727 = arith.subf %get3A_726, %select_n3A : vector<16xf32>
        %max3A_728 = arith.constant 0.000000e+00 : f32
        %max3A_729 = vector.broadcast %max3A_728 : f32 to vector<16xf32>
        %max3A_730 = arith.maximumf %sub3A_727, %max3A_729 : vector<16xf32>
        %add3A_731 = arith.addf %scan3A_689, %max3A_730 : vector<16xf32>
        %add3A_732 = arith.constant 16 : i32
        %add3A_733 = arith.addi %mul3A_722, %add3A_732 : i32
        %get3A_734 = arith.index_cast %add3A_733 : i32 to index
        %get3A_735 = tpu.vector_load %arg4[%get3A_734] {strides = array<i32>} : memref<32768xf32, #tpu.memory_space<vmem>>, vector<16xf32>,
        %get3A_736 = vector.shape_cast %get3A_735 : vector<16xf32> to vector<16xf32>
        %sub3A_737 = arith.subf %get3A_736, %select_n3A : vector<16xf32>
        %max3A_738 = arith.constant 0.000000e+00 : f32
        %max3A_739 = vector.broadcast %max3A_738 : f32 to vector<16xf32>
        %max3A_740 = arith.maximumf %sub3A_737, %max3A_739 : vector<16xf32>
        %add3A_741 = arith.addf %scan3A_690, %max3A_740 : vector<16xf32>
        %add3A_742 = arith.constant 32 : i32
        %add3A_743 = arith.addi %mul3A_722, %add3A_742 : i32
        %get3A_744 = arith.index_cast %add3A_743 : i32 to index
        %get3A_745 = tpu.vector_load %arg4[%get3A_744] {strides = array<i32>} : memref<32768xf32, #tpu.memory_space<vmem>>, vector<16xf32>,
        %get3A_746 = vector.shape_cast %get3A_745 : vector<16xf32> to vector<16xf32>
        %sub3A_747 = arith.subf %get3A_746, %select_n3A : vector<16xf32>
        %max3A_748 = arith.constant 0.000000e+00 : f32
        %max3A_749 = vector.broadcast %max3A_748 : f32 to vector<16xf32>
        %max3A_750 = arith.maximumf %sub3A_747, %max3A_749 : vector<16xf32>
        %add3A_751 = arith.addf %scan3A_691, %max3A_750 : vector<16xf32>
        %add3A_752 = arith.constant 48 : i32
        %add3A_753 = arith.addi %mul3A_722, %add3A_752 : i32
        %get3A_754 = arith.index_cast %add3A_753 : i32 to index
        %get3A_755 = tpu.vector_load %arg4[%get3A_754] {strides = array<i32>} : memref<32768xf32, #tpu.memory_space<vmem>>, vector<16xf32>,
        %get3A_756 = vector.shape_cast %get3A_755 : vector<16xf32> to vector<16xf32>
        %sub3A_757 = arith.subf %get3A_756, %select_n3A : vector<16xf32>
        %max3A_758 = arith.constant 0.000000e+00 : f32
        %max3A_759 = vector.broadcast %max3A_758 : f32 to vector<16xf32>
        %max3A_760 = arith.maximumf %sub3A_757, %max3A_759 : vector<16xf32>
        %add3A_761 = arith.addf %scan3A_692, %max3A_760 : vector<16xf32>
        %add3A_762 = arith.constant 64 : i32
        %add3A_763 = arith.addi %mul3A_722, %add3A_762 : i32
        %get3A_764 = arith.index_cast %add3A_763 : i32 to index
        %get3A_765 = tpu.vector_load %arg4[%get3A_764] {strides = array<i32>} : memref<32768xf32, #tpu.memory_space<vmem>>, vector<16xf32>,
        %get3A_766 = vector.shape_cast %get3A_765 : vector<16xf32> to vector<16xf32>
        %sub3A_767 = arith.subf %get3A_766, %select_n3A : vector<16xf32>
        %max3A_768 = arith.constant 0.000000e+00 : f32
        %max3A_769 = vector.broadcast %max3A_768 : f32 to vector<16xf32>
        %max3A_770 = arith.maximumf %sub3A_767, %max3A_769 : vector<16xf32>
        %add3A_771 = arith.addf %scan3A_693, %max3A_770 : vector<16xf32>
        %add3A_772 = arith.constant 80 : i32
        %add3A_773 = arith.addi %mul3A_722, %add3A_772 : i32
        %get3A_774 = arith.index_cast %add3A_773 : i32 to index
        %get3A_775 = tpu.vector_load %arg4[%get3A_774] {strides = array<i32>} : memref<32768xf32, #tpu.memory_space<vmem>>, vector<16xf32>,
        %get3A_776 = vector.shape_cast %get3A_775 : vector<16xf32> to vector<16xf32>
        %sub3A_777 = arith.subf %get3A_776, %select_n3A : vector<16xf32>
        %max3A_778 = arith.constant 0.000000e+00 : f32
        %max3A_779 = vector.broadcast %max3A_778 : f32 to vector<16xf32>
        %max3A_780 = arith.maximumf %sub3A_777, %max3A_779 : vector<16xf32>
        %add3A_781 = arith.addf %scan3A_694, %max3A_780 : vector<16xf32>
        %add3A_782 = arith.constant 96 : i32
        %add3A_783 = arith.addi %mul3A_722, %add3A_782 : i32
        %get3A_784 = arith.index_cast %add3A_783 : i32 to index
        %get3A_785 = tpu.vector_load %arg4[%get3A_784] {strides = array<i32>} : memref<32768xf32, #tpu.memory_space<vmem>>, vector<16xf32>,
        %get3A_786 = vector.shape_cast %get3A_785 : vector<16xf32> to vector<16xf32>
        %sub3A_787 = arith.subf %get3A_786, %select_n3A : vector<16xf32>
        %max3A_788 = arith.constant 0.000000e+00 : f32
        %max3A_789 = vector.broadcast %max3A_788 : f32 to vector<16xf32>
        %max3A_790 = arith.maximumf %sub3A_787, %max3A_789 : vector<16xf32>
        %add3A_791 = arith.addf %scan3A_695, %max3A_790 : vector<16xf32>
        %add3A_792 = arith.constant 112 : i32
        %add3A_793 = arith.addi %mul3A_722, %add3A_792 : i32
        %get3A_794 = arith.index_cast %add3A_793 : i32 to index
        %get3A_795 = tpu.vector_load %arg4[%get3A_794] {strides = array<i32>} : memref<32768xf32, #tpu.memory_space<vmem>>, vector<16xf32>,
        %get3A_796 = vector.shape_cast %get3A_795 : vector<16xf32> to vector<16xf32>
        %sub3A_797 = arith.subf %get3A_796, %select_n3A : vector<16xf32>
        %max3A_798 = arith.constant 0.000000e+00 : f32
        %max3A_799 = vector.broadcast %max3A_798 : f32 to vector<16xf32>
        %max3A_800 = arith.maximumf %sub3A_797, %max3A_799 : vector<16xf32>
        %add3A_801 = arith.addf %scan3A_696, %max3A_800 : vector<16xf32>
        %add3A_802 = arith.constant 128 : i32
        %add3A_803 = arith.addi %mul3A_722, %add3A_802 : i32
        %get3A_804 = arith.index_cast %add3A_803 : i32 to index
        %get3A_805 = tpu.vector_load %arg4[%get3A_804] {strides = array<i32>} : memref<32768xf32, #tpu.memory_space<vmem>>, vector<16xf32>,
        %get3A_806 = vector.shape_cast %get3A_805 : vector<16xf32> to vector<16xf32>
        %sub3A_807 = arith.subf %get3A_806, %select_n3A : vector<16xf32>
        %max3A_808 = arith.constant 0.000000e+00 : f32
        %max3A_809 = vector.broadcast %max3A_808 : f32 to vector<16xf32>
        %max3A_810 = arith.maximumf %sub3A_807, %max3A_809 : vector<16xf32>
        %add3A_811 = arith.addf %scan3A_697, %max3A_810 : vector<16xf32>
        %add3A_812 = arith.constant 144 : i32
        %add3A_813 = arith.addi %mul3A_722, %add3A_812 : i32
        %get3A_814 = arith.index_cast %add3A_813 : i32 to index
        %get3A_815 = tpu.vector_load %arg4[%get3A_814] {strides = array<i32>} : memref<32768xf32, #tpu.memory_space<vmem>>, vector<16xf32>,
        %get3A_816 = vector.shape_cast %get3A_815 : vector<16xf32> to vector<16xf32>
        %sub3A_817 = arith.subf %get3A_816, %select_n3A : vector<16xf32>
        %max3A_818 = arith.constant 0.000000e+00 : f32
        %max3A_819 = vector.broadcast %max3A_818 : f32 to vector<16xf32>
        %max3A_820 = arith.maximumf %sub3A_817, %max3A_819 : vector<16xf32>
        %add3A_821 = arith.addf %scan3A_698, %max3A_820 : vector<16xf32>
        %add3A_822 = arith.constant 160 : i32
        %add3A_823 = arith.addi %mul3A_722, %add3A_822 : i32
        %get3A_824 = arith.index_cast %add3A_823 : i32 to index
        %get3A_825 = tpu.vector_load %arg4[%get3A_824] {strides = array<i32>} : memref<32768xf32, #tpu.memory_space<vmem>>, vector<16xf32>,
        %get3A_826 = vector.shape_cast %get3A_825 : vector<16xf32> to vector<16xf32>
        %sub3A_827 = arith.subf %get3A_826, %select_n3A : vector<16xf32>
        %max3A_828 = arith.constant 0.000000e+00 : f32
        %max3A_829 = vector.broadcast %max3A_828 : f32 to vector<16xf32>
        %max3A_830 = arith.maximumf %sub3A_827, %max3A_829 : vector<16xf32>
        %add3A_831 = arith.addf %scan3A_699, %max3A_830 : vector<16xf32>
        %add3A_832 = arith.constant 176 : i32
        %add3A_833 = arith.addi %mul3A_722, %add3A_832 : i32
        %get3A_834 = arith.index_cast %add3A_833 : i32 to index
        %get3A_835 = tpu.vector_load %arg4[%get3A_834] {strides = array<i32>} : memref<32768xf32, #tpu.memory_space<vmem>>, vector<16xf32>,
        %get3A_836 = vector.shape_cast %get3A_835 : vector<16xf32> to vector<16xf32>
        %sub3A_837 = arith.subf %get3A_836, %select_n3A : vector<16xf32>
        %max3A_838 = arith.constant 0.000000e+00 : f32
        %max3A_839 = vector.broadcast %max3A_838 : f32 to vector<16xf32>
        %max3A_840 = arith.maximumf %sub3A_837, %max3A_839 : vector<16xf32>
        %add3A_841 = arith.addf %scan3A_700, %max3A_840 : vector<16xf32>
        %add3A_842 = arith.constant 192 : i32
        %add3A_843 = arith.addi %mul3A_722, %add3A_842 : i32
        %get3A_844 = arith.index_cast %add3A_843 : i32 to index
        %get3A_845 = tpu.vector_load %arg4[%get3A_844] {strides = array<i32>} : memref<32768xf32, #tpu.memory_space<vmem>>, vector<16xf32>,
        %get3A_846 = vector.shape_cast %get3A_845 : vector<16xf32> to vector<16xf32>
        %sub3A_847 = arith.subf %get3A_846, %select_n3A : vector<16xf32>
        %max3A_848 = arith.constant 0.000000e+00 : f32
        %max3A_849 = vector.broadcast %max3A_848 : f32 to vector<16xf32>
        %max3A_850 = arith.maximumf %sub3A_847, %max3A_849 : vector<16xf32>
        %add3A_851 = arith.addf %scan3A_701, %max3A_850 : vector<16xf32>
        %add3A_852 = arith.constant 208 : i32
        %add3A_853 = arith.addi %mul3A_722, %add3A_852 : i32
        %get3A_854 = arith.index_cast %add3A_853 : i32 to index
        %get3A_855 = tpu.vector_load %arg4[%get3A_854] {strides = array<i32>} : memref<32768xf32, #tpu.memory_space<vmem>>, vector<16xf32>,
        %get3A_856 = vector.shape_cast %get3A_855 : vector<16xf32> to vector<16xf32>
        %sub3A_857 = arith.subf %get3A_856, %select_n3A : vector<16xf32>
        %max3A_858 = arith.constant 0.000000e+00 : f32
        %max3A_859 = vector.broadcast %max3A_858 : f32 to vector<16xf32>
        %max3A_860 = arith.maximumf %sub3A_857, %max3A_859 : vector<16xf32>
        %add3A_861 = arith.addf %scan3A_702, %max3A_860 : vector<16xf32>
        %add3A_862 = arith.constant 224 : i32
        %add3A_863 = arith.addi %mul3A_722, %add3A_862 : i32
        %get3A_864 = arith.index_cast %add3A_863 : i32 to index
        %get3A_865 = tpu.vector_load %arg4[%get3A_864] {strides = array<i32>} : memref<32768xf32, #tpu.memory_space<vmem>>, vector<16xf32>,
        %get3A_866 = vector.shape_cast %get3A_865 : vector<16xf32> to vector<16xf32>
        %sub3A_867 = arith.subf %get3A_866, %select_n3A : vector<16xf32>
        %max3A_868 = arith.constant 0.000000e+00 : f32
        %max3A_869 = vector.broadcast %max3A_868 : f32 to vector<16xf32>
        %max3A_870 = arith.maximumf %sub3A_867, %max3A_869 : vector<16xf32>
        %add3A_871 = arith.addf %scan3A_703, %max3A_870 : vector<16xf32>
        %add3A_872 = arith.constant 240 : i32
        %add3A_873 = arith.addi %mul3A_722, %add3A_872 : i32
        %get3A_874 = arith.index_cast %add3A_873 : i32 to index
        %get3A_875 = tpu.vector_load %arg4[%get3A_874] {strides = array<i32>} : memref<32768xf32, #tpu.memory_space<vmem>>, vector<16xf32>,
        %get3A_876 = vector.shape_cast %get3A_875 : vector<16xf32> to vector<16xf32>
        %sub3A_877 = arith.subf %get3A_876, %select_n3A : vector<16xf32>
        %max3A_878 = arith.constant 0.000000e+00 : f32
        %max3A_879 = vector.broadcast %max3A_878 : f32 to vector<16xf32>
        %max3A_880 = arith.maximumf %sub3A_877, %max3A_879 : vector<16xf32>
        %add3A_881 = arith.addf %scan3A_704, %max3A_880 : vector<16xf32>
        %add3A_882 = arith.constant 256 : i32
        %add3A_883 = arith.addi %mul3A_722, %add3A_882 : i32
        %get3A_884 = arith.index_cast %add3A_883 : i32 to index
        %get3A_885 = tpu.vector_load %arg4[%get3A_884] {strides = array<i32>} : memref<32768xf32, #tpu.memory_space<vmem>>, vector<16xf32>,
        %get3A_886 = vector.shape_cast %get3A_885 : vector<16xf32> to vector<16xf32>
        %sub3A_887 = arith.subf %get3A_886, %select_n3A : vector<16xf32>
        %max3A_888 = arith.constant 0.000000e+00 : f32
        %max3A_889 = vector.broadcast %max3A_888 : f32 to vector<16xf32>
        %max3A_890 = arith.maximumf %sub3A_887, %max3A_889 : vector<16xf32>
        %add3A_891 = arith.addf %scan3A_705, %max3A_890 : vector<16xf32>
        %add3A_892 = arith.constant 272 : i32
        %add3A_893 = arith.addi %mul3A_722, %add3A_892 : i32
        %get3A_894 = arith.index_cast %add3A_893 : i32 to index
        %get3A_895 = tpu.vector_load %arg4[%get3A_894] {strides = array<i32>} : memref<32768xf32, #tpu.memory_space<vmem>>, vector<16xf32>,
        %get3A_896 = vector.shape_cast %get3A_895 : vector<16xf32> to vector<16xf32>
        %sub3A_897 = arith.subf %get3A_896, %select_n3A : vector<16xf32>
        %max3A_898 = arith.constant 0.000000e+00 : f32
        %max3A_899 = vector.broadcast %max3A_898 : f32 to vector<16xf32>
        %max3A_900 = arith.maximumf %sub3A_897, %max3A_899 : vector<16xf32>
        %add3A_901 = arith.addf %scan3A_706, %max3A_900 : vector<16xf32>
        %add3A_902 = arith.constant 288 : i32
        %add3A_903 = arith.addi %mul3A_722, %add3A_902 : i32
        %get3A_904 = arith.index_cast %add3A_903 : i32 to index
        %get3A_905 = tpu.vector_load %arg4[%get3A_904] {strides = array<i32>} : memref<32768xf32, #tpu.memory_space<vmem>>, vector<16xf32>,
        %get3A_906 = vector.shape_cast %get3A_905 : vector<16xf32> to vector<16xf32>
        %sub3A_907 = arith.subf %get3A_906, %select_n3A : vector<16xf32>
        %max3A_908 = arith.constant 0.000000e+00 : f32
        %max3A_909 = vector.broadcast %max3A_908 : f32 to vector<16xf32>
        %max3A_910 = arith.maximumf %sub3A_907, %max3A_909 : vector<16xf32>
        %add3A_911 = arith.addf %scan3A_707, %max3A_910 : vector<16xf32>
        %add3A_912 = arith.constant 304 : i32
        %add3A_913 = arith.addi %mul3A_722, %add3A_912 : i32
        %get3A_914 = arith.index_cast %add3A_913 : i32 to index
        %get3A_915 = tpu.vector_load %arg4[%get3A_914] {strides = array<i32>} : memref<32768xf32, #tpu.memory_space<vmem>>, vector<16xf32>,
        %get3A_916 = vector.shape_cast %get3A_915 : vector<16xf32> to vector<16xf32>
        %sub3A_917 = arith.subf %get3A_916, %select_n3A : vector<16xf32>
        %max3A_918 = arith.constant 0.000000e+00 : f32
        %max3A_919 = vector.broadcast %max3A_918 : f32 to vector<16xf32>
        %max3A_920 = arith.maximumf %sub3A_917, %max3A_919 : vector<16xf32>
        %add3A_921 = arith.addf %scan3A_708, %max3A_920 : vector<16xf32>
        %add3A_922 = arith.constant 320 : i32
        %add3A_923 = arith.addi %mul3A_722, %add3A_922 : i32
        %get3A_924 = arith.index_cast %add3A_923 : i32 to index
        %get3A_925 = tpu.vector_load %arg4[%get3A_924] {strides = array<i32>} : memref<32768xf32, #tpu.memory_space<vmem>>, vector<16xf32>,
        %get3A_926 = vector.shape_cast %get3A_925 : vector<16xf32> to vector<16xf32>
        %sub3A_927 = arith.subf %get3A_926, %select_n3A : vector<16xf32>
        %max3A_928 = arith.constant 0.000000e+00 : f32
        %max3A_929 = vector.broadcast %max3A_928 : f32 to vector<16xf32>
        %max3A_930 = arith.maximumf %sub3A_927, %max3A_929 : vector<16xf32>
        %add3A_931 = arith.addf %scan3A_709, %max3A_930 : vector<16xf32>
        %add3A_932 = arith.constant 336 : i32
        %add3A_933 = arith.addi %mul3A_722, %add3A_932 : i32
        %get3A_934 = arith.index_cast %add3A_933 : i32 to index
        %get3A_935 = tpu.vector_load %arg4[%get3A_934] {strides = array<i32>} : memref<32768xf32, #tpu.memory_space<vmem>>, vector<16xf32>,
        %get3A_936 = vector.shape_cast %get3A_935 : vector<16xf32> to vector<16xf32>
        %sub3A_937 = arith.subf %get3A_936, %select_n3A : vector<16xf32>
        %max3A_938 = arith.constant 0.000000e+00 : f32
        %max3A_939 = vector.broadcast %max3A_938 : f32 to vector<16xf32>
        %max3A_940 = arith.maximumf %sub3A_937, %max3A_939 : vector<16xf32>
        %add3A_941 = arith.addf %scan3A_710, %max3A_940 : vector<16xf32>
        %add3A_942 = arith.constant 352 : i32
        %add3A_943 = arith.addi %mul3A_722, %add3A_942 : i32
        %get3A_944 = arith.index_cast %add3A_943 : i32 to index
        %get3A_945 = tpu.vector_load %arg4[%get3A_944] {strides = array<i32>} : memref<32768xf32, #tpu.memory_space<vmem>>, vector<16xf32>,
        %get3A_946 = vector.shape_cast %get3A_945 : vector<16xf32> to vector<16xf32>
        %sub3A_947 = arith.subf %get3A_946, %select_n3A : vector<16xf32>
        %max3A_948 = arith.constant 0.000000e+00 : f32
        %max3A_949 = vector.broadcast %max3A_948 : f32 to vector<16xf32>
        %max3A_950 = arith.maximumf %sub3A_947, %max3A_949 : vector<16xf32>
        %add3A_951 = arith.addf %scan3A_711, %max3A_950 : vector<16xf32>
        %add3A_952 = arith.constant 368 : i32
        %add3A_953 = arith.addi %mul3A_722, %add3A_952 : i32
        %get3A_954 = arith.index_cast %add3A_953 : i32 to index
        %get3A_955 = tpu.vector_load %arg4[%get3A_954] {strides = array<i32>} : memref<32768xf32, #tpu.memory_space<vmem>>, vector<16xf32>,
        %get3A_956 = vector.shape_cast %get3A_955 : vector<16xf32> to vector<16xf32>
        %sub3A_957 = arith.subf %get3A_956, %select_n3A : vector<16xf32>
        %max3A_958 = arith.constant 0.000000e+00 : f32
        %max3A_959 = vector.broadcast %max3A_958 : f32 to vector<16xf32>
        %max3A_960 = arith.maximumf %sub3A_957, %max3A_959 : vector<16xf32>
        %add3A_961 = arith.addf %scan3A_712, %max3A_960 : vector<16xf32>
        %add3A_962 = arith.constant 384 : i32
        %add3A_963 = arith.addi %mul3A_722, %add3A_962 : i32
        %get3A_964 = arith.index_cast %add3A_963 : i32 to index
        %get3A_965 = tpu.vector_load %arg4[%get3A_964] {strides = array<i32>} : memref<32768xf32, #tpu.memory_space<vmem>>, vector<16xf32>,
        %get3A_966 = vector.shape_cast %get3A_965 : vector<16xf32> to vector<16xf32>
        %sub3A_967 = arith.subf %get3A_966, %select_n3A : vector<16xf32>
        %max3A_968 = arith.constant 0.000000e+00 : f32
        %max3A_969 = vector.broadcast %max3A_968 : f32 to vector<16xf32>
        %max3A_970 = arith.maximumf %sub3A_967, %max3A_969 : vector<16xf32>
        %add3A_971 = arith.addf %scan3A_713, %max3A_970 : vector<16xf32>
        %add3A_972 = arith.constant 400 : i32
        %add3A_973 = arith.addi %mul3A_722, %add3A_972 : i32
        %get3A_974 = arith.index_cast %add3A_973 : i32 to index
        %get3A_975 = tpu.vector_load %arg4[%get3A_974] {strides = array<i32>} : memref<32768xf32, #tpu.memory_space<vmem>>, vector<16xf32>,
        %get3A_976 = vector.shape_cast %get3A_975 : vector<16xf32> to vector<16xf32>
        %sub3A_977 = arith.subf %get3A_976, %select_n3A : vector<16xf32>
        %max3A_978 = arith.constant 0.000000e+00 : f32
        %max3A_979 = vector.broadcast %max3A_978 : f32 to vector<16xf32>
        %max3A_980 = arith.maximumf %sub3A_977, %max3A_979 : vector<16xf32>
        %add3A_981 = arith.addf %scan3A_714, %max3A_980 : vector<16xf32>
        %add3A_982 = arith.constant 416 : i32
        %add3A_983 = arith.addi %mul3A_722, %add3A_982 : i32
        %get3A_984 = arith.index_cast %add3A_983 : i32 to index
        %get3A_985 = tpu.vector_load %arg4[%get3A_984] {strides = array<i32>} : memref<32768xf32, #tpu.memory_space<vmem>>, vector<16xf32>,
        %get3A_986 = vector.shape_cast %get3A_985 : vector<16xf32> to vector<16xf32>
        %sub3A_987 = arith.subf %get3A_986, %select_n3A : vector<16xf32>
        %max3A_988 = arith.constant 0.000000e+00 : f32
        %max3A_989 = vector.broadcast %max3A_988 : f32 to vector<16xf32>
        %max3A_990 = arith.maximumf %sub3A_987, %max3A_989 : vector<16xf32>
        %add3A_991 = arith.addf %scan3A_715, %max3A_990 : vector<16xf32>
        %add3A_992 = arith.constant 432 : i32
        %add3A_993 = arith.addi %mul3A_722, %add3A_992 : i32
        %get3A_994 = arith.index_cast %add3A_993 : i32 to index
        %get3A_995 = tpu.vector_load %arg4[%get3A_994] {strides = array<i32>} : memref<32768xf32, #tpu.memory_space<vmem>>, vector<16xf32>,
        %get3A_996 = vector.shape_cast %get3A_995 : vector<16xf32> to vector<16xf32>
        %sub3A_997 = arith.subf %get3A_996, %select_n3A : vector<16xf32>
        %max3A_998 = arith.constant 0.000000e+00 : f32
        %max3A_999 = vector.broadcast %max3A_998 : f32 to vector<16xf32>
        %max3A_1000 = arith.maximumf %sub3A_997, %max3A_999 : vector<16xf32>
        %add3A_1001 = arith.addf %scan3A_716, %max3A_1000 : vector<16xf32>
        %add3A_1002 = arith.constant 448 : i32
        %add3A_1003 = arith.addi %mul3A_722, %add3A_1002 : i32
        %get3A_1004 = arith.index_cast %add3A_1003 : i32 to index
        %get3A_1005 = tpu.vector_load %arg4[%get3A_1004] {strides = array<i32>} : memref<32768xf32, #tpu.memory_space<vmem>>, vector<16xf32>,
        %get3A_1006 = vector.shape_cast %get3A_1005 : vector<16xf32> to vector<16xf32>
        %sub3A_1007 = arith.subf %get3A_1006, %select_n3A : vector<16xf32>
        %max3A_1008 = arith.constant 0.000000e+00 : f32
        %max3A_1009 = vector.broadcast %max3A_1008 : f32 to vector<16xf32>
        %max3A_1010 = arith.maximumf %sub3A_1007, %max3A_1009 : vector<16xf32>
        %add3A_1011 = arith.addf %scan3A_717, %max3A_1010 : vector<16xf32>
        %add3A_1012 = arith.constant 464 : i32
        %add3A_1013 = arith.addi %mul3A_722, %add3A_1012 : i32
        %get3A_1014 = arith.index_cast %add3A_1013 : i32 to index
        %get3A_1015 = tpu.vector_load %arg4[%get3A_1014] {strides = array<i32>} : memref<32768xf32, #tpu.memory_space<vmem>>, vector<16xf32>,
        %get3A_1016 = vector.shape_cast %get3A_1015 : vector<16xf32> to vector<16xf32>
        %sub3A_1017 = arith.subf %get3A_1016, %select_n3A : vector<16xf32>
        %max3A_1018 = arith.constant 0.000000e+00 : f32
        %max3A_1019 = vector.broadcast %max3A_1018 : f32 to vector<16xf32>
        %max3A_1020 = arith.maximumf %sub3A_1017, %max3A_1019 : vector<16xf32>
        %add3A_1021 = arith.addf %scan3A_718, %max3A_1020 : vector<16xf32>
        %add3A_1022 = arith.constant 480 : i32
        %add3A_1023 = arith.addi %mul3A_722, %add3A_1022 : i32
        %get3A_1024 = arith.index_cast %add3A_1023 : i32 to index
        %get3A_1025 = tpu.vector_load %arg4[%get3A_1024] {strides = array<i32>} : memref<32768xf32, #tpu.memory_space<vmem>>, vector<16xf32>,
        %get3A_1026 = vector.shape_cast %get3A_1025 : vector<16xf32> to vector<16xf32>
        %sub3A_1027 = arith.subf %get3A_1026, %select_n3A : vector<16xf32>
        %max3A_1028 = arith.constant 0.000000e+00 : f32
        %max3A_1029 = vector.broadcast %max3A_1028 : f32 to vector<16xf32>
        %max3A_1030 = arith.maximumf %sub3A_1027, %max3A_1029 : vector<16xf32>
        %add3A_1031 = arith.addf %scan3A_719, %max3A_1030 : vector<16xf32>
        %add3A_1032 = arith.constant 496 : i32
        %add3A_1033 = arith.addi %mul3A_722, %add3A_1032 : i32
        %get3A_1034 = arith.index_cast %add3A_1033 : i32 to index
        %get3A_1035 = tpu.vector_load %arg4[%get3A_1034] {strides = array<i32>} : memref<32768xf32, #tpu.memory_space<vmem>>, vector<16xf32>,
        %get3A_1036 = vector.shape_cast %get3A_1035 : vector<16xf32> to vector<16xf32>
        %sub3A_1037 = arith.subf %get3A_1036, %select_n3A : vector<16xf32>
        %max3A_1038 = arith.constant 0.000000e+00 : f32
        %max3A_1039 = vector.broadcast %max3A_1038 : f32 to vector<16xf32>
        %max3A_1040 = arith.maximumf %sub3A_1037, %max3A_1039 : vector<16xf32>
        %add3A_1041 = arith.addf %scan3A_720, %max3A_1040 : vector<16xf32>
        scf.yield %add3A_731, %add3A_741, %add3A_751, %add3A_761, %add3A_771, %add3A_781, %add3A_791, %add3A_801, %add3A_811, %add3A_821, %add3A_831, %add3A_841, %add3A_851, %add3A_861, %add3A_871, %add3A_881, %add3A_891, %add3A_901, %add3A_911, %add3A_921, %add3A_931, %add3A_941, %add3A_951, %add3A_961, %add3A_971, %add3A_981, %add3A_991, %add3A_1001, %add3A_1011, %add3A_1021, %add3A_1031, %add3A_1041 : vector<16xf32>, vector<16xf32>, vector<16xf32>, vector<16xf32>, vector<16xf32>, vector<16xf32>, vector<16xf32>, vector<16xf32>, vector<16xf32>, vector<16xf32>, vector<16xf32>, vector<16xf32>, vector<16xf32>, vector<16xf32>, vector<16xf32>, vector<16xf32>, vector<16xf32>, vector<16xf32>, vector<16xf32>, vector<16xf32>, vector<16xf32>, vector<16xf32>, vector<16xf32>, vector<16xf32>, vector<16xf32>, vector<16xf32>, vector<16xf32>, vector<16xf32>, vector<16xf32>, vector<16xf32>, vector<16xf32>, vector<16xf32>
      }
      %scan3A_598 = arith.constant 64 : i32
      %add3A_599 = arith.addf %scan3A_597#0, %scan3A_597#1 : vector<16xf32>
      %add3A_600 = arith.addf %add3A_599, %scan3A_597#2 : vector<16xf32>
      %add3A_601 = arith.addf %add3A_600, %scan3A_597#3 : vector<16xf32>
      %add3A_602 = arith.addf %add3A_601, %scan3A_597#4 : vector<16xf32>
      %add3A_603 = arith.addf %add3A_602, %scan3A_597#5 : vector<16xf32>
      %add3A_604 = arith.addf %add3A_603, %scan3A_597#6 : vector<16xf32>
      %add3A_605 = arith.addf %add3A_604, %scan3A_597#7 : vector<16xf32>
      %add3A_606 = arith.addf %add3A_605, %scan3A_597#8 : vector<16xf32>
      %add3A_607 = arith.addf %add3A_606, %scan3A_597#9 : vector<16xf32>
      %add3A_608 = arith.addf %add3A_607, %scan3A_597#10 : vector<16xf32>
      %add3A_609 = arith.addf %add3A_608, %scan3A_597#11 : vector<16xf32>
      %add3A_610 = arith.addf %add3A_609, %scan3A_597#12 : vector<16xf32>
      %add3A_611 = arith.addf %add3A_610, %scan3A_597#13 : vector<16xf32>
      %add3A_612 = arith.addf %add3A_611, %scan3A_597#14 : vector<16xf32>
      %add3A_613 = arith.addf %add3A_612, %scan3A_597#15 : vector<16xf32>
      %add3A_614 = arith.addf %add3A_613, %scan3A_597#16 : vector<16xf32>
      %add3A_615 = arith.addf %add3A_614, %scan3A_597#17 : vector<16xf32>
      %add3A_616 = arith.addf %add3A_615, %scan3A_597#18 : vector<16xf32>
      %add3A_617 = arith.addf %add3A_616, %scan3A_597#19 : vector<16xf32>
      %add3A_618 = arith.addf %add3A_617, %scan3A_597#20 : vector<16xf32>
      %add3A_619 = arith.addf %add3A_618, %scan3A_597#21 : vector<16xf32>
      %add3A_620 = arith.addf %add3A_619, %scan3A_597#22 : vector<16xf32>
      %add3A_621 = arith.addf %add3A_620, %scan3A_597#23 : vector<16xf32>
      %add3A_622 = arith.addf %add3A_621, %scan3A_597#24 : vector<16xf32>
      %add3A_623 = arith.addf %add3A_622, %scan3A_597#25 : vector<16xf32>
      %add3A_624 = arith.addf %add3A_623, %scan3A_597#26 : vector<16xf32>
      %add3A_625 = arith.addf %add3A_624, %scan3A_597#27 : vector<16xf32>
      %add3A_626 = arith.addf %add3A_625, %scan3A_597#28 : vector<16xf32>
      %add3A_627 = arith.addf %add3A_626, %scan3A_597#29 : vector<16xf32>
      %add3A_628 = arith.addf %add3A_627, %scan3A_597#30 : vector<16xf32>
      %add3A_629 = arith.addf %add3A_628, %scan3A_597#31 : vector<16xf32>
      %slice3A_630 = vector.extract_strided_slice %add3A_629 {offsets = [0], sizes = [1], strides = [1]} : vector<16xf32> to vector<1xf32>
      %squeeze3A_631 = vector.extract %slice3A_630[0] : f32 from vector<1xf32>
      %slice3A_632 = vector.extract_strided_slice %add3A_629 {offsets = [1], sizes = [1], strides = [1]} : vector<16xf32> to vector<1xf32>
      %squeeze3A_633 = vector.extract %slice3A_632[0] : f32 from vector<1xf32>
      %add3A_634 = arith.addf %squeeze3A_631, %squeeze3A_633 : f32
      %slice3A_635 = vector.extract_strided_slice %add3A_629 {offsets = [2], sizes = [1], strides = [1]} : vector<16xf32> to vector<1xf32>
      %squeeze3A_636 = vector.extract %slice3A_635[0] : f32 from vector<1xf32>
      %add3A_637 = arith.addf %add3A_634, %squeeze3A_636 : f32
      %slice3A_638 = vector.extract_strided_slice %add3A_629 {offsets = [3], sizes = [1], strides = [1]} : vector<16xf32> to vector<1xf32>
      %squeeze3A_639 = vector.extract %slice3A_638[0] : f32 from vector<1xf32>
      %add3A_640 = arith.addf %add3A_637, %squeeze3A_639 : f32
      %slice3A_641 = vector.extract_strided_slice %add3A_629 {offsets = [4], sizes = [1], strides = [1]} : vector<16xf32> to vector<1xf32>
      %squeeze3A_642 = vector.extract %slice3A_641[0] : f32 from vector<1xf32>
      %add3A_643 = arith.addf %add3A_640, %squeeze3A_642 : f32
      %slice3A_644 = vector.extract_strided_slice %add3A_629 {offsets = [5], sizes = [1], strides = [1]} : vector<16xf32> to vector<1xf32>
      %squeeze3A_645 = vector.extract %slice3A_644[0] : f32 from vector<1xf32>
      %add3A_646 = arith.addf %add3A_643, %squeeze3A_645 : f32
      %slice3A_647 = vector.extract_strided_slice %add3A_629 {offsets = [6], sizes = [1], strides = [1]} : vector<16xf32> to vector<1xf32>
      %squeeze3A_648 = vector.extract %slice3A_647[0] : f32 from vector<1xf32>
      %add3A_649 = arith.addf %add3A_646, %squeeze3A_648 : f32
      %slice3A_650 = vector.extract_strided_slice %add3A_629 {offsets = [7], sizes = [1], strides = [1]} : vector<16xf32> to vector<1xf32>
      %squeeze3A_651 = vector.extract %slice3A_650[0] : f32 from vector<1xf32>
      %add3A_652 = arith.addf %add3A_649, %squeeze3A_651 : f32
      %slice3A_653 = vector.extract_strided_slice %add3A_629 {offsets = [8], sizes = [1], strides = [1]} : vector<16xf32> to vector<1xf32>
      %squeeze3A_654 = vector.extract %slice3A_653[0] : f32 from vector<1xf32>
      %add3A_655 = arith.addf %add3A_652, %squeeze3A_654 : f32
      %slice3A_656 = vector.extract_strided_slice %add3A_629 {offsets = [9], sizes = [1], strides = [1]} : vector<16xf32> to vector<1xf32>
      %squeeze3A_657 = vector.extract %slice3A_656[0] : f32 from vector<1xf32>
      %add3A_658 = arith.addf %add3A_655, %squeeze3A_657 : f32
      %slice3A_659 = vector.extract_strided_slice %add3A_629 {offsets = [10], sizes = [1], strides = [1]} : vector<16xf32> to vector<1xf32>
      %squeeze3A_660 = vector.extract %slice3A_659[0] : f32 from vector<1xf32>
      %add3A_661 = arith.addf %add3A_658, %squeeze3A_660 : f32
      %slice3A_662 = vector.extract_strided_slice %add3A_629 {offsets = [11], sizes = [1], strides = [1]} : vector<16xf32> to vector<1xf32>
      %squeeze3A_663 = vector.extract %slice3A_662[0] : f32 from vector<1xf32>
      %add3A_664 = arith.addf %add3A_661, %squeeze3A_663 : f32
      %slice3A_665 = vector.extract_strided_slice %add3A_629 {offsets = [12], sizes = [1], strides = [1]} : vector<16xf32> to vector<1xf32>
      %squeeze3A_666 = vector.extract %slice3A_665[0] : f32 from vector<1xf32>
      %add3A_667 = arith.addf %add3A_664, %squeeze3A_666 : f32
      %slice3A_668 = vector.extract_strided_slice %add3A_629 {offsets = [13], sizes = [1], strides = [1]} : vector<16xf32> to vector<1xf32>
      %squeeze3A_669 = vector.extract %slice3A_668[0] : f32 from vector<1xf32>
      %add3A_670 = arith.addf %add3A_667, %squeeze3A_669 : f32
      %slice3A_671 = vector.extract_strided_slice %add3A_629 {offsets = [14], sizes = [1], strides = [1]} : vector<16xf32> to vector<1xf32>
      %squeeze3A_672 = vector.extract %slice3A_671[0] : f32 from vector<1xf32>
      %add3A_673 = arith.addf %add3A_670, %squeeze3A_672 : f32
      %slice3A_674 = vector.extract_strided_slice %add3A_629 {offsets = [15], sizes = [1], strides = [1]} : vector<16xf32> to vector<1xf32>
      %squeeze3A_675 = vector.extract %slice3A_674[0] : f32 from vector<1xf32>
      %add3A_676 = arith.addf %add3A_673, %squeeze3A_675 : f32
      %broadcast_in_dim3A_677 = vector.broadcast %add3A_676 : f32 to vector<16xf32>
      %sub3A_678 = arith.constant 1.000000e+00 : f32
      %sub3A_679 = vector.broadcast %sub3A_678 : f32 to vector<16xf32>
      %sub3A_680 = arith.subf %broadcast_in_dim3A_677, %sub3A_679 : vector<16xf32>
      %ge3A = arith.constant 0.000000e+00 : f32
      %ge3A_681 = vector.broadcast %ge3A : f32 to vector<16xf32>
      %ge3A_682 = arith.cmpf oge, %sub3A_680, %ge3A_681 : vector<16xf32>
      %select_n3A_683 = arith.select %ge3A_682, %select_n3A, %scan3A_491 : vector<16xi1>, vector<16xf32>
      %select_n3A_684 = arith.select %ge3A_682, %scan3A_492, %select_n3A : vector<16xi1>, vector<16xf32>
      %select_n3A_685 = arith.select %ge3A_682, %sub3A_680, %scan3A_493 : vector<16xi1>, vector<16xf32>
      %select_n3A_686 = arith.select %ge3A_682, %scan3A_491, %scan3A_494 : vector<16xi1>, vector<16xf32>
      %select_n3A_687 = arith.select %ge3A_682, %scan3A_493, %scan3A_495 : vector<16xi1>, vector<16xf32>
      scf.yield %select_n3A_683, %select_n3A_684, %select_n3A_685, %select_n3A_686, %select_n3A_687 : vector<16xf32>, vector<16xf32>, vector<16xf32>, vector<16xf32>, vector<16xf32>
    }
    %scan3A_310 = arith.constant 6 : i32
    %broadcast_in_dim3A_311 = arith.constant 0.000000e+00 : f32
    %broadcast_in_dim3A_312 = vector.broadcast %broadcast_in_dim3A_311 : f32 to vector<16xf32>
    %broadcast_in_dim3A_313 = arith.constant 0.000000e+00 : f32
    %broadcast_in_dim3A_314 = vector.broadcast %broadcast_in_dim3A_313 : f32 to vector<16xf32>
    %broadcast_in_dim3A_315 = arith.constant 0.000000e+00 : f32
    %broadcast_in_dim3A_316 = vector.broadcast %broadcast_in_dim3A_315 : f32 to vector<16xf32>
    %broadcast_in_dim3A_317 = arith.constant 0.000000e+00 : f32
    %broadcast_in_dim3A_318 = vector.broadcast %broadcast_in_dim3A_317 : f32 to vector<16xf32>
    %broadcast_in_dim3A_319 = arith.constant 0.000000e+00 : f32
    %broadcast_in_dim3A_320 = vector.broadcast %broadcast_in_dim3A_319 : f32 to vector<16xf32>
    %broadcast_in_dim3A_321 = arith.constant 0.000000e+00 : f32
    %broadcast_in_dim3A_322 = vector.broadcast %broadcast_in_dim3A_321 : f32 to vector<16xf32>
    %broadcast_in_dim3A_323 = arith.constant 0.000000e+00 : f32
    %broadcast_in_dim3A_324 = vector.broadcast %broadcast_in_dim3A_323 : f32 to vector<16xf32>
    %broadcast_in_dim3A_325 = arith.constant 0.000000e+00 : f32
    %broadcast_in_dim3A_326 = vector.broadcast %broadcast_in_dim3A_325 : f32 to vector<16xf32>
    %broadcast_in_dim3A_327 = arith.constant 0.000000e+00 : f32
    %broadcast_in_dim3A_328 = vector.broadcast %broadcast_in_dim3A_327 : f32 to vector<16xf32>
    %broadcast_in_dim3A_329 = arith.constant 0.000000e+00 : f32
    %broadcast_in_dim3A_330 = vector.broadcast %broadcast_in_dim3A_329 : f32 to vector<16xf32>
    %broadcast_in_dim3A_331 = arith.constant 0.000000e+00 : f32
    %broadcast_in_dim3A_332 = vector.broadcast %broadcast_in_dim3A_331 : f32 to vector<16xf32>
    %broadcast_in_dim3A_333 = arith.constant 0.000000e+00 : f32
    %broadcast_in_dim3A_334 = vector.broadcast %broadcast_in_dim3A_333 : f32 to vector<16xf32>
    %broadcast_in_dim3A_335 = arith.constant 0.000000e+00 : f32
    %broadcast_in_dim3A_336 = vector.broadcast %broadcast_in_dim3A_335 : f32 to vector<16xf32>
    %broadcast_in_dim3A_337 = arith.constant 0.000000e+00 : f32
    %broadcast_in_dim3A_338 = vector.broadcast %broadcast_in_dim3A_337 : f32 to vector<16xf32>
    %broadcast_in_dim3A_339 = arith.constant 0.000000e+00 : f32
    %broadcast_in_dim3A_340 = vector.broadcast %broadcast_in_dim3A_339 : f32 to vector<16xf32>
    %broadcast_in_dim3A_341 = arith.constant 0.000000e+00 : f32
    %broadcast_in_dim3A_342 = vector.broadcast %broadcast_in_dim3A_341 : f32 to vector<16xf32>
    %broadcast_in_dim3A_343 = arith.constant 0.000000e+00 : f32
    %broadcast_in_dim3A_344 = vector.broadcast %broadcast_in_dim3A_343 : f32 to vector<16xf32>
    %broadcast_in_dim3A_345 = arith.constant 0.000000e+00 : f32
    %broadcast_in_dim3A_346 = vector.broadcast %broadcast_in_dim3A_345 : f32 to vector<16xf32>
    %broadcast_in_dim3A_347 = arith.constant 0.000000e+00 : f32
    %broadcast_in_dim3A_348 = vector.broadcast %broadcast_in_dim3A_347 : f32 to vector<16xf32>
    %broadcast_in_dim3A_349 = arith.constant 0.000000e+00 : f32
    %broadcast_in_dim3A_350 = vector.broadcast %broadcast_in_dim3A_349 : f32 to vector<16xf32>
    %broadcast_in_dim3A_351 = arith.constant 0.000000e+00 : f32
    %broadcast_in_dim3A_352 = vector.broadcast %broadcast_in_dim3A_351 : f32 to vector<16xf32>
    %broadcast_in_dim3A_353 = arith.constant 0.000000e+00 : f32
    %broadcast_in_dim3A_354 = vector.broadcast %broadcast_in_dim3A_353 : f32 to vector<16xf32>
    %broadcast_in_dim3A_355 = arith.constant 0.000000e+00 : f32
    %broadcast_in_dim3A_356 = vector.broadcast %broadcast_in_dim3A_355 : f32 to vector<16xf32>
    %broadcast_in_dim3A_357 = arith.constant 0.000000e+00 : f32
    %broadcast_in_dim3A_358 = vector.broadcast %broadcast_in_dim3A_357 : f32 to vector<16xf32>
    %broadcast_in_dim3A_359 = arith.constant 0.000000e+00 : f32
    %broadcast_in_dim3A_360 = vector.broadcast %broadcast_in_dim3A_359 : f32 to vector<16xf32>
    %broadcast_in_dim3A_361 = arith.constant 0.000000e+00 : f32
    %broadcast_in_dim3A_362 = vector.broadcast %broadcast_in_dim3A_361 : f32 to vector<16xf32>
    %broadcast_in_dim3A_363 = arith.constant 0.000000e+00 : f32
    %broadcast_in_dim3A_364 = vector.broadcast %broadcast_in_dim3A_363 : f32 to vector<16xf32>
    %broadcast_in_dim3A_365 = arith.constant 0.000000e+00 : f32
    %broadcast_in_dim3A_366 = vector.broadcast %broadcast_in_dim3A_365 : f32 to vector<16xf32>
    %broadcast_in_dim3A_367 = arith.constant 0.000000e+00 : f32
    %broadcast_in_dim3A_368 = vector.broadcast %broadcast_in_dim3A_367 : f32 to vector<16xf32>
    %broadcast_in_dim3A_369 = arith.constant 0.000000e+00 : f32
    %broadcast_in_dim3A_370 = vector.broadcast %broadcast_in_dim3A_369 : f32 to vector<16xf32>
    %broadcast_in_dim3A_371 = arith.constant 0.000000e+00 : f32
    %broadcast_in_dim3A_372 = vector.broadcast %broadcast_in_dim3A_371 : f32 to vector<16xf32>
    %broadcast_in_dim3A_373 = arith.constant 0.000000e+00 : f32
    %broadcast_in_dim3A_374 = vector.broadcast %broadcast_in_dim3A_373 : f32 to vector<16xf32>
    %scan3A_375 = arith.constant 0 : i32
    %scan3A_376 = arith.constant 64 : i32
    %scan3A_377 = arith.addi %scan3A_375, %scan3A_376 : i32
    %scan3A_378 = arith.constant 1 : i32
    %scan3A_379:32 = scf.for %scan3A_490 = %scan3A_375 to %scan3A_377 step %scan3A_378 iter_args(%scan3A_491 = %broadcast_in_dim3A_312, %scan3A_492 = %broadcast_in_dim3A_314, %scan3A_493 = %broadcast_in_dim3A_316, %scan3A_494 = %broadcast_in_dim3A_318, %scan3A_495 = %broadcast_in_dim3A_320, %scan3A_496 = %broadcast_in_dim3A_322, %scan3A_497 = %broadcast_in_dim3A_324, %scan3A_498 = %broadcast_in_dim3A_326, %scan3A_499 = %broadcast_in_dim3A_328, %scan3A_500 = %broadcast_in_dim3A_330, %scan3A_501 = %broadcast_in_dim3A_332, %scan3A_502 = %broadcast_in_dim3A_334, %scan3A_503 = %broadcast_in_dim3A_336, %scan3A_504 = %broadcast_in_dim3A_338, %scan3A_505 = %broadcast_in_dim3A_340, %scan3A_506 = %broadcast_in_dim3A_342, %scan3A_507 = %broadcast_in_dim3A_344, %scan3A_508 = %broadcast_in_dim3A_346, %scan3A_509 = %broadcast_in_dim3A_348, %scan3A_510 = %broadcast_in_dim3A_350, %scan3A_511 = %broadcast_in_dim3A_352, %scan3A_512 = %broadcast_in_dim3A_354, %scan3A_513 = %broadcast_in_dim3A_356, %scan3A_514 = %broadcast_in_dim3A_358, %scan3A_515 = %broadcast_in_dim3A_360, %scan3A_516 = %broadcast_in_dim3A_362, %scan3A_517 = %broadcast_in_dim3A_364, %scan3A_518 = %broadcast_in_dim3A_366, %scan3A_519 = %broadcast_in_dim3A_368, %scan3A_520 = %broadcast_in_dim3A_370, %scan3A_521 = %broadcast_in_dim3A_372, %scan3A_522 = %broadcast_in_dim3A_374) -> (vector<16xf32>, vector<16xf32>, vector<16xf32>, vector<16xf32>, vector<16xf32>, vector<16xf32>, vector<16xf32>, vector<16xf32>, vector<16xf32>, vector<16xf32>, vector<16xf32>, vector<16xf32>, vector<16xf32>, vector<16xf32>, vector<16xf32>, vector<16xf32>, vector<16xf32>, vector<16xf32>, vector<16xf32>, vector<16xf32>, vector<16xf32>, vector<16xf32>, vector<16xf32>, vector<16xf32>, vector<16xf32>, vector<16xf32>, vector<16xf32>, vector<16xf32>, vector<16xf32>, vector<16xf32>, vector<16xf32>, vector<16xf32>)  : i32 {
      %mul3A_523 = arith.constant 512 : i32
      %mul3A_524 = arith.muli %scan3A_490, %mul3A_523 : i32
      %add3A_525 = arith.constant 0 : i32
      %add3A_526 = arith.addi %mul3A_524, %add3A_525 : i32
      %get3A = arith.index_cast %add3A_526 : i32 to index
      %get3A_527 = tpu.vector_load %arg4[%get3A] {strides = array<i32>} : memref<32768xf32, #tpu.memory_space<vmem>>, vector<16xf32>,
      %get3A_528 = vector.shape_cast %get3A_527 : vector<16xf32> to vector<16xf32>
      %gt3A = arith.cmpf ogt, %get3A_528, %scan3A_309#0 : vector<16xf32>
      %jit3A = arith.constant 1.000000e+00 : f32
      %jit3A_529 = arith.constant 0.000000e+00 : f32
      %broadcast_in_dim3A_530 = vector.broadcast %jit3A : f32 to vector<16xf32>
      %broadcast_in_dim3A_531 = vector.broadcast %jit3A_529 : f32 to vector<16xf32>
      %select_n3A = arith.select %gt3A, %broadcast_in_dim3A_530, %broadcast_in_dim3A_531 : vector<16xi1>, vector<16xf32>
      %add3A_532 = arith.addf %scan3A_491, %select_n3A : vector<16xf32>
      %add3A_533 = arith.constant 16 : i32
      %add3A_534 = arith.addi %mul3A_524, %add3A_533 : i32
      %get3A_535 = arith.index_cast %add3A_534 : i32 to index
      %get3A_536 = tpu.vector_load %arg4[%get3A_535] {strides = array<i32>} : memref<32768xf32, #tpu.memory_space<vmem>>, vector<16xf32>,
      %get3A_537 = vector.shape_cast %get3A_536 : vector<16xf32> to vector<16xf32>
      %gt3A_538 = arith.cmpf ogt, %get3A_537, %scan3A_309#0 : vector<16xf32>
      %jit3A_539 = arith.constant 1.000000e+00 : f32
      %jit3A_540 = arith.constant 0.000000e+00 : f32
      %broadcast_in_dim3A_541 = vector.broadcast %jit3A_539 : f32 to vector<16xf32>
      %broadcast_in_dim3A_542 = vector.broadcast %jit3A_540 : f32 to vector<16xf32>
      %select_n3A_543 = arith.select %gt3A_538, %broadcast_in_dim3A_541, %broadcast_in_dim3A_542 : vector<16xi1>, vector<16xf32>
      %add3A_544 = arith.addf %scan3A_492, %select_n3A_543 : vector<16xf32>
      %add3A_545 = arith.constant 32 : i32
      %add3A_546 = arith.addi %mul3A_524, %add3A_545 : i32
      %get3A_547 = arith.index_cast %add3A_546 : i32 to index
      %get3A_548 = tpu.vector_load %arg4[%get3A_547] {strides = array<i32>} : memref<32768xf32, #tpu.memory_space<vmem>>, vector<16xf32>,
      %get3A_549 = vector.shape_cast %get3A_548 : vector<16xf32> to vector<16xf32>
      %gt3A_550 = arith.cmpf ogt, %get3A_549, %scan3A_309#0 : vector<16xf32>
      %jit3A_551 = arith.constant 1.000000e+00 : f32
      %jit3A_552 = arith.constant 0.000000e+00 : f32
      %broadcast_in_dim3A_553 = vector.broadcast %jit3A_551 : f32 to vector<16xf32>
      %broadcast_in_dim3A_554 = vector.broadcast %jit3A_552 : f32 to vector<16xf32>
      %select_n3A_555 = arith.select %gt3A_550, %broadcast_in_dim3A_553, %broadcast_in_dim3A_554 : vector<16xi1>, vector<16xf32>
      %add3A_556 = arith.addf %scan3A_493, %select_n3A_555 : vector<16xf32>
      %add3A_557 = arith.constant 48 : i32
      %add3A_558 = arith.addi %mul3A_524, %add3A_557 : i32
      %get3A_559 = arith.index_cast %add3A_558 : i32 to index
      %get3A_560 = tpu.vector_load %arg4[%get3A_559] {strides = array<i32>} : memref<32768xf32, #tpu.memory_space<vmem>>, vector<16xf32>,
      %get3A_561 = vector.shape_cast %get3A_560 : vector<16xf32> to vector<16xf32>
      %gt3A_562 = arith.cmpf ogt, %get3A_561, %scan3A_309#0 : vector<16xf32>
      %jit3A_563 = arith.constant 1.000000e+00 : f32
      %jit3A_564 = arith.constant 0.000000e+00 : f32
      %broadcast_in_dim3A_565 = vector.broadcast %jit3A_563 : f32 to vector<16xf32>
      %broadcast_in_dim3A_566 = vector.broadcast %jit3A_564 : f32 to vector<16xf32>
      %select_n3A_567 = arith.select %gt3A_562, %broadcast_in_dim3A_565, %broadcast_in_dim3A_566 : vector<16xi1>, vector<16xf32>
      %add3A_568 = arith.addf %scan3A_494, %select_n3A_567 : vector<16xf32>
      %add3A_569 = arith.constant 64 : i32
      %add3A_570 = arith.addi %mul3A_524, %add3A_569 : i32
      %get3A_571 = arith.index_cast %add3A_570 : i32 to index
      %get3A_572 = tpu.vector_load %arg4[%get3A_571] {strides = array<i32>} : memref<32768xf32, #tpu.memory_space<vmem>>, vector<16xf32>,
      %get3A_573 = vector.shape_cast %get3A_572 : vector<16xf32> to vector<16xf32>
      %gt3A_574 = arith.cmpf ogt, %get3A_573, %scan3A_309#0 : vector<16xf32>
      %jit3A_575 = arith.constant 1.000000e+00 : f32
      %jit3A_576 = arith.constant 0.000000e+00 : f32
      %broadcast_in_dim3A_577 = vector.broadcast %jit3A_575 : f32 to vector<16xf32>
      %broadcast_in_dim3A_578 = vector.broadcast %jit3A_576 : f32 to vector<16xf32>
      %select_n3A_579 = arith.select %gt3A_574, %broadcast_in_dim3A_577, %broadcast_in_dim3A_578 : vector<16xi1>, vector<16xf32>
      %add3A_580 = arith.addf %scan3A_495, %select_n3A_579 : vector<16xf32>
      %add3A_581 = arith.constant 80 : i32
      %add3A_582 = arith.addi %mul3A_524, %add3A_581 : i32
      %get3A_583 = arith.index_cast %add3A_582 : i32 to index
      %get3A_584 = tpu.vector_load %arg4[%get3A_583] {strides = array<i32>} : memref<32768xf32, #tpu.memory_space<vmem>>, vector<16xf32>,
      %get3A_585 = vector.shape_cast %get3A_584 : vector<16xf32> to vector<16xf32>
      %gt3A_586 = arith.cmpf ogt, %get3A_585, %scan3A_309#0 : vector<16xf32>
      %jit3A_587 = arith.constant 1.000000e+00 : f32
      %jit3A_588 = arith.constant 0.000000e+00 : f32
      %broadcast_in_dim3A_589 = vector.broadcast %jit3A_587 : f32 to vector<16xf32>
      %broadcast_in_dim3A_590 = vector.broadcast %jit3A_588 : f32 to vector<16xf32>
      %select_n3A_591 = arith.select %gt3A_586, %broadcast_in_dim3A_589, %broadcast_in_dim3A_590 : vector<16xi1>, vector<16xf32>
      %add3A_592 = arith.addf %scan3A_496, %select_n3A_591 : vector<16xf32>
      %add3A_593 = arith.constant 96 : i32
      %add3A_594 = arith.addi %mul3A_524, %add3A_593 : i32
      %get3A_595 = arith.index_cast %add3A_594 : i32 to index
      %get3A_596 = tpu.vector_load %arg4[%get3A_595] {strides = array<i32>} : memref<32768xf32, #tpu.memory_space<vmem>>, vector<16xf32>,
      %get3A_597 = vector.shape_cast %get3A_596 : vector<16xf32> to vector<16xf32>
      %gt3A_598 = arith.cmpf ogt, %get3A_597, %scan3A_309#0 : vector<16xf32>
      %jit3A_599 = arith.constant 1.000000e+00 : f32
      %jit3A_600 = arith.constant 0.000000e+00 : f32
      %broadcast_in_dim3A_601 = vector.broadcast %jit3A_599 : f32 to vector<16xf32>
      %broadcast_in_dim3A_602 = vector.broadcast %jit3A_600 : f32 to vector<16xf32>
      %select_n3A_603 = arith.select %gt3A_598, %broadcast_in_dim3A_601, %broadcast_in_dim3A_602 : vector<16xi1>, vector<16xf32>
      %add3A_604 = arith.addf %scan3A_497, %select_n3A_603 : vector<16xf32>
      %add3A_605 = arith.constant 112 : i32
      %add3A_606 = arith.addi %mul3A_524, %add3A_605 : i32
      %get3A_607 = arith.index_cast %add3A_606 : i32 to index
      %get3A_608 = tpu.vector_load %arg4[%get3A_607] {strides = array<i32>} : memref<32768xf32, #tpu.memory_space<vmem>>, vector<16xf32>,
      %get3A_609 = vector.shape_cast %get3A_608 : vector<16xf32> to vector<16xf32>
      %gt3A_610 = arith.cmpf ogt, %get3A_609, %scan3A_309#0 : vector<16xf32>
      %jit3A_611 = arith.constant 1.000000e+00 : f32
      %jit3A_612 = arith.constant 0.000000e+00 : f32
      %broadcast_in_dim3A_613 = vector.broadcast %jit3A_611 : f32 to vector<16xf32>
      %broadcast_in_dim3A_614 = vector.broadcast %jit3A_612 : f32 to vector<16xf32>
      %select_n3A_615 = arith.select %gt3A_610, %broadcast_in_dim3A_613, %broadcast_in_dim3A_614 : vector<16xi1>, vector<16xf32>
      %add3A_616 = arith.addf %scan3A_498, %select_n3A_615 : vector<16xf32>
      %add3A_617 = arith.constant 128 : i32
      %add3A_618 = arith.addi %mul3A_524, %add3A_617 : i32
      %get3A_619 = arith.index_cast %add3A_618 : i32 to index
      %get3A_620 = tpu.vector_load %arg4[%get3A_619] {strides = array<i32>} : memref<32768xf32, #tpu.memory_space<vmem>>, vector<16xf32>,
      %get3A_621 = vector.shape_cast %get3A_620 : vector<16xf32> to vector<16xf32>
      %gt3A_622 = arith.cmpf ogt, %get3A_621, %scan3A_309#0 : vector<16xf32>
      %jit3A_623 = arith.constant 1.000000e+00 : f32
      %jit3A_624 = arith.constant 0.000000e+00 : f32
      %broadcast_in_dim3A_625 = vector.broadcast %jit3A_623 : f32 to vector<16xf32>
      %broadcast_in_dim3A_626 = vector.broadcast %jit3A_624 : f32 to vector<16xf32>
      %select_n3A_627 = arith.select %gt3A_622, %broadcast_in_dim3A_625, %broadcast_in_dim3A_626 : vector<16xi1>, vector<16xf32>
      %add3A_628 = arith.addf %scan3A_499, %select_n3A_627 : vector<16xf32>
      %add3A_629 = arith.constant 144 : i32
      %add3A_630 = arith.addi %mul3A_524, %add3A_629 : i32
      %get3A_631 = arith.index_cast %add3A_630 : i32 to index
      %get3A_632 = tpu.vector_load %arg4[%get3A_631] {strides = array<i32>} : memref<32768xf32, #tpu.memory_space<vmem>>, vector<16xf32>,
      %get3A_633 = vector.shape_cast %get3A_632 : vector<16xf32> to vector<16xf32>
      %gt3A_634 = arith.cmpf ogt, %get3A_633, %scan3A_309#0 : vector<16xf32>
      %jit3A_635 = arith.constant 1.000000e+00 : f32
      %jit3A_636 = arith.constant 0.000000e+00 : f32
      %broadcast_in_dim3A_637 = vector.broadcast %jit3A_635 : f32 to vector<16xf32>
      %broadcast_in_dim3A_638 = vector.broadcast %jit3A_636 : f32 to vector<16xf32>
      %select_n3A_639 = arith.select %gt3A_634, %broadcast_in_dim3A_637, %broadcast_in_dim3A_638 : vector<16xi1>, vector<16xf32>
      %add3A_640 = arith.addf %scan3A_500, %select_n3A_639 : vector<16xf32>
      %add3A_641 = arith.constant 160 : i32
      %add3A_642 = arith.addi %mul3A_524, %add3A_641 : i32
      %get3A_643 = arith.index_cast %add3A_642 : i32 to index
      %get3A_644 = tpu.vector_load %arg4[%get3A_643] {strides = array<i32>} : memref<32768xf32, #tpu.memory_space<vmem>>, vector<16xf32>,
      %get3A_645 = vector.shape_cast %get3A_644 : vector<16xf32> to vector<16xf32>
      %gt3A_646 = arith.cmpf ogt, %get3A_645, %scan3A_309#0 : vector<16xf32>
      %jit3A_647 = arith.constant 1.000000e+00 : f32
      %jit3A_648 = arith.constant 0.000000e+00 : f32
      %broadcast_in_dim3A_649 = vector.broadcast %jit3A_647 : f32 to vector<16xf32>
      %broadcast_in_dim3A_650 = vector.broadcast %jit3A_648 : f32 to vector<16xf32>
      %select_n3A_651 = arith.select %gt3A_646, %broadcast_in_dim3A_649, %broadcast_in_dim3A_650 : vector<16xi1>, vector<16xf32>
      %add3A_652 = arith.addf %scan3A_501, %select_n3A_651 : vector<16xf32>
      %add3A_653 = arith.constant 176 : i32
      %add3A_654 = arith.addi %mul3A_524, %add3A_653 : i32
      %get3A_655 = arith.index_cast %add3A_654 : i32 to index
      %get3A_656 = tpu.vector_load %arg4[%get3A_655] {strides = array<i32>} : memref<32768xf32, #tpu.memory_space<vmem>>, vector<16xf32>,
      %get3A_657 = vector.shape_cast %get3A_656 : vector<16xf32> to vector<16xf32>
      %gt3A_658 = arith.cmpf ogt, %get3A_657, %scan3A_309#0 : vector<16xf32>
      %jit3A_659 = arith.constant 1.000000e+00 : f32
      %jit3A_660 = arith.constant 0.000000e+00 : f32
      %broadcast_in_dim3A_661 = vector.broadcast %jit3A_659 : f32 to vector<16xf32>
      %broadcast_in_dim3A_662 = vector.broadcast %jit3A_660 : f32 to vector<16xf32>
      %select_n3A_663 = arith.select %gt3A_658, %broadcast_in_dim3A_661, %broadcast_in_dim3A_662 : vector<16xi1>, vector<16xf32>
      %add3A_664 = arith.addf %scan3A_502, %select_n3A_663 : vector<16xf32>
      %add3A_665 = arith.constant 192 : i32
      %add3A_666 = arith.addi %mul3A_524, %add3A_665 : i32
      %get3A_667 = arith.index_cast %add3A_666 : i32 to index
      %get3A_668 = tpu.vector_load %arg4[%get3A_667] {strides = array<i32>} : memref<32768xf32, #tpu.memory_space<vmem>>, vector<16xf32>,
      %get3A_669 = vector.shape_cast %get3A_668 : vector<16xf32> to vector<16xf32>
      %gt3A_670 = arith.cmpf ogt, %get3A_669, %scan3A_309#0 : vector<16xf32>
      %jit3A_671 = arith.constant 1.000000e+00 : f32
      %jit3A_672 = arith.constant 0.000000e+00 : f32
      %broadcast_in_dim3A_673 = vector.broadcast %jit3A_671 : f32 to vector<16xf32>
      %broadcast_in_dim3A_674 = vector.broadcast %jit3A_672 : f32 to vector<16xf32>
      %select_n3A_675 = arith.select %gt3A_670, %broadcast_in_dim3A_673, %broadcast_in_dim3A_674 : vector<16xi1>, vector<16xf32>
      %add3A_676 = arith.addf %scan3A_503, %select_n3A_675 : vector<16xf32>
      %add3A_677 = arith.constant 208 : i32
      %add3A_678 = arith.addi %mul3A_524, %add3A_677 : i32
      %get3A_679 = arith.index_cast %add3A_678 : i32 to index
      %get3A_680 = tpu.vector_load %arg4[%get3A_679] {strides = array<i32>} : memref<32768xf32, #tpu.memory_space<vmem>>, vector<16xf32>,
      %get3A_681 = vector.shape_cast %get3A_680 : vector<16xf32> to vector<16xf32>
      %gt3A_682 = arith.cmpf ogt, %get3A_681, %scan3A_309#0 : vector<16xf32>
      %jit3A_683 = arith.constant 1.000000e+00 : f32
      %jit3A_684 = arith.constant 0.000000e+00 : f32
      %broadcast_in_dim3A_685 = vector.broadcast %jit3A_683 : f32 to vector<16xf32>
      %broadcast_in_dim3A_686 = vector.broadcast %jit3A_684 : f32 to vector<16xf32>
      %select_n3A_687 = arith.select %gt3A_682, %broadcast_in_dim3A_685, %broadcast_in_dim3A_686 : vector<16xi1>, vector<16xf32>
      %add3A_688 = arith.addf %scan3A_504, %select_n3A_687 : vector<16xf32>
      %add3A_689 = arith.constant 224 : i32
      %add3A_690 = arith.addi %mul3A_524, %add3A_689 : i32
      %get3A_691 = arith.index_cast %add3A_690 : i32 to index
      %get3A_692 = tpu.vector_load %arg4[%get3A_691] {strides = array<i32>} : memref<32768xf32, #tpu.memory_space<vmem>>, vector<16xf32>,
      %get3A_693 = vector.shape_cast %get3A_692 : vector<16xf32> to vector<16xf32>
      %gt3A_694 = arith.cmpf ogt, %get3A_693, %scan3A_309#0 : vector<16xf32>
      %jit3A_695 = arith.constant 1.000000e+00 : f32
      %jit3A_696 = arith.constant 0.000000e+00 : f32
      %broadcast_in_dim3A_697 = vector.broadcast %jit3A_695 : f32 to vector<16xf32>
      %broadcast_in_dim3A_698 = vector.broadcast %jit3A_696 : f32 to vector<16xf32>
      %select_n3A_699 = arith.select %gt3A_694, %broadcast_in_dim3A_697, %broadcast_in_dim3A_698 : vector<16xi1>, vector<16xf32>
      %add3A_700 = arith.addf %scan3A_505, %select_n3A_699 : vector<16xf32>
      %add3A_701 = arith.constant 240 : i32
      %add3A_702 = arith.addi %mul3A_524, %add3A_701 : i32
      %get3A_703 = arith.index_cast %add3A_702 : i32 to index
      %get3A_704 = tpu.vector_load %arg4[%get3A_703] {strides = array<i32>} : memref<32768xf32, #tpu.memory_space<vmem>>, vector<16xf32>,
      %get3A_705 = vector.shape_cast %get3A_704 : vector<16xf32> to vector<16xf32>
      %gt3A_706 = arith.cmpf ogt, %get3A_705, %scan3A_309#0 : vector<16xf32>
      %jit3A_707 = arith.constant 1.000000e+00 : f32
      %jit3A_708 = arith.constant 0.000000e+00 : f32
      %broadcast_in_dim3A_709 = vector.broadcast %jit3A_707 : f32 to vector<16xf32>
      %broadcast_in_dim3A_710 = vector.broadcast %jit3A_708 : f32 to vector<16xf32>
      %select_n3A_711 = arith.select %gt3A_706, %broadcast_in_dim3A_709, %broadcast_in_dim3A_710 : vector<16xi1>, vector<16xf32>
      %add3A_712 = arith.addf %scan3A_506, %select_n3A_711 : vector<16xf32>
      %add3A_713 = arith.constant 256 : i32
      %add3A_714 = arith.addi %mul3A_524, %add3A_713 : i32
      %get3A_715 = arith.index_cast %add3A_714 : i32 to index
      %get3A_716 = tpu.vector_load %arg4[%get3A_715] {strides = array<i32>} : memref<32768xf32, #tpu.memory_space<vmem>>, vector<16xf32>,
      %get3A_717 = vector.shape_cast %get3A_716 : vector<16xf32> to vector<16xf32>
      %gt3A_718 = arith.cmpf ogt, %get3A_717, %scan3A_309#0 : vector<16xf32>
      %jit3A_719 = arith.constant 1.000000e+00 : f32
      %jit3A_720 = arith.constant 0.000000e+00 : f32
      %broadcast_in_dim3A_721 = vector.broadcast %jit3A_719 : f32 to vector<16xf32>
      %broadcast_in_dim3A_722 = vector.broadcast %jit3A_720 : f32 to vector<16xf32>
      %select_n3A_723 = arith.select %gt3A_718, %broadcast_in_dim3A_721, %broadcast_in_dim3A_722 : vector<16xi1>, vector<16xf32>
      %add3A_724 = arith.addf %scan3A_507, %select_n3A_723 : vector<16xf32>
      %add3A_725 = arith.constant 272 : i32
      %add3A_726 = arith.addi %mul3A_524, %add3A_725 : i32
      %get3A_727 = arith.index_cast %add3A_726 : i32 to index
      %get3A_728 = tpu.vector_load %arg4[%get3A_727] {strides = array<i32>} : memref<32768xf32, #tpu.memory_space<vmem>>, vector<16xf32>,
      %get3A_729 = vector.shape_cast %get3A_728 : vector<16xf32> to vector<16xf32>
      %gt3A_730 = arith.cmpf ogt, %get3A_729, %scan3A_309#0 : vector<16xf32>
      %jit3A_731 = arith.constant 1.000000e+00 : f32
      %jit3A_732 = arith.constant 0.000000e+00 : f32
      %broadcast_in_dim3A_733 = vector.broadcast %jit3A_731 : f32 to vector<16xf32>
      %broadcast_in_dim3A_734 = vector.broadcast %jit3A_732 : f32 to vector<16xf32>
      %select_n3A_735 = arith.select %gt3A_730, %broadcast_in_dim3A_733, %broadcast_in_dim3A_734 : vector<16xi1>, vector<16xf32>
      %add3A_736 = arith.addf %scan3A_508, %select_n3A_735 : vector<16xf32>
      %add3A_737 = arith.constant 288 : i32
      %add3A_738 = arith.addi %mul3A_524, %add3A_737 : i32
      %get3A_739 = arith.index_cast %add3A_738 : i32 to index
      %get3A_740 = tpu.vector_load %arg4[%get3A_739] {strides = array<i32>} : memref<32768xf32, #tpu.memory_space<vmem>>, vector<16xf32>,
      %get3A_741 = vector.shape_cast %get3A_740 : vector<16xf32> to vector<16xf32>
      %gt3A_742 = arith.cmpf ogt, %get3A_741, %scan3A_309#0 : vector<16xf32>
      %jit3A_743 = arith.constant 1.000000e+00 : f32
      %jit3A_744 = arith.constant 0.000000e+00 : f32
      %broadcast_in_dim3A_745 = vector.broadcast %jit3A_743 : f32 to vector<16xf32>
      %broadcast_in_dim3A_746 = vector.broadcast %jit3A_744 : f32 to vector<16xf32>
      %select_n3A_747 = arith.select %gt3A_742, %broadcast_in_dim3A_745, %broadcast_in_dim3A_746 : vector<16xi1>, vector<16xf32>
      %add3A_748 = arith.addf %scan3A_509, %select_n3A_747 : vector<16xf32>
      %add3A_749 = arith.constant 304 : i32
      %add3A_750 = arith.addi %mul3A_524, %add3A_749 : i32
      %get3A_751 = arith.index_cast %add3A_750 : i32 to index
      %get3A_752 = tpu.vector_load %arg4[%get3A_751] {strides = array<i32>} : memref<32768xf32, #tpu.memory_space<vmem>>, vector<16xf32>,
      %get3A_753 = vector.shape_cast %get3A_752 : vector<16xf32> to vector<16xf32>
      %gt3A_754 = arith.cmpf ogt, %get3A_753, %scan3A_309#0 : vector<16xf32>
      %jit3A_755 = arith.constant 1.000000e+00 : f32
      %jit3A_756 = arith.constant 0.000000e+00 : f32
      %broadcast_in_dim3A_757 = vector.broadcast %jit3A_755 : f32 to vector<16xf32>
      %broadcast_in_dim3A_758 = vector.broadcast %jit3A_756 : f32 to vector<16xf32>
      %select_n3A_759 = arith.select %gt3A_754, %broadcast_in_dim3A_757, %broadcast_in_dim3A_758 : vector<16xi1>, vector<16xf32>
      %add3A_760 = arith.addf %scan3A_510, %select_n3A_759 : vector<16xf32>
      %add3A_761 = arith.constant 320 : i32
      %add3A_762 = arith.addi %mul3A_524, %add3A_761 : i32
      %get3A_763 = arith.index_cast %add3A_762 : i32 to index
      %get3A_764 = tpu.vector_load %arg4[%get3A_763] {strides = array<i32>} : memref<32768xf32, #tpu.memory_space<vmem>>, vector<16xf32>,
      %get3A_765 = vector.shape_cast %get3A_764 : vector<16xf32> to vector<16xf32>
      %gt3A_766 = arith.cmpf ogt, %get3A_765, %scan3A_309#0 : vector<16xf32>
      %jit3A_767 = arith.constant 1.000000e+00 : f32
      %jit3A_768 = arith.constant 0.000000e+00 : f32
      %broadcast_in_dim3A_769 = vector.broadcast %jit3A_767 : f32 to vector<16xf32>
      %broadcast_in_dim3A_770 = vector.broadcast %jit3A_768 : f32 to vector<16xf32>
      %select_n3A_771 = arith.select %gt3A_766, %broadcast_in_dim3A_769, %broadcast_in_dim3A_770 : vector<16xi1>, vector<16xf32>
      %add3A_772 = arith.addf %scan3A_511, %select_n3A_771 : vector<16xf32>
      %add3A_773 = arith.constant 336 : i32
      %add3A_774 = arith.addi %mul3A_524, %add3A_773 : i32
      %get3A_775 = arith.index_cast %add3A_774 : i32 to index
      %get3A_776 = tpu.vector_load %arg4[%get3A_775] {strides = array<i32>} : memref<32768xf32, #tpu.memory_space<vmem>>, vector<16xf32>,
      %get3A_777 = vector.shape_cast %get3A_776 : vector<16xf32> to vector<16xf32>
      %gt3A_778 = arith.cmpf ogt, %get3A_777, %scan3A_309#0 : vector<16xf32>
      %jit3A_779 = arith.constant 1.000000e+00 : f32
      %jit3A_780 = arith.constant 0.000000e+00 : f32
      %broadcast_in_dim3A_781 = vector.broadcast %jit3A_779 : f32 to vector<16xf32>
      %broadcast_in_dim3A_782 = vector.broadcast %jit3A_780 : f32 to vector<16xf32>
      %select_n3A_783 = arith.select %gt3A_778, %broadcast_in_dim3A_781, %broadcast_in_dim3A_782 : vector<16xi1>, vector<16xf32>
      %add3A_784 = arith.addf %scan3A_512, %select_n3A_783 : vector<16xf32>
      %add3A_785 = arith.constant 352 : i32
      %add3A_786 = arith.addi %mul3A_524, %add3A_785 : i32
      %get3A_787 = arith.index_cast %add3A_786 : i32 to index
      %get3A_788 = tpu.vector_load %arg4[%get3A_787] {strides = array<i32>} : memref<32768xf32, #tpu.memory_space<vmem>>, vector<16xf32>,
      %get3A_789 = vector.shape_cast %get3A_788 : vector<16xf32> to vector<16xf32>
      %gt3A_790 = arith.cmpf ogt, %get3A_789, %scan3A_309#0 : vector<16xf32>
      %jit3A_791 = arith.constant 1.000000e+00 : f32
      %jit3A_792 = arith.constant 0.000000e+00 : f32
      %broadcast_in_dim3A_793 = vector.broadcast %jit3A_791 : f32 to vector<16xf32>
      %broadcast_in_dim3A_794 = vector.broadcast %jit3A_792 : f32 to vector<16xf32>
      %select_n3A_795 = arith.select %gt3A_790, %broadcast_in_dim3A_793, %broadcast_in_dim3A_794 : vector<16xi1>, vector<16xf32>
      %add3A_796 = arith.addf %scan3A_513, %select_n3A_795 : vector<16xf32>
      %add3A_797 = arith.constant 368 : i32
      %add3A_798 = arith.addi %mul3A_524, %add3A_797 : i32
      %get3A_799 = arith.index_cast %add3A_798 : i32 to index
      %get3A_800 = tpu.vector_load %arg4[%get3A_799] {strides = array<i32>} : memref<32768xf32, #tpu.memory_space<vmem>>, vector<16xf32>,
      %get3A_801 = vector.shape_cast %get3A_800 : vector<16xf32> to vector<16xf32>
      %gt3A_802 = arith.cmpf ogt, %get3A_801, %scan3A_309#0 : vector<16xf32>
      %jit3A_803 = arith.constant 1.000000e+00 : f32
      %jit3A_804 = arith.constant 0.000000e+00 : f32
      %broadcast_in_dim3A_805 = vector.broadcast %jit3A_803 : f32 to vector<16xf32>
      %broadcast_in_dim3A_806 = vector.broadcast %jit3A_804 : f32 to vector<16xf32>
      %select_n3A_807 = arith.select %gt3A_802, %broadcast_in_dim3A_805, %broadcast_in_dim3A_806 : vector<16xi1>, vector<16xf32>
      %add3A_808 = arith.addf %scan3A_514, %select_n3A_807 : vector<16xf32>
      %add3A_809 = arith.constant 384 : i32
      %add3A_810 = arith.addi %mul3A_524, %add3A_809 : i32
      %get3A_811 = arith.index_cast %add3A_810 : i32 to index
      %get3A_812 = tpu.vector_load %arg4[%get3A_811] {strides = array<i32>} : memref<32768xf32, #tpu.memory_space<vmem>>, vector<16xf32>,
      %get3A_813 = vector.shape_cast %get3A_812 : vector<16xf32> to vector<16xf32>
      %gt3A_814 = arith.cmpf ogt, %get3A_813, %scan3A_309#0 : vector<16xf32>
      %jit3A_815 = arith.constant 1.000000e+00 : f32
      %jit3A_816 = arith.constant 0.000000e+00 : f32
      %broadcast_in_dim3A_817 = vector.broadcast %jit3A_815 : f32 to vector<16xf32>
      %broadcast_in_dim3A_818 = vector.broadcast %jit3A_816 : f32 to vector<16xf32>
      %select_n3A_819 = arith.select %gt3A_814, %broadcast_in_dim3A_817, %broadcast_in_dim3A_818 : vector<16xi1>, vector<16xf32>
      %add3A_820 = arith.addf %scan3A_515, %select_n3A_819 : vector<16xf32>
      %add3A_821 = arith.constant 400 : i32
      %add3A_822 = arith.addi %mul3A_524, %add3A_821 : i32
      %get3A_823 = arith.index_cast %add3A_822 : i32 to index
      %get3A_824 = tpu.vector_load %arg4[%get3A_823] {strides = array<i32>} : memref<32768xf32, #tpu.memory_space<vmem>>, vector<16xf32>,
      %get3A_825 = vector.shape_cast %get3A_824 : vector<16xf32> to vector<16xf32>
      %gt3A_826 = arith.cmpf ogt, %get3A_825, %scan3A_309#0 : vector<16xf32>
      %jit3A_827 = arith.constant 1.000000e+00 : f32
      %jit3A_828 = arith.constant 0.000000e+00 : f32
      %broadcast_in_dim3A_829 = vector.broadcast %jit3A_827 : f32 to vector<16xf32>
      %broadcast_in_dim3A_830 = vector.broadcast %jit3A_828 : f32 to vector<16xf32>
      %select_n3A_831 = arith.select %gt3A_826, %broadcast_in_dim3A_829, %broadcast_in_dim3A_830 : vector<16xi1>, vector<16xf32>
      %add3A_832 = arith.addf %scan3A_516, %select_n3A_831 : vector<16xf32>
      %add3A_833 = arith.constant 416 : i32
      %add3A_834 = arith.addi %mul3A_524, %add3A_833 : i32
      %get3A_835 = arith.index_cast %add3A_834 : i32 to index
      %get3A_836 = tpu.vector_load %arg4[%get3A_835] {strides = array<i32>} : memref<32768xf32, #tpu.memory_space<vmem>>, vector<16xf32>,
      %get3A_837 = vector.shape_cast %get3A_836 : vector<16xf32> to vector<16xf32>
      %gt3A_838 = arith.cmpf ogt, %get3A_837, %scan3A_309#0 : vector<16xf32>
      %jit3A_839 = arith.constant 1.000000e+00 : f32
      %jit3A_840 = arith.constant 0.000000e+00 : f32
      %broadcast_in_dim3A_841 = vector.broadcast %jit3A_839 : f32 to vector<16xf32>
      %broadcast_in_dim3A_842 = vector.broadcast %jit3A_840 : f32 to vector<16xf32>
      %select_n3A_843 = arith.select %gt3A_838, %broadcast_in_dim3A_841, %broadcast_in_dim3A_842 : vector<16xi1>, vector<16xf32>
      %add3A_844 = arith.addf %scan3A_517, %select_n3A_843 : vector<16xf32>
      %add3A_845 = arith.constant 432 : i32
      %add3A_846 = arith.addi %mul3A_524, %add3A_845 : i32
      %get3A_847 = arith.index_cast %add3A_846 : i32 to index
      %get3A_848 = tpu.vector_load %arg4[%get3A_847] {strides = array<i32>} : memref<32768xf32, #tpu.memory_space<vmem>>, vector<16xf32>,
      %get3A_849 = vector.shape_cast %get3A_848 : vector<16xf32> to vector<16xf32>
      %gt3A_850 = arith.cmpf ogt, %get3A_849, %scan3A_309#0 : vector<16xf32>
      %jit3A_851 = arith.constant 1.000000e+00 : f32
      %jit3A_852 = arith.constant 0.000000e+00 : f32
      %broadcast_in_dim3A_853 = vector.broadcast %jit3A_851 : f32 to vector<16xf32>
      %broadcast_in_dim3A_854 = vector.broadcast %jit3A_852 : f32 to vector<16xf32>
      %select_n3A_855 = arith.select %gt3A_850, %broadcast_in_dim3A_853, %broadcast_in_dim3A_854 : vector<16xi1>, vector<16xf32>
      %add3A_856 = arith.addf %scan3A_518, %select_n3A_855 : vector<16xf32>
      %add3A_857 = arith.constant 448 : i32
      %add3A_858 = arith.addi %mul3A_524, %add3A_857 : i32
      %get3A_859 = arith.index_cast %add3A_858 : i32 to index
      %get3A_860 = tpu.vector_load %arg4[%get3A_859] {strides = array<i32>} : memref<32768xf32, #tpu.memory_space<vmem>>, vector<16xf32>,
      %get3A_861 = vector.shape_cast %get3A_860 : vector<16xf32> to vector<16xf32>
      %gt3A_862 = arith.cmpf ogt, %get3A_861, %scan3A_309#0 : vector<16xf32>
      %jit3A_863 = arith.constant 1.000000e+00 : f32
      %jit3A_864 = arith.constant 0.000000e+00 : f32
      %broadcast_in_dim3A_865 = vector.broadcast %jit3A_863 : f32 to vector<16xf32>
      %broadcast_in_dim3A_866 = vector.broadcast %jit3A_864 : f32 to vector<16xf32>
      %select_n3A_867 = arith.select %gt3A_862, %broadcast_in_dim3A_865, %broadcast_in_dim3A_866 : vector<16xi1>, vector<16xf32>
      %add3A_868 = arith.addf %scan3A_519, %select_n3A_867 : vector<16xf32>
      %add3A_869 = arith.constant 464 : i32
      %add3A_870 = arith.addi %mul3A_524, %add3A_869 : i32
      %get3A_871 = arith.index_cast %add3A_870 : i32 to index
      %get3A_872 = tpu.vector_load %arg4[%get3A_871] {strides = array<i32>} : memref<32768xf32, #tpu.memory_space<vmem>>, vector<16xf32>,
      %get3A_873 = vector.shape_cast %get3A_872 : vector<16xf32> to vector<16xf32>
      %gt3A_874 = arith.cmpf ogt, %get3A_873, %scan3A_309#0 : vector<16xf32>
      %jit3A_875 = arith.constant 1.000000e+00 : f32
      %jit3A_876 = arith.constant 0.000000e+00 : f32
      %broadcast_in_dim3A_877 = vector.broadcast %jit3A_875 : f32 to vector<16xf32>
      %broadcast_in_dim3A_878 = vector.broadcast %jit3A_876 : f32 to vector<16xf32>
      %select_n3A_879 = arith.select %gt3A_874, %broadcast_in_dim3A_877, %broadcast_in_dim3A_878 : vector<16xi1>, vector<16xf32>
      %add3A_880 = arith.addf %scan3A_520, %select_n3A_879 : vector<16xf32>
      %add3A_881 = arith.constant 480 : i32
      %add3A_882 = arith.addi %mul3A_524, %add3A_881 : i32
      %get3A_883 = arith.index_cast %add3A_882 : i32 to index
      %get3A_884 = tpu.vector_load %arg4[%get3A_883] {strides = array<i32>} : memref<32768xf32, #tpu.memory_space<vmem>>, vector<16xf32>,
      %get3A_885 = vector.shape_cast %get3A_884 : vector<16xf32> to vector<16xf32>
      %gt3A_886 = arith.cmpf ogt, %get3A_885, %scan3A_309#0 : vector<16xf32>
      %jit3A_887 = arith.constant 1.000000e+00 : f32
      %jit3A_888 = arith.constant 0.000000e+00 : f32
      %broadcast_in_dim3A_889 = vector.broadcast %jit3A_887 : f32 to vector<16xf32>
      %broadcast_in_dim3A_890 = vector.broadcast %jit3A_888 : f32 to vector<16xf32>
      %select_n3A_891 = arith.select %gt3A_886, %broadcast_in_dim3A_889, %broadcast_in_dim3A_890 : vector<16xi1>, vector<16xf32>
      %add3A_892 = arith.addf %scan3A_521, %select_n3A_891 : vector<16xf32>
      %add3A_893 = arith.constant 496 : i32
      %add3A_894 = arith.addi %mul3A_524, %add3A_893 : i32
      %get3A_895 = arith.index_cast %add3A_894 : i32 to index
      %get3A_896 = tpu.vector_load %arg4[%get3A_895] {strides = array<i32>} : memref<32768xf32, #tpu.memory_space<vmem>>, vector<16xf32>,
      %get3A_897 = vector.shape_cast %get3A_896 : vector<16xf32> to vector<16xf32>
      %gt3A_898 = arith.cmpf ogt, %get3A_897, %scan3A_309#0 : vector<16xf32>
      %jit3A_899 = arith.constant 1.000000e+00 : f32
      %jit3A_900 = arith.constant 0.000000e+00 : f32
      %broadcast_in_dim3A_901 = vector.broadcast %jit3A_899 : f32 to vector<16xf32>
      %broadcast_in_dim3A_902 = vector.broadcast %jit3A_900 : f32 to vector<16xf32>
      %select_n3A_903 = arith.select %gt3A_898, %broadcast_in_dim3A_901, %broadcast_in_dim3A_902 : vector<16xi1>, vector<16xf32>
      %add3A_904 = arith.addf %scan3A_522, %select_n3A_903 : vector<16xf32>
      scf.yield %add3A_532, %add3A_544, %add3A_556, %add3A_568, %add3A_580, %add3A_592, %add3A_604, %add3A_616, %add3A_628, %add3A_640, %add3A_652, %add3A_664, %add3A_676, %add3A_688, %add3A_700, %add3A_712, %add3A_724, %add3A_736, %add3A_748, %add3A_760, %add3A_772, %add3A_784, %add3A_796, %add3A_808, %add3A_820, %add3A_832, %add3A_844, %add3A_856, %add3A_868, %add3A_880, %add3A_892, %add3A_904 : vector<16xf32>, vector<16xf32>, vector<16xf32>, vector<16xf32>, vector<16xf32>, vector<16xf32>, vector<16xf32>, vector<16xf32>, vector<16xf32>, vector<16xf32>, vector<16xf32>, vector<16xf32>, vector<16xf32>, vector<16xf32>, vector<16xf32>, vector<16xf32>, vector<16xf32>, vector<16xf32>, vector<16xf32>, vector<16xf32>, vector<16xf32>, vector<16xf32>, vector<16xf32>, vector<16xf32>, vector<16xf32>, vector<16xf32>, vector<16xf32>, vector<16xf32>, vector<16xf32>, vector<16xf32>, vector<16xf32>, vector<16xf32>
    }
    %scan3A_380 = arith.constant 64 : i32
    %add3A_381 = arith.addf %scan3A_379#0, %scan3A_379#1 : vector<16xf32>
    %add3A_382 = arith.addf %add3A_381, %scan3A_379#2 : vector<16xf32>
    %add3A_383 = arith.addf %add3A_382, %scan3A_379#3 : vector<16xf32>
    %add3A_384 = arith.addf %add3A_383, %scan3A_379#4 : vector<16xf32>
    %add3A_385 = arith.addf %add3A_384, %scan3A_379#5 : vector<16xf32>
    %add3A_386 = arith.addf %add3A_385, %scan3A_379#6 : vector<16xf32>
    %add3A_387 = arith.addf %add3A_386, %scan3A_379#7 : vector<16xf32>
    %add3A_388 = arith.addf %add3A_387, %scan3A_379#8 : vector<16xf32>
    %add3A_389 = arith.addf %add3A_388, %scan3A_379#9 : vector<16xf32>
    %add3A_390 = arith.addf %add3A_389, %scan3A_379#10 : vector<16xf32>
    %add3A_391 = arith.addf %add3A_390, %scan3A_379#11 : vector<16xf32>
    %add3A_392 = arith.addf %add3A_391, %scan3A_379#12 : vector<16xf32>
    %add3A_393 = arith.addf %add3A_392, %scan3A_379#13 : vector<16xf32>
    %add3A_394 = arith.addf %add3A_393, %scan3A_379#14 : vector<16xf32>
    %add3A_395 = arith.addf %add3A_394, %scan3A_379#15 : vector<16xf32>
    %add3A_396 = arith.addf %add3A_395, %scan3A_379#16 : vector<16xf32>
    %add3A_397 = arith.addf %add3A_396, %scan3A_379#17 : vector<16xf32>
    %add3A_398 = arith.addf %add3A_397, %scan3A_379#18 : vector<16xf32>
    %add3A_399 = arith.addf %add3A_398, %scan3A_379#19 : vector<16xf32>
    %add3A_400 = arith.addf %add3A_399, %scan3A_379#20 : vector<16xf32>
    %add3A_401 = arith.addf %add3A_400, %scan3A_379#21 : vector<16xf32>
    %add3A_402 = arith.addf %add3A_401, %scan3A_379#22 : vector<16xf32>
    %add3A_403 = arith.addf %add3A_402, %scan3A_379#23 : vector<16xf32>
    %add3A_404 = arith.addf %add3A_403, %scan3A_379#24 : vector<16xf32>
    %add3A_405 = arith.addf %add3A_404, %scan3A_379#25 : vector<16xf32>
    %add3A_406 = arith.addf %add3A_405, %scan3A_379#26 : vector<16xf32>
    %add3A_407 = arith.addf %add3A_406, %scan3A_379#27 : vector<16xf32>
    %add3A_408 = arith.addf %add3A_407, %scan3A_379#28 : vector<16xf32>
    %add3A_409 = arith.addf %add3A_408, %scan3A_379#29 : vector<16xf32>
    %add3A_410 = arith.addf %add3A_409, %scan3A_379#30 : vector<16xf32>
    %add3A_411 = arith.addf %add3A_410, %scan3A_379#31 : vector<16xf32>
    %slice3A_412 = vector.extract_strided_slice %add3A_411 {offsets = [0], sizes = [1], strides = [1]} : vector<16xf32> to vector<1xf32>
    %squeeze3A_413 = vector.extract %slice3A_412[0] : f32 from vector<1xf32>
    %slice3A_414 = vector.extract_strided_slice %add3A_411 {offsets = [1], sizes = [1], strides = [1]} : vector<16xf32> to vector<1xf32>
    %squeeze3A_415 = vector.extract %slice3A_414[0] : f32 from vector<1xf32>
    %add3A_416 = arith.addf %squeeze3A_413, %squeeze3A_415 : f32
    %slice3A_417 = vector.extract_strided_slice %add3A_411 {offsets = [2], sizes = [1], strides = [1]} : vector<16xf32> to vector<1xf32>
    %squeeze3A_418 = vector.extract %slice3A_417[0] : f32 from vector<1xf32>
    %add3A_419 = arith.addf %add3A_416, %squeeze3A_418 : f32
    %slice3A_420 = vector.extract_strided_slice %add3A_411 {offsets = [3], sizes = [1], strides = [1]} : vector<16xf32> to vector<1xf32>
    %squeeze3A_421 = vector.extract %slice3A_420[0] : f32 from vector<1xf32>
    %add3A_422 = arith.addf %add3A_419, %squeeze3A_421 : f32
    %slice3A_423 = vector.extract_strided_slice %add3A_411 {offsets = [4], sizes = [1], strides = [1]} : vector<16xf32> to vector<1xf32>
    %squeeze3A_424 = vector.extract %slice3A_423[0] : f32 from vector<1xf32>
    %add3A_425 = arith.addf %add3A_422, %squeeze3A_424 : f32
    %slice3A_426 = vector.extract_strided_slice %add3A_411 {offsets = [5], sizes = [1], strides = [1]} : vector<16xf32> to vector<1xf32>
    %squeeze3A_427 = vector.extract %slice3A_426[0] : f32 from vector<1xf32>
    %add3A_428 = arith.addf %add3A_425, %squeeze3A_427 : f32
    %slice3A_429 = vector.extract_strided_slice %add3A_411 {offsets = [6], sizes = [1], strides = [1]} : vector<16xf32> to vector<1xf32>
    %squeeze3A_430 = vector.extract %slice3A_429[0] : f32 from vector<1xf32>
    %add3A_431 = arith.addf %add3A_428, %squeeze3A_430 : f32
    %slice3A_432 = vector.extract_strided_slice %add3A_411 {offsets = [7], sizes = [1], strides = [1]} : vector<16xf32> to vector<1xf32>
    %squeeze3A_433 = vector.extract %slice3A_432[0] : f32 from vector<1xf32>
    %add3A_434 = arith.addf %add3A_431, %squeeze3A_433 : f32
    %slice3A_435 = vector.extract_strided_slice %add3A_411 {offsets = [8], sizes = [1], strides = [1]} : vector<16xf32> to vector<1xf32>
    %squeeze3A_436 = vector.extract %slice3A_435[0] : f32 from vector<1xf32>
    %add3A_437 = arith.addf %add3A_434, %squeeze3A_436 : f32
    %slice3A_438 = vector.extract_strided_slice %add3A_411 {offsets = [9], sizes = [1], strides = [1]} : vector<16xf32> to vector<1xf32>
    %squeeze3A_439 = vector.extract %slice3A_438[0] : f32 from vector<1xf32>
    %add3A_440 = arith.addf %add3A_437, %squeeze3A_439 : f32
    %slice3A_441 = vector.extract_strided_slice %add3A_411 {offsets = [10], sizes = [1], strides = [1]} : vector<16xf32> to vector<1xf32>
    %squeeze3A_442 = vector.extract %slice3A_441[0] : f32 from vector<1xf32>
    %add3A_443 = arith.addf %add3A_440, %squeeze3A_442 : f32
    %slice3A_444 = vector.extract_strided_slice %add3A_411 {offsets = [11], sizes = [1], strides = [1]} : vector<16xf32> to vector<1xf32>
    %squeeze3A_445 = vector.extract %slice3A_444[0] : f32 from vector<1xf32>
    %add3A_446 = arith.addf %add3A_443, %squeeze3A_445 : f32
    %slice3A_447 = vector.extract_strided_slice %add3A_411 {offsets = [12], sizes = [1], strides = [1]} : vector<16xf32> to vector<1xf32>
    %squeeze3A_448 = vector.extract %slice3A_447[0] : f32 from vector<1xf32>
    %add3A_449 = arith.addf %add3A_446, %squeeze3A_448 : f32
    %slice3A_450 = vector.extract_strided_slice %add3A_411 {offsets = [13], sizes = [1], strides = [1]} : vector<16xf32> to vector<1xf32>
    %squeeze3A_451 = vector.extract %slice3A_450[0] : f32 from vector<1xf32>
    %add3A_452 = arith.addf %add3A_449, %squeeze3A_451 : f32
    %slice3A_453 = vector.extract_strided_slice %add3A_411 {offsets = [14], sizes = [1], strides = [1]} : vector<16xf32> to vector<1xf32>
    %squeeze3A_454 = vector.extract %slice3A_453[0] : f32 from vector<1xf32>
    %add3A_455 = arith.addf %add3A_452, %squeeze3A_454 : f32
    %slice3A_456 = vector.extract_strided_slice %add3A_411 {offsets = [15], sizes = [1], strides = [1]} : vector<16xf32> to vector<1xf32>
    %squeeze3A_457 = vector.extract %slice3A_456[0] : f32 from vector<1xf32>
    %add3A_458 = arith.addf %add3A_455, %squeeze3A_457 : f32
    %broadcast_in_dim3A_459 = vector.broadcast %add3A_458 : f32 to vector<16xf32>
    %max3A_460 = arith.constant 1.000000e+00 : f32
    %max3A_461 = vector.broadcast %max3A_460 : f32 to vector<16xf32>
    %max3A_462 = arith.maximumf %broadcast_in_dim3A_459, %max3A_461 : vector<16xf32>
    %bitcast_convert_type3A = tpu.bitcast %max3A_462 : vector<16xf32> -> vector<16xi32>
    %sub3A_463 = arith.constant 2129859015 : i32
    %sub3A_464 = vector.broadcast %sub3A_463 : i32 to vector<16xi32>
    %sub3A_465 = arith.subi %sub3A_464, %bitcast_convert_type3A : vector<16xi32>
    %bitcast_convert_type3A_466 = tpu.bitcast %sub3A_465 : vector<16xi32> -> vector<16xf32>
    %mul3A_467 = arith.mulf %max3A_462, %bitcast_convert_type3A_466 : vector<16xf32>
    %sub3A_468 = arith.constant 2.000000e+00 : f32
    %sub3A_469 = vector.broadcast %sub3A_468 : f32 to vector<16xf32>
    %sub3A_470 = arith.subf %sub3A_469, %mul3A_467 : vector<16xf32>
    %mul3A_471 = arith.mulf %bitcast_convert_type3A_466, %sub3A_470 : vector<16xf32>
    %mul3A_472 = arith.mulf %max3A_462, %mul3A_471 : vector<16xf32>
    %sub3A_473 = arith.constant 2.000000e+00 : f32
    %sub3A_474 = vector.broadcast %sub3A_473 : f32 to vector<16xf32>
    %sub3A_475 = arith.subf %sub3A_474, %mul3A_472 : vector<16xf32>
    %mul3A_476 = arith.mulf %mul3A_471, %sub3A_475 : vector<16xf32>
    %mul3A_477 = arith.mulf %max3A_462, %mul3A_476 : vector<16xf32>
    %sub3A_478 = arith.constant 2.000000e+00 : f32
    %sub3A_479 = vector.broadcast %sub3A_478 : f32 to vector<16xf32>
    %sub3A_480 = arith.subf %sub3A_479, %mul3A_477 : vector<16xf32>
    %mul3A_481 = arith.mulf %mul3A_476, %sub3A_480 : vector<16xf32>
    %mul3A_482 = arith.mulf %scan3A_309#2, %mul3A_481 : vector<16xf32>
    %add3A_483 = arith.addf %scan3A_309#0, %mul3A_482 : vector<16xf32>
    %scan3A_484 = arith.constant 0 : i32
    %scan3A_485 = arith.constant 0 : i32
    %scan3A_486 = arith.constant 64 : i32
    %scan3A_487 = arith.addi %scan3A_485, %scan3A_486 : i32
    %scan3A_488 = arith.constant 1 : i32
    scf.for %scan3A_490 = %scan3A_485 to %scan3A_487 step %scan3A_488  : i32 {
      %mul3A_491 = arith.constant 512 : i32
      %mul3A_492 = arith.muli %scan3A_490, %mul3A_491 : i32
      %add3A_493 = arith.constant 0 : i32
      %add3A_494 = arith.addi %mul3A_492, %add3A_493 : i32
      %get3A = arith.index_cast %add3A_494 : i32 to index
      %get3A_495 = tpu.vector_load %arg4[%get3A] {strides = array<i32>} : memref<32768xf32, #tpu.memory_space<vmem>>, vector<16xf32>,
      %get3A_496 = vector.shape_cast %get3A_495 : vector<16xf32> to vector<16xf32>
      %sub3A_497 = arith.subf %get3A_496, %add3A_483 : vector<16xf32>
      %max3A_498 = arith.constant 0.000000e+00 : f32
      %max3A_499 = vector.broadcast %max3A_498 : f32 to vector<16xf32>
      %max3A_500 = arith.maximumf %sub3A_497, %max3A_499 : vector<16xf32>
      %swap3A = arith.index_cast %add3A_494 : i32 to index
      %swap3A_501 = tpu.vector_load %arg5[%swap3A] {strides = array<i32>} : memref<32768xf32, #tpu.memory_space<vmem>>, vector<16xf32>,
      %swap3A_502 = vector.shape_cast %swap3A_501 : vector<16xf32> to vector<16xf32>
      %swap3A_503 = vector.shape_cast %max3A_500 : vector<16xf32> to vector<16xf32>
      tpu.vector_store %arg5[%swap3A], %swap3A_503 {strides = array<i32>} : memref<32768xf32, #tpu.memory_space<vmem>>, vector<16xf32>,
      %add3A_504 = arith.constant 16 : i32
      %add3A_505 = arith.addi %mul3A_492, %add3A_504 : i32
      %get3A_506 = arith.index_cast %add3A_505 : i32 to index
      %get3A_507 = tpu.vector_load %arg4[%get3A_506] {strides = array<i32>} : memref<32768xf32, #tpu.memory_space<vmem>>, vector<16xf32>,
      %get3A_508 = vector.shape_cast %get3A_507 : vector<16xf32> to vector<16xf32>
      %sub3A_509 = arith.subf %get3A_508, %add3A_483 : vector<16xf32>
      %max3A_510 = arith.constant 0.000000e+00 : f32
      %max3A_511 = vector.broadcast %max3A_510 : f32 to vector<16xf32>
      %max3A_512 = arith.maximumf %sub3A_509, %max3A_511 : vector<16xf32>
      %swap3A_513 = arith.index_cast %add3A_505 : i32 to index
      %swap3A_514 = tpu.vector_load %arg5[%swap3A_513] {strides = array<i32>} : memref<32768xf32, #tpu.memory_space<vmem>>, vector<16xf32>,
      %swap3A_515 = vector.shape_cast %swap3A_514 : vector<16xf32> to vector<16xf32>
      %swap3A_516 = vector.shape_cast %max3A_512 : vector<16xf32> to vector<16xf32>
      tpu.vector_store %arg5[%swap3A_513], %swap3A_516 {strides = array<i32>} : memref<32768xf32, #tpu.memory_space<vmem>>, vector<16xf32>,
      %add3A_517 = arith.constant 32 : i32
      %add3A_518 = arith.addi %mul3A_492, %add3A_517 : i32
      %get3A_519 = arith.index_cast %add3A_518 : i32 to index
      %get3A_520 = tpu.vector_load %arg4[%get3A_519] {strides = array<i32>} : memref<32768xf32, #tpu.memory_space<vmem>>, vector<16xf32>,
      %get3A_521 = vector.shape_cast %get3A_520 : vector<16xf32> to vector<16xf32>
      %sub3A_522 = arith.subf %get3A_521, %add3A_483 : vector<16xf32>
      %max3A_523 = arith.constant 0.000000e+00 : f32
      %max3A_524 = vector.broadcast %max3A_523 : f32 to vector<16xf32>
      %max3A_525 = arith.maximumf %sub3A_522, %max3A_524 : vector<16xf32>
      %swap3A_526 = arith.index_cast %add3A_518 : i32 to index
      %swap3A_527 = tpu.vector_load %arg5[%swap3A_526] {strides = array<i32>} : memref<32768xf32, #tpu.memory_space<vmem>>, vector<16xf32>,
      %swap3A_528 = vector.shape_cast %swap3A_527 : vector<16xf32> to vector<16xf32>
      %swap3A_529 = vector.shape_cast %max3A_525 : vector<16xf32> to vector<16xf32>
      tpu.vector_store %arg5[%swap3A_526], %swap3A_529 {strides = array<i32>} : memref<32768xf32, #tpu.memory_space<vmem>>, vector<16xf32>,
      %add3A_530 = arith.constant 48 : i32
      %add3A_531 = arith.addi %mul3A_492, %add3A_530 : i32
      %get3A_532 = arith.index_cast %add3A_531 : i32 to index
      %get3A_533 = tpu.vector_load %arg4[%get3A_532] {strides = array<i32>} : memref<32768xf32, #tpu.memory_space<vmem>>, vector<16xf32>,
      %get3A_534 = vector.shape_cast %get3A_533 : vector<16xf32> to vector<16xf32>
      %sub3A_535 = arith.subf %get3A_534, %add3A_483 : vector<16xf32>
      %max3A_536 = arith.constant 0.000000e+00 : f32
      %max3A_537 = vector.broadcast %max3A_536 : f32 to vector<16xf32>
      %max3A_538 = arith.maximumf %sub3A_535, %max3A_537 : vector<16xf32>
      %swap3A_539 = arith.index_cast %add3A_531 : i32 to index
      %swap3A_540 = tpu.vector_load %arg5[%swap3A_539] {strides = array<i32>} : memref<32768xf32, #tpu.memory_space<vmem>>, vector<16xf32>,
      %swap3A_541 = vector.shape_cast %swap3A_540 : vector<16xf32> to vector<16xf32>
      %swap3A_542 = vector.shape_cast %max3A_538 : vector<16xf32> to vector<16xf32>
      tpu.vector_store %arg5[%swap3A_539], %swap3A_542 {strides = array<i32>} : memref<32768xf32, #tpu.memory_space<vmem>>, vector<16xf32>,
      %add3A_543 = arith.constant 64 : i32
      %add3A_544 = arith.addi %mul3A_492, %add3A_543 : i32
      %get3A_545 = arith.index_cast %add3A_544 : i32 to index
      %get3A_546 = tpu.vector_load %arg4[%get3A_545] {strides = array<i32>} : memref<32768xf32, #tpu.memory_space<vmem>>, vector<16xf32>,
      %get3A_547 = vector.shape_cast %get3A_546 : vector<16xf32> to vector<16xf32>
      %sub3A_548 = arith.subf %get3A_547, %add3A_483 : vector<16xf32>
      %max3A_549 = arith.constant 0.000000e+00 : f32
      %max3A_550 = vector.broadcast %max3A_549 : f32 to vector<16xf32>
      %max3A_551 = arith.maximumf %sub3A_548, %max3A_550 : vector<16xf32>
      %swap3A_552 = arith.index_cast %add3A_544 : i32 to index
      %swap3A_553 = tpu.vector_load %arg5[%swap3A_552] {strides = array<i32>} : memref<32768xf32, #tpu.memory_space<vmem>>, vector<16xf32>,
      %swap3A_554 = vector.shape_cast %swap3A_553 : vector<16xf32> to vector<16xf32>
      %swap3A_555 = vector.shape_cast %max3A_551 : vector<16xf32> to vector<16xf32>
      tpu.vector_store %arg5[%swap3A_552], %swap3A_555 {strides = array<i32>} : memref<32768xf32, #tpu.memory_space<vmem>>, vector<16xf32>,
      %add3A_556 = arith.constant 80 : i32
      %add3A_557 = arith.addi %mul3A_492, %add3A_556 : i32
      %get3A_558 = arith.index_cast %add3A_557 : i32 to index
      %get3A_559 = tpu.vector_load %arg4[%get3A_558] {strides = array<i32>} : memref<32768xf32, #tpu.memory_space<vmem>>, vector<16xf32>,
      %get3A_560 = vector.shape_cast %get3A_559 : vector<16xf32> to vector<16xf32>
      %sub3A_561 = arith.subf %get3A_560, %add3A_483 : vector<16xf32>
      %max3A_562 = arith.constant 0.000000e+00 : f32
      %max3A_563 = vector.broadcast %max3A_562 : f32 to vector<16xf32>
      %max3A_564 = arith.maximumf %sub3A_561, %max3A_563 : vector<16xf32>
      %swap3A_565 = arith.index_cast %add3A_557 : i32 to index
      %swap3A_566 = tpu.vector_load %arg5[%swap3A_565] {strides = array<i32>} : memref<32768xf32, #tpu.memory_space<vmem>>, vector<16xf32>,
      %swap3A_567 = vector.shape_cast %swap3A_566 : vector<16xf32> to vector<16xf32>
      %swap3A_568 = vector.shape_cast %max3A_564 : vector<16xf32> to vector<16xf32>
      tpu.vector_store %arg5[%swap3A_565], %swap3A_568 {strides = array<i32>} : memref<32768xf32, #tpu.memory_space<vmem>>, vector<16xf32>,
      %add3A_569 = arith.constant 96 : i32
      %add3A_570 = arith.addi %mul3A_492, %add3A_569 : i32
      %get3A_571 = arith.index_cast %add3A_570 : i32 to index
      %get3A_572 = tpu.vector_load %arg4[%get3A_571] {strides = array<i32>} : memref<32768xf32, #tpu.memory_space<vmem>>, vector<16xf32>,
      %get3A_573 = vector.shape_cast %get3A_572 : vector<16xf32> to vector<16xf32>
      %sub3A_574 = arith.subf %get3A_573, %add3A_483 : vector<16xf32>
      %max3A_575 = arith.constant 0.000000e+00 : f32
      %max3A_576 = vector.broadcast %max3A_575 : f32 to vector<16xf32>
      %max3A_577 = arith.maximumf %sub3A_574, %max3A_576 : vector<16xf32>
      %swap3A_578 = arith.index_cast %add3A_570 : i32 to index
      %swap3A_579 = tpu.vector_load %arg5[%swap3A_578] {strides = array<i32>} : memref<32768xf32, #tpu.memory_space<vmem>>, vector<16xf32>,
      %swap3A_580 = vector.shape_cast %swap3A_579 : vector<16xf32> to vector<16xf32>
      %swap3A_581 = vector.shape_cast %max3A_577 : vector<16xf32> to vector<16xf32>
      tpu.vector_store %arg5[%swap3A_578], %swap3A_581 {strides = array<i32>} : memref<32768xf32, #tpu.memory_space<vmem>>, vector<16xf32>,
      %add3A_582 = arith.constant 112 : i32
      %add3A_583 = arith.addi %mul3A_492, %add3A_582 : i32
      %get3A_584 = arith.index_cast %add3A_583 : i32 to index
      %get3A_585 = tpu.vector_load %arg4[%get3A_584] {strides = array<i32>} : memref<32768xf32, #tpu.memory_space<vmem>>, vector<16xf32>,
      %get3A_586 = vector.shape_cast %get3A_585 : vector<16xf32> to vector<16xf32>
      %sub3A_587 = arith.subf %get3A_586, %add3A_483 : vector<16xf32>
      %max3A_588 = arith.constant 0.000000e+00 : f32
      %max3A_589 = vector.broadcast %max3A_588 : f32 to vector<16xf32>
      %max3A_590 = arith.maximumf %sub3A_587, %max3A_589 : vector<16xf32>
      %swap3A_591 = arith.index_cast %add3A_583 : i32 to index
      %swap3A_592 = tpu.vector_load %arg5[%swap3A_591] {strides = array<i32>} : memref<32768xf32, #tpu.memory_space<vmem>>, vector<16xf32>,
      %swap3A_593 = vector.shape_cast %swap3A_592 : vector<16xf32> to vector<16xf32>
      %swap3A_594 = vector.shape_cast %max3A_590 : vector<16xf32> to vector<16xf32>
      tpu.vector_store %arg5[%swap3A_591], %swap3A_594 {strides = array<i32>} : memref<32768xf32, #tpu.memory_space<vmem>>, vector<16xf32>,
      %add3A_595 = arith.constant 128 : i32
      %add3A_596 = arith.addi %mul3A_492, %add3A_595 : i32
      %get3A_597 = arith.index_cast %add3A_596 : i32 to index
      %get3A_598 = tpu.vector_load %arg4[%get3A_597] {strides = array<i32>} : memref<32768xf32, #tpu.memory_space<vmem>>, vector<16xf32>,
      %get3A_599 = vector.shape_cast %get3A_598 : vector<16xf32> to vector<16xf32>
      %sub3A_600 = arith.subf %get3A_599, %add3A_483 : vector<16xf32>
      %max3A_601 = arith.constant 0.000000e+00 : f32
      %max3A_602 = vector.broadcast %max3A_601 : f32 to vector<16xf32>
      %max3A_603 = arith.maximumf %sub3A_600, %max3A_602 : vector<16xf32>
      %swap3A_604 = arith.index_cast %add3A_596 : i32 to index
      %swap3A_605 = tpu.vector_load %arg5[%swap3A_604] {strides = array<i32>} : memref<32768xf32, #tpu.memory_space<vmem>>, vector<16xf32>,
      %swap3A_606 = vector.shape_cast %swap3A_605 : vector<16xf32> to vector<16xf32>
      %swap3A_607 = vector.shape_cast %max3A_603 : vector<16xf32> to vector<16xf32>
      tpu.vector_store %arg5[%swap3A_604], %swap3A_607 {strides = array<i32>} : memref<32768xf32, #tpu.memory_space<vmem>>, vector<16xf32>,
      %add3A_608 = arith.constant 144 : i32
      %add3A_609 = arith.addi %mul3A_492, %add3A_608 : i32
      %get3A_610 = arith.index_cast %add3A_609 : i32 to index
      %get3A_611 = tpu.vector_load %arg4[%get3A_610] {strides = array<i32>} : memref<32768xf32, #tpu.memory_space<vmem>>, vector<16xf32>,
      %get3A_612 = vector.shape_cast %get3A_611 : vector<16xf32> to vector<16xf32>
      %sub3A_613 = arith.subf %get3A_612, %add3A_483 : vector<16xf32>
      %max3A_614 = arith.constant 0.000000e+00 : f32
      %max3A_615 = vector.broadcast %max3A_614 : f32 to vector<16xf32>
      %max3A_616 = arith.maximumf %sub3A_613, %max3A_615 : vector<16xf32>
      %swap3A_617 = arith.index_cast %add3A_609 : i32 to index
      %swap3A_618 = tpu.vector_load %arg5[%swap3A_617] {strides = array<i32>} : memref<32768xf32, #tpu.memory_space<vmem>>, vector<16xf32>,
      %swap3A_619 = vector.shape_cast %swap3A_618 : vector<16xf32> to vector<16xf32>
      %swap3A_620 = vector.shape_cast %max3A_616 : vector<16xf32> to vector<16xf32>
      tpu.vector_store %arg5[%swap3A_617], %swap3A_620 {strides = array<i32>} : memref<32768xf32, #tpu.memory_space<vmem>>, vector<16xf32>,
      %add3A_621 = arith.constant 160 : i32
      %add3A_622 = arith.addi %mul3A_492, %add3A_621 : i32
      %get3A_623 = arith.index_cast %add3A_622 : i32 to index
      %get3A_624 = tpu.vector_load %arg4[%get3A_623] {strides = array<i32>} : memref<32768xf32, #tpu.memory_space<vmem>>, vector<16xf32>,
      %get3A_625 = vector.shape_cast %get3A_624 : vector<16xf32> to vector<16xf32>
      %sub3A_626 = arith.subf %get3A_625, %add3A_483 : vector<16xf32>
      %max3A_627 = arith.constant 0.000000e+00 : f32
      %max3A_628 = vector.broadcast %max3A_627 : f32 to vector<16xf32>
      %max3A_629 = arith.maximumf %sub3A_626, %max3A_628 : vector<16xf32>
      %swap3A_630 = arith.index_cast %add3A_622 : i32 to index
      %swap3A_631 = tpu.vector_load %arg5[%swap3A_630] {strides = array<i32>} : memref<32768xf32, #tpu.memory_space<vmem>>, vector<16xf32>,
      %swap3A_632 = vector.shape_cast %swap3A_631 : vector<16xf32> to vector<16xf32>
      %swap3A_633 = vector.shape_cast %max3A_629 : vector<16xf32> to vector<16xf32>
      tpu.vector_store %arg5[%swap3A_630], %swap3A_633 {strides = array<i32>} : memref<32768xf32, #tpu.memory_space<vmem>>, vector<16xf32>,
      %add3A_634 = arith.constant 176 : i32
      %add3A_635 = arith.addi %mul3A_492, %add3A_634 : i32
      %get3A_636 = arith.index_cast %add3A_635 : i32 to index
      %get3A_637 = tpu.vector_load %arg4[%get3A_636] {strides = array<i32>} : memref<32768xf32, #tpu.memory_space<vmem>>, vector<16xf32>,
      %get3A_638 = vector.shape_cast %get3A_637 : vector<16xf32> to vector<16xf32>
      %sub3A_639 = arith.subf %get3A_638, %add3A_483 : vector<16xf32>
      %max3A_640 = arith.constant 0.000000e+00 : f32
      %max3A_641 = vector.broadcast %max3A_640 : f32 to vector<16xf32>
      %max3A_642 = arith.maximumf %sub3A_639, %max3A_641 : vector<16xf32>
      %swap3A_643 = arith.index_cast %add3A_635 : i32 to index
      %swap3A_644 = tpu.vector_load %arg5[%swap3A_643] {strides = array<i32>} : memref<32768xf32, #tpu.memory_space<vmem>>, vector<16xf32>,
      %swap3A_645 = vector.shape_cast %swap3A_644 : vector<16xf32> to vector<16xf32>
      %swap3A_646 = vector.shape_cast %max3A_642 : vector<16xf32> to vector<16xf32>
      tpu.vector_store %arg5[%swap3A_643], %swap3A_646 {strides = array<i32>} : memref<32768xf32, #tpu.memory_space<vmem>>, vector<16xf32>,
      %add3A_647 = arith.constant 192 : i32
      %add3A_648 = arith.addi %mul3A_492, %add3A_647 : i32
      %get3A_649 = arith.index_cast %add3A_648 : i32 to index
      %get3A_650 = tpu.vector_load %arg4[%get3A_649] {strides = array<i32>} : memref<32768xf32, #tpu.memory_space<vmem>>, vector<16xf32>,
      %get3A_651 = vector.shape_cast %get3A_650 : vector<16xf32> to vector<16xf32>
      %sub3A_652 = arith.subf %get3A_651, %add3A_483 : vector<16xf32>
      %max3A_653 = arith.constant 0.000000e+00 : f32
      %max3A_654 = vector.broadcast %max3A_653 : f32 to vector<16xf32>
      %max3A_655 = arith.maximumf %sub3A_652, %max3A_654 : vector<16xf32>
      %swap3A_656 = arith.index_cast %add3A_648 : i32 to index
      %swap3A_657 = tpu.vector_load %arg5[%swap3A_656] {strides = array<i32>} : memref<32768xf32, #tpu.memory_space<vmem>>, vector<16xf32>,
      %swap3A_658 = vector.shape_cast %swap3A_657 : vector<16xf32> to vector<16xf32>
      %swap3A_659 = vector.shape_cast %max3A_655 : vector<16xf32> to vector<16xf32>
      tpu.vector_store %arg5[%swap3A_656], %swap3A_659 {strides = array<i32>} : memref<32768xf32, #tpu.memory_space<vmem>>, vector<16xf32>,
      %add3A_660 = arith.constant 208 : i32
      %add3A_661 = arith.addi %mul3A_492, %add3A_660 : i32
      %get3A_662 = arith.index_cast %add3A_661 : i32 to index
      %get3A_663 = tpu.vector_load %arg4[%get3A_662] {strides = array<i32>} : memref<32768xf32, #tpu.memory_space<vmem>>, vector<16xf32>,
      %get3A_664 = vector.shape_cast %get3A_663 : vector<16xf32> to vector<16xf32>
      %sub3A_665 = arith.subf %get3A_664, %add3A_483 : vector<16xf32>
      %max3A_666 = arith.constant 0.000000e+00 : f32
      %max3A_667 = vector.broadcast %max3A_666 : f32 to vector<16xf32>
      %max3A_668 = arith.maximumf %sub3A_665, %max3A_667 : vector<16xf32>
      %swap3A_669 = arith.index_cast %add3A_661 : i32 to index
      %swap3A_670 = tpu.vector_load %arg5[%swap3A_669] {strides = array<i32>} : memref<32768xf32, #tpu.memory_space<vmem>>, vector<16xf32>,
      %swap3A_671 = vector.shape_cast %swap3A_670 : vector<16xf32> to vector<16xf32>
      %swap3A_672 = vector.shape_cast %max3A_668 : vector<16xf32> to vector<16xf32>
      tpu.vector_store %arg5[%swap3A_669], %swap3A_672 {strides = array<i32>} : memref<32768xf32, #tpu.memory_space<vmem>>, vector<16xf32>,
      %add3A_673 = arith.constant 224 : i32
      %add3A_674 = arith.addi %mul3A_492, %add3A_673 : i32
      %get3A_675 = arith.index_cast %add3A_674 : i32 to index
      %get3A_676 = tpu.vector_load %arg4[%get3A_675] {strides = array<i32>} : memref<32768xf32, #tpu.memory_space<vmem>>, vector<16xf32>,
      %get3A_677 = vector.shape_cast %get3A_676 : vector<16xf32> to vector<16xf32>
      %sub3A_678 = arith.subf %get3A_677, %add3A_483 : vector<16xf32>
      %max3A_679 = arith.constant 0.000000e+00 : f32
      %max3A_680 = vector.broadcast %max3A_679 : f32 to vector<16xf32>
      %max3A_681 = arith.maximumf %sub3A_678, %max3A_680 : vector<16xf32>
      %swap3A_682 = arith.index_cast %add3A_674 : i32 to index
      %swap3A_683 = tpu.vector_load %arg5[%swap3A_682] {strides = array<i32>} : memref<32768xf32, #tpu.memory_space<vmem>>, vector<16xf32>,
      %swap3A_684 = vector.shape_cast %swap3A_683 : vector<16xf32> to vector<16xf32>
      %swap3A_685 = vector.shape_cast %max3A_681 : vector<16xf32> to vector<16xf32>
      tpu.vector_store %arg5[%swap3A_682], %swap3A_685 {strides = array<i32>} : memref<32768xf32, #tpu.memory_space<vmem>>, vector<16xf32>,
      %add3A_686 = arith.constant 240 : i32
      %add3A_687 = arith.addi %mul3A_492, %add3A_686 : i32
      %get3A_688 = arith.index_cast %add3A_687 : i32 to index
      %get3A_689 = tpu.vector_load %arg4[%get3A_688] {strides = array<i32>} : memref<32768xf32, #tpu.memory_space<vmem>>, vector<16xf32>,
      %get3A_690 = vector.shape_cast %get3A_689 : vector<16xf32> to vector<16xf32>
      %sub3A_691 = arith.subf %get3A_690, %add3A_483 : vector<16xf32>
      %max3A_692 = arith.constant 0.000000e+00 : f32
      %max3A_693 = vector.broadcast %max3A_692 : f32 to vector<16xf32>
      %max3A_694 = arith.maximumf %sub3A_691, %max3A_693 : vector<16xf32>
      %swap3A_695 = arith.index_cast %add3A_687 : i32 to index
      %swap3A_696 = tpu.vector_load %arg5[%swap3A_695] {strides = array<i32>} : memref<32768xf32, #tpu.memory_space<vmem>>, vector<16xf32>,
      %swap3A_697 = vector.shape_cast %swap3A_696 : vector<16xf32> to vector<16xf32>
      %swap3A_698 = vector.shape_cast %max3A_694 : vector<16xf32> to vector<16xf32>
      tpu.vector_store %arg5[%swap3A_695], %swap3A_698 {strides = array<i32>} : memref<32768xf32, #tpu.memory_space<vmem>>, vector<16xf32>,
      %add3A_699 = arith.constant 256 : i32
      %add3A_700 = arith.addi %mul3A_492, %add3A_699 : i32
      %get3A_701 = arith.index_cast %add3A_700 : i32 to index
      %get3A_702 = tpu.vector_load %arg4[%get3A_701] {strides = array<i32>} : memref<32768xf32, #tpu.memory_space<vmem>>, vector<16xf32>,
      %get3A_703 = vector.shape_cast %get3A_702 : vector<16xf32> to vector<16xf32>
      %sub3A_704 = arith.subf %get3A_703, %add3A_483 : vector<16xf32>
      %max3A_705 = arith.constant 0.000000e+00 : f32
      %max3A_706 = vector.broadcast %max3A_705 : f32 to vector<16xf32>
      %max3A_707 = arith.maximumf %sub3A_704, %max3A_706 : vector<16xf32>
      %swap3A_708 = arith.index_cast %add3A_700 : i32 to index
      %swap3A_709 = tpu.vector_load %arg5[%swap3A_708] {strides = array<i32>} : memref<32768xf32, #tpu.memory_space<vmem>>, vector<16xf32>,
      %swap3A_710 = vector.shape_cast %swap3A_709 : vector<16xf32> to vector<16xf32>
      %swap3A_711 = vector.shape_cast %max3A_707 : vector<16xf32> to vector<16xf32>
      tpu.vector_store %arg5[%swap3A_708], %swap3A_711 {strides = array<i32>} : memref<32768xf32, #tpu.memory_space<vmem>>, vector<16xf32>,
      %add3A_712 = arith.constant 272 : i32
      %add3A_713 = arith.addi %mul3A_492, %add3A_712 : i32
      %get3A_714 = arith.index_cast %add3A_713 : i32 to index
      %get3A_715 = tpu.vector_load %arg4[%get3A_714] {strides = array<i32>} : memref<32768xf32, #tpu.memory_space<vmem>>, vector<16xf32>,
      %get3A_716 = vector.shape_cast %get3A_715 : vector<16xf32> to vector<16xf32>
      %sub3A_717 = arith.subf %get3A_716, %add3A_483 : vector<16xf32>
      %max3A_718 = arith.constant 0.000000e+00 : f32
      %max3A_719 = vector.broadcast %max3A_718 : f32 to vector<16xf32>
      %max3A_720 = arith.maximumf %sub3A_717, %max3A_719 : vector<16xf32>
      %swap3A_721 = arith.index_cast %add3A_713 : i32 to index
      %swap3A_722 = tpu.vector_load %arg5[%swap3A_721] {strides = array<i32>} : memref<32768xf32, #tpu.memory_space<vmem>>, vector<16xf32>,
      %swap3A_723 = vector.shape_cast %swap3A_722 : vector<16xf32> to vector<16xf32>
      %swap3A_724 = vector.shape_cast %max3A_720 : vector<16xf32> to vector<16xf32>
      tpu.vector_store %arg5[%swap3A_721], %swap3A_724 {strides = array<i32>} : memref<32768xf32, #tpu.memory_space<vmem>>, vector<16xf32>,
      %add3A_725 = arith.constant 288 : i32
      %add3A_726 = arith.addi %mul3A_492, %add3A_725 : i32
      %get3A_727 = arith.index_cast %add3A_726 : i32 to index
      %get3A_728 = tpu.vector_load %arg4[%get3A_727] {strides = array<i32>} : memref<32768xf32, #tpu.memory_space<vmem>>, vector<16xf32>,
      %get3A_729 = vector.shape_cast %get3A_728 : vector<16xf32> to vector<16xf32>
      %sub3A_730 = arith.subf %get3A_729, %add3A_483 : vector<16xf32>
      %max3A_731 = arith.constant 0.000000e+00 : f32
      %max3A_732 = vector.broadcast %max3A_731 : f32 to vector<16xf32>
      %max3A_733 = arith.maximumf %sub3A_730, %max3A_732 : vector<16xf32>
      %swap3A_734 = arith.index_cast %add3A_726 : i32 to index
      %swap3A_735 = tpu.vector_load %arg5[%swap3A_734] {strides = array<i32>} : memref<32768xf32, #tpu.memory_space<vmem>>, vector<16xf32>,
      %swap3A_736 = vector.shape_cast %swap3A_735 : vector<16xf32> to vector<16xf32>
      %swap3A_737 = vector.shape_cast %max3A_733 : vector<16xf32> to vector<16xf32>
      tpu.vector_store %arg5[%swap3A_734], %swap3A_737 {strides = array<i32>} : memref<32768xf32, #tpu.memory_space<vmem>>, vector<16xf32>,
      %add3A_738 = arith.constant 304 : i32
      %add3A_739 = arith.addi %mul3A_492, %add3A_738 : i32
      %get3A_740 = arith.index_cast %add3A_739 : i32 to index
      %get3A_741 = tpu.vector_load %arg4[%get3A_740] {strides = array<i32>} : memref<32768xf32, #tpu.memory_space<vmem>>, vector<16xf32>,
      %get3A_742 = vector.shape_cast %get3A_741 : vector<16xf32> to vector<16xf32>
      %sub3A_743 = arith.subf %get3A_742, %add3A_483 : vector<16xf32>
      %max3A_744 = arith.constant 0.000000e+00 : f32
      %max3A_745 = vector.broadcast %max3A_744 : f32 to vector<16xf32>
      %max3A_746 = arith.maximumf %sub3A_743, %max3A_745 : vector<16xf32>
      %swap3A_747 = arith.index_cast %add3A_739 : i32 to index
      %swap3A_748 = tpu.vector_load %arg5[%swap3A_747] {strides = array<i32>} : memref<32768xf32, #tpu.memory_space<vmem>>, vector<16xf32>,
      %swap3A_749 = vector.shape_cast %swap3A_748 : vector<16xf32> to vector<16xf32>
      %swap3A_750 = vector.shape_cast %max3A_746 : vector<16xf32> to vector<16xf32>
      tpu.vector_store %arg5[%swap3A_747], %swap3A_750 {strides = array<i32>} : memref<32768xf32, #tpu.memory_space<vmem>>, vector<16xf32>,
      %add3A_751 = arith.constant 320 : i32
      %add3A_752 = arith.addi %mul3A_492, %add3A_751 : i32
      %get3A_753 = arith.index_cast %add3A_752 : i32 to index
      %get3A_754 = tpu.vector_load %arg4[%get3A_753] {strides = array<i32>} : memref<32768xf32, #tpu.memory_space<vmem>>, vector<16xf32>,
      %get3A_755 = vector.shape_cast %get3A_754 : vector<16xf32> to vector<16xf32>
      %sub3A_756 = arith.subf %get3A_755, %add3A_483 : vector<16xf32>
      %max3A_757 = arith.constant 0.000000e+00 : f32
      %max3A_758 = vector.broadcast %max3A_757 : f32 to vector<16xf32>
      %max3A_759 = arith.maximumf %sub3A_756, %max3A_758 : vector<16xf32>
      %swap3A_760 = arith.index_cast %add3A_752 : i32 to index
      %swap3A_761 = tpu.vector_load %arg5[%swap3A_760] {strides = array<i32>} : memref<32768xf32, #tpu.memory_space<vmem>>, vector<16xf32>,
      %swap3A_762 = vector.shape_cast %swap3A_761 : vector<16xf32> to vector<16xf32>
      %swap3A_763 = vector.shape_cast %max3A_759 : vector<16xf32> to vector<16xf32>
      tpu.vector_store %arg5[%swap3A_760], %swap3A_763 {strides = array<i32>} : memref<32768xf32, #tpu.memory_space<vmem>>, vector<16xf32>,
      %add3A_764 = arith.constant 336 : i32
      %add3A_765 = arith.addi %mul3A_492, %add3A_764 : i32
      %get3A_766 = arith.index_cast %add3A_765 : i32 to index
      %get3A_767 = tpu.vector_load %arg4[%get3A_766] {strides = array<i32>} : memref<32768xf32, #tpu.memory_space<vmem>>, vector<16xf32>,
      %get3A_768 = vector.shape_cast %get3A_767 : vector<16xf32> to vector<16xf32>
      %sub3A_769 = arith.subf %get3A_768, %add3A_483 : vector<16xf32>
      %max3A_770 = arith.constant 0.000000e+00 : f32
      %max3A_771 = vector.broadcast %max3A_770 : f32 to vector<16xf32>
      %max3A_772 = arith.maximumf %sub3A_769, %max3A_771 : vector<16xf32>
      %swap3A_773 = arith.index_cast %add3A_765 : i32 to index
      %swap3A_774 = tpu.vector_load %arg5[%swap3A_773] {strides = array<i32>} : memref<32768xf32, #tpu.memory_space<vmem>>, vector<16xf32>,
      %swap3A_775 = vector.shape_cast %swap3A_774 : vector<16xf32> to vector<16xf32>
      %swap3A_776 = vector.shape_cast %max3A_772 : vector<16xf32> to vector<16xf32>
      tpu.vector_store %arg5[%swap3A_773], %swap3A_776 {strides = array<i32>} : memref<32768xf32, #tpu.memory_space<vmem>>, vector<16xf32>,
      %add3A_777 = arith.constant 352 : i32
      %add3A_778 = arith.addi %mul3A_492, %add3A_777 : i32
      %get3A_779 = arith.index_cast %add3A_778 : i32 to index
      %get3A_780 = tpu.vector_load %arg4[%get3A_779] {strides = array<i32>} : memref<32768xf32, #tpu.memory_space<vmem>>, vector<16xf32>,
      %get3A_781 = vector.shape_cast %get3A_780 : vector<16xf32> to vector<16xf32>
      %sub3A_782 = arith.subf %get3A_781, %add3A_483 : vector<16xf32>
      %max3A_783 = arith.constant 0.000000e+00 : f32
      %max3A_784 = vector.broadcast %max3A_783 : f32 to vector<16xf32>
      %max3A_785 = arith.maximumf %sub3A_782, %max3A_784 : vector<16xf32>
      %swap3A_786 = arith.index_cast %add3A_778 : i32 to index
      %swap3A_787 = tpu.vector_load %arg5[%swap3A_786] {strides = array<i32>} : memref<32768xf32, #tpu.memory_space<vmem>>, vector<16xf32>,
      %swap3A_788 = vector.shape_cast %swap3A_787 : vector<16xf32> to vector<16xf32>
      %swap3A_789 = vector.shape_cast %max3A_785 : vector<16xf32> to vector<16xf32>
      tpu.vector_store %arg5[%swap3A_786], %swap3A_789 {strides = array<i32>} : memref<32768xf32, #tpu.memory_space<vmem>>, vector<16xf32>,
      %add3A_790 = arith.constant 368 : i32
      %add3A_791 = arith.addi %mul3A_492, %add3A_790 : i32
      %get3A_792 = arith.index_cast %add3A_791 : i32 to index
      %get3A_793 = tpu.vector_load %arg4[%get3A_792] {strides = array<i32>} : memref<32768xf32, #tpu.memory_space<vmem>>, vector<16xf32>,
      %get3A_794 = vector.shape_cast %get3A_793 : vector<16xf32> to vector<16xf32>
      %sub3A_795 = arith.subf %get3A_794, %add3A_483 : vector<16xf32>
      %max3A_796 = arith.constant 0.000000e+00 : f32
      %max3A_797 = vector.broadcast %max3A_796 : f32 to vector<16xf32>
      %max3A_798 = arith.maximumf %sub3A_795, %max3A_797 : vector<16xf32>
      %swap3A_799 = arith.index_cast %add3A_791 : i32 to index
      %swap3A_800 = tpu.vector_load %arg5[%swap3A_799] {strides = array<i32>} : memref<32768xf32, #tpu.memory_space<vmem>>, vector<16xf32>,
      %swap3A_801 = vector.shape_cast %swap3A_800 : vector<16xf32> to vector<16xf32>
      %swap3A_802 = vector.shape_cast %max3A_798 : vector<16xf32> to vector<16xf32>
      tpu.vector_store %arg5[%swap3A_799], %swap3A_802 {strides = array<i32>} : memref<32768xf32, #tpu.memory_space<vmem>>, vector<16xf32>,
      %add3A_803 = arith.constant 384 : i32
      %add3A_804 = arith.addi %mul3A_492, %add3A_803 : i32
      %get3A_805 = arith.index_cast %add3A_804 : i32 to index
      %get3A_806 = tpu.vector_load %arg4[%get3A_805] {strides = array<i32>} : memref<32768xf32, #tpu.memory_space<vmem>>, vector<16xf32>,
      %get3A_807 = vector.shape_cast %get3A_806 : vector<16xf32> to vector<16xf32>
      %sub3A_808 = arith.subf %get3A_807, %add3A_483 : vector<16xf32>
      %max3A_809 = arith.constant 0.000000e+00 : f32
      %max3A_810 = vector.broadcast %max3A_809 : f32 to vector<16xf32>
      %max3A_811 = arith.maximumf %sub3A_808, %max3A_810 : vector<16xf32>
      %swap3A_812 = arith.index_cast %add3A_804 : i32 to index
      %swap3A_813 = tpu.vector_load %arg5[%swap3A_812] {strides = array<i32>} : memref<32768xf32, #tpu.memory_space<vmem>>, vector<16xf32>,
      %swap3A_814 = vector.shape_cast %swap3A_813 : vector<16xf32> to vector<16xf32>
      %swap3A_815 = vector.shape_cast %max3A_811 : vector<16xf32> to vector<16xf32>
      tpu.vector_store %arg5[%swap3A_812], %swap3A_815 {strides = array<i32>} : memref<32768xf32, #tpu.memory_space<vmem>>, vector<16xf32>,
      %add3A_816 = arith.constant 400 : i32
      %add3A_817 = arith.addi %mul3A_492, %add3A_816 : i32
      %get3A_818 = arith.index_cast %add3A_817 : i32 to index
      %get3A_819 = tpu.vector_load %arg4[%get3A_818] {strides = array<i32>} : memref<32768xf32, #tpu.memory_space<vmem>>, vector<16xf32>,
      %get3A_820 = vector.shape_cast %get3A_819 : vector<16xf32> to vector<16xf32>
      %sub3A_821 = arith.subf %get3A_820, %add3A_483 : vector<16xf32>
      %max3A_822 = arith.constant 0.000000e+00 : f32
      %max3A_823 = vector.broadcast %max3A_822 : f32 to vector<16xf32>
      %max3A_824 = arith.maximumf %sub3A_821, %max3A_823 : vector<16xf32>
      %swap3A_825 = arith.index_cast %add3A_817 : i32 to index
      %swap3A_826 = tpu.vector_load %arg5[%swap3A_825] {strides = array<i32>} : memref<32768xf32, #tpu.memory_space<vmem>>, vector<16xf32>,
      %swap3A_827 = vector.shape_cast %swap3A_826 : vector<16xf32> to vector<16xf32>
      %swap3A_828 = vector.shape_cast %max3A_824 : vector<16xf32> to vector<16xf32>
      tpu.vector_store %arg5[%swap3A_825], %swap3A_828 {strides = array<i32>} : memref<32768xf32, #tpu.memory_space<vmem>>, vector<16xf32>,
      %add3A_829 = arith.constant 416 : i32
      %add3A_830 = arith.addi %mul3A_492, %add3A_829 : i32
      %get3A_831 = arith.index_cast %add3A_830 : i32 to index
      %get3A_832 = tpu.vector_load %arg4[%get3A_831] {strides = array<i32>} : memref<32768xf32, #tpu.memory_space<vmem>>, vector<16xf32>,
      %get3A_833 = vector.shape_cast %get3A_832 : vector<16xf32> to vector<16xf32>
      %sub3A_834 = arith.subf %get3A_833, %add3A_483 : vector<16xf32>
      %max3A_835 = arith.constant 0.000000e+00 : f32
      %max3A_836 = vector.broadcast %max3A_835 : f32 to vector<16xf32>
      %max3A_837 = arith.maximumf %sub3A_834, %max3A_836 : vector<16xf32>
      %swap3A_838 = arith.index_cast %add3A_830 : i32 to index
      %swap3A_839 = tpu.vector_load %arg5[%swap3A_838] {strides = array<i32>} : memref<32768xf32, #tpu.memory_space<vmem>>, vector<16xf32>,
      %swap3A_840 = vector.shape_cast %swap3A_839 : vector<16xf32> to vector<16xf32>
      %swap3A_841 = vector.shape_cast %max3A_837 : vector<16xf32> to vector<16xf32>
      tpu.vector_store %arg5[%swap3A_838], %swap3A_841 {strides = array<i32>} : memref<32768xf32, #tpu.memory_space<vmem>>, vector<16xf32>,
      %add3A_842 = arith.constant 432 : i32
      %add3A_843 = arith.addi %mul3A_492, %add3A_842 : i32
      %get3A_844 = arith.index_cast %add3A_843 : i32 to index
      %get3A_845 = tpu.vector_load %arg4[%get3A_844] {strides = array<i32>} : memref<32768xf32, #tpu.memory_space<vmem>>, vector<16xf32>,
      %get3A_846 = vector.shape_cast %get3A_845 : vector<16xf32> to vector<16xf32>
      %sub3A_847 = arith.subf %get3A_846, %add3A_483 : vector<16xf32>
      %max3A_848 = arith.constant 0.000000e+00 : f32
      %max3A_849 = vector.broadcast %max3A_848 : f32 to vector<16xf32>
      %max3A_850 = arith.maximumf %sub3A_847, %max3A_849 : vector<16xf32>
      %swap3A_851 = arith.index_cast %add3A_843 : i32 to index
      %swap3A_852 = tpu.vector_load %arg5[%swap3A_851] {strides = array<i32>} : memref<32768xf32, #tpu.memory_space<vmem>>, vector<16xf32>,
      %swap3A_853 = vector.shape_cast %swap3A_852 : vector<16xf32> to vector<16xf32>
      %swap3A_854 = vector.shape_cast %max3A_850 : vector<16xf32> to vector<16xf32>
      tpu.vector_store %arg5[%swap3A_851], %swap3A_854 {strides = array<i32>} : memref<32768xf32, #tpu.memory_space<vmem>>, vector<16xf32>,
      %add3A_855 = arith.constant 448 : i32
      %add3A_856 = arith.addi %mul3A_492, %add3A_855 : i32
      %get3A_857 = arith.index_cast %add3A_856 : i32 to index
      %get3A_858 = tpu.vector_load %arg4[%get3A_857] {strides = array<i32>} : memref<32768xf32, #tpu.memory_space<vmem>>, vector<16xf32>,
      %get3A_859 = vector.shape_cast %get3A_858 : vector<16xf32> to vector<16xf32>
      %sub3A_860 = arith.subf %get3A_859, %add3A_483 : vector<16xf32>
      %max3A_861 = arith.constant 0.000000e+00 : f32
      %max3A_862 = vector.broadcast %max3A_861 : f32 to vector<16xf32>
      %max3A_863 = arith.maximumf %sub3A_860, %max3A_862 : vector<16xf32>
      %swap3A_864 = arith.index_cast %add3A_856 : i32 to index
      %swap3A_865 = tpu.vector_load %arg5[%swap3A_864] {strides = array<i32>} : memref<32768xf32, #tpu.memory_space<vmem>>, vector<16xf32>,
      %swap3A_866 = vector.shape_cast %swap3A_865 : vector<16xf32> to vector<16xf32>
      %swap3A_867 = vector.shape_cast %max3A_863 : vector<16xf32> to vector<16xf32>
      tpu.vector_store %arg5[%swap3A_864], %swap3A_867 {strides = array<i32>} : memref<32768xf32, #tpu.memory_space<vmem>>, vector<16xf32>,
      %add3A_868 = arith.constant 464 : i32
      %add3A_869 = arith.addi %mul3A_492, %add3A_868 : i32
      %get3A_870 = arith.index_cast %add3A_869 : i32 to index
      %get3A_871 = tpu.vector_load %arg4[%get3A_870] {strides = array<i32>} : memref<32768xf32, #tpu.memory_space<vmem>>, vector<16xf32>,
      %get3A_872 = vector.shape_cast %get3A_871 : vector<16xf32> to vector<16xf32>
      %sub3A_873 = arith.subf %get3A_872, %add3A_483 : vector<16xf32>
      %max3A_874 = arith.constant 0.000000e+00 : f32
      %max3A_875 = vector.broadcast %max3A_874 : f32 to vector<16xf32>
      %max3A_876 = arith.maximumf %sub3A_873, %max3A_875 : vector<16xf32>
      %swap3A_877 = arith.index_cast %add3A_869 : i32 to index
      %swap3A_878 = tpu.vector_load %arg5[%swap3A_877] {strides = array<i32>} : memref<32768xf32, #tpu.memory_space<vmem>>, vector<16xf32>,
      %swap3A_879 = vector.shape_cast %swap3A_878 : vector<16xf32> to vector<16xf32>
      %swap3A_880 = vector.shape_cast %max3A_876 : vector<16xf32> to vector<16xf32>
      tpu.vector_store %arg5[%swap3A_877], %swap3A_880 {strides = array<i32>} : memref<32768xf32, #tpu.memory_space<vmem>>, vector<16xf32>,
      %add3A_881 = arith.constant 480 : i32
      %add3A_882 = arith.addi %mul3A_492, %add3A_881 : i32
      %get3A_883 = arith.index_cast %add3A_882 : i32 to index
      %get3A_884 = tpu.vector_load %arg4[%get3A_883] {strides = array<i32>} : memref<32768xf32, #tpu.memory_space<vmem>>, vector<16xf32>,
      %get3A_885 = vector.shape_cast %get3A_884 : vector<16xf32> to vector<16xf32>
      %sub3A_886 = arith.subf %get3A_885, %add3A_483 : vector<16xf32>
      %max3A_887 = arith.constant 0.000000e+00 : f32
      %max3A_888 = vector.broadcast %max3A_887 : f32 to vector<16xf32>
      %max3A_889 = arith.maximumf %sub3A_886, %max3A_888 : vector<16xf32>
      %swap3A_890 = arith.index_cast %add3A_882 : i32 to index
      %swap3A_891 = tpu.vector_load %arg5[%swap3A_890] {strides = array<i32>} : memref<32768xf32, #tpu.memory_space<vmem>>, vector<16xf32>,
      %swap3A_892 = vector.shape_cast %swap3A_891 : vector<16xf32> to vector<16xf32>
      %swap3A_893 = vector.shape_cast %max3A_889 : vector<16xf32> to vector<16xf32>
      tpu.vector_store %arg5[%swap3A_890], %swap3A_893 {strides = array<i32>} : memref<32768xf32, #tpu.memory_space<vmem>>, vector<16xf32>,
      %add3A_894 = arith.constant 496 : i32
      %add3A_895 = arith.addi %mul3A_492, %add3A_894 : i32
      %get3A_896 = arith.index_cast %add3A_895 : i32 to index
      %get3A_897 = tpu.vector_load %arg4[%get3A_896] {strides = array<i32>} : memref<32768xf32, #tpu.memory_space<vmem>>, vector<16xf32>,
      %get3A_898 = vector.shape_cast %get3A_897 : vector<16xf32> to vector<16xf32>
      %sub3A_899 = arith.subf %get3A_898, %add3A_483 : vector<16xf32>
      %max3A_900 = arith.constant 0.000000e+00 : f32
      %max3A_901 = vector.broadcast %max3A_900 : f32 to vector<16xf32>
      %max3A_902 = arith.maximumf %sub3A_899, %max3A_901 : vector<16xf32>
      %swap3A_903 = arith.index_cast %add3A_895 : i32 to index
      %swap3A_904 = tpu.vector_load %arg5[%swap3A_903] {strides = array<i32>} : memref<32768xf32, #tpu.memory_space<vmem>>, vector<16xf32>,
      %swap3A_905 = vector.shape_cast %swap3A_904 : vector<16xf32> to vector<16xf32>
      %swap3A_906 = vector.shape_cast %max3A_902 : vector<16xf32> to vector<16xf32>
      tpu.vector_store %arg5[%swap3A_903], %swap3A_906 {strides = array<i32>} : memref<32768xf32, #tpu.memory_space<vmem>>, vector<16xf32>,
    }
    %scan3A_489 = arith.constant 64 : i32
    "tpu.region"() ({
      %run_scoped3A = tpu.sem_alloc : memref<!tpu.dma_semaphore, #tpu.memory_space<semaphore_mem>>
      %dma_start3A = arith.constant 0 : i32
      %dma_start3A_490 = tpu.memref_slice %arg3[%add3A, %dma_start3A] : memref<32x32768xf32, #tpu.memory_space<hbm>> -> memref<1x32768xf32, #tpu.memory_space<hbm>>
      %dma_start3A_491 = tpu.memref_squeeze %dma_start3A_490 : memref<1x32768xf32, #tpu.memory_space<hbm>> -> memref<32768xf32, #tpu.memory_space<hbm>>
      %dma_start3A_492 = arith.constant 0 : i32
      %dma_start3A_493 = tpu.memref_slice %arg3[%add3A, %dma_start3A_492] : memref<32x32768xf32, #tpu.memory_space<hbm>> -> memref<1x32768xf32, #tpu.memory_space<hbm>>
      %dma_start3A_494 = tpu.memref_squeeze %dma_start3A_493 : memref<1x32768xf32, #tpu.memory_space<hbm>> -> memref<32768xf32, #tpu.memory_space<hbm>>
      tpu.enqueue_dma source(%arg5 : memref<32768xf32, #tpu.memory_space<vmem>>) target(%dma_start3A_494 : memref<32768xf32, #tpu.memory_space<hbm>>) target_semaphore(%run_scoped3A : memref<!tpu.dma_semaphore, #tpu.memory_space<semaphore_mem>>)
      %dma_wait3A = arith.constant 0 : i32
      %dma_wait3A_495 = tpu.memref_slice %arg3[%add3A, %dma_wait3A] : memref<32x32768xf32, #tpu.memory_space<hbm>> -> memref<1x32768xf32, #tpu.memory_space<hbm>>
      %dma_wait3A_496 = tpu.memref_squeeze %dma_wait3A_495 : memref<1x32768xf32, #tpu.memory_space<hbm>> -> memref<32768xf32, #tpu.memory_space<hbm>>
      %dma_wait3A_497 = arith.constant 0 : i32
      %dma_wait3A_498 = tpu.memref_slice %arg3[%add3A, %dma_wait3A_497] : memref<32x32768xf32, #tpu.memory_space<hbm>> -> memref<1x32768xf32, #tpu.memory_space<hbm>>
      %dma_wait3A_499 = tpu.memref_squeeze %dma_wait3A_498 : memref<1x32768xf32, #tpu.memory_space<hbm>> -> memref<32768xf32, #tpu.memory_space<hbm>>
      tpu.wait_dma2 semaphore(%run_scoped3A : memref<!tpu.dma_semaphore, #tpu.memory_space<semaphore_mem>>) src(%arg5 : memref<32768xf32, #tpu.memory_space<vmem>>) dst(%dma_wait3A_499 : memref<32768xf32, #tpu.memory_space<hbm>>)
      tpu.yield
    }) : () -> ()
    return
  }
}

module attributes {stable_mosaic.version = 14 : i64} {
  func.func @_sparsemax_block(%arg0: i32, %arg1: memref<32x32768xf32, #tpu.memory_space<vmem>>, %arg2: memref<32x32768xf32, #tpu.memory_space<vmem>>) attributes {dimension_semantics = [#tpu.dimension_semantics<parallel>], iteration_bounds = array<i64: 3>, scalar_prefetch = 0 : i64, scratch_operands = 0 : i64, tpu.core_type = #tpu.core_type<tc>, window_params = [{transform_indices = @transform_0, window_bounds = array<i64: 32, 32768>}, {transform_indices = @transform_1, window_bounds = array<i64: 32, 32768>}]} {
    %get3A = arith.constant 0 : index
    %get3A_0 = arith.constant 0 : index
    %get3A_1 = vector.load %arg1[%get3A, %get3A_0] : memref<32x32768xf32, #tpu.memory_space<vmem>>, vector<32x32768xf32>
    %reduce_max3A = arith.constant dense<0xFF800000> : vector<32xf32>
    %reduce_max3A_2 = vector.multi_reduction <maximumf>, %get3A_1, %reduce_max3A [1] : vector<32x32768xf32> to vector<32xf32>
    %broadcast_in_dim3A = vector.shape_cast %reduce_max3A_2 : vector<32xf32> to vector<32x1xf32>
    %sub3A = arith.constant 1.000000e+00 : f32
    %sub3A_3 = vector.broadcast %sub3A : f32 to vector<32x1xf32>
    %sub3A_4 = arith.subf %broadcast_in_dim3A, %sub3A_3 : vector<32x1xf32>
    %get3A_5 = arith.constant 0 : index
    %get3A_6 = arith.constant 0 : index
    %get3A_7 = vector.load %arg1[%get3A_5, %get3A_6] : memref<32x32768xf32, #tpu.memory_space<vmem>>, vector<32x32768xf32>
    %sub3A_8 = vector.broadcast %sub3A_4 : vector<32x1xf32> to vector<32x32768xf32>
    %sub3A_9 = arith.subf %get3A_7, %sub3A_8 : vector<32x32768xf32>
    %max3A = arith.constant 0.000000e+00 : f32
    %max3A_10 = vector.broadcast %max3A : f32 to vector<32x32768xf32>
    %max3A_11 = arith.maximumf %sub3A_9, %max3A_10 : vector<32x32768xf32>
    %reduce_sum3A = arith.constant dense<0.000000e+00> : vector<32xf32>
    %reduce_sum3A_12 = vector.multi_reduction <add>, %max3A_11, %reduce_sum3A [1] : vector<32x32768xf32> to vector<32xf32>
    %broadcast_in_dim3A_13 = vector.shape_cast %reduce_sum3A_12 : vector<32xf32> to vector<32x1xf32>
    %sub3A_14 = arith.constant 1.000000e+00 : f32
    %sub3A_15 = vector.broadcast %sub3A_14 : f32 to vector<32x1xf32>
    %sub3A_16 = arith.subf %broadcast_in_dim3A_13, %sub3A_15 : vector<32x1xf32>
    %sub3A_17 = arith.constant 1.000000e+00 : f32
    %sub3A_18 = vector.broadcast %sub3A_17 : f32 to vector<32x1xf32>
    %sub3A_19 = arith.subf %sub3A_4, %sub3A_18 : vector<32x1xf32>
    %add3A = arith.constant 1.000000e+00 : f32
    %add3A_20 = vector.broadcast %add3A : f32 to vector<32x1xf32>
    %add3A_21 = arith.addf %sub3A_16, %add3A_20 : vector<32x1xf32>
    %scan3A = arith.constant 0 : i32
    %scan3A_22 = arith.constant 8 : i32
    %scan3A_23 = arith.addi %scan3A, %scan3A_22 : i32
    %scan3A_24 = arith.constant 1 : i32
    %scan3A_25:5 = scf.for %scan3A_48 = %scan3A to %scan3A_23 step %scan3A_24 iter_args(%scan3A_49 = %sub3A_4, %scan3A_50 = %broadcast_in_dim3A, %scan3A_51 = %sub3A_16, %scan3A_52 = %sub3A_19, %scan3A_53 = %add3A_21) -> (vector<32x1xf32>, vector<32x1xf32>, vector<32x1xf32>, vector<32x1xf32>, vector<32x1xf32>)  : i32 {
      %add3A_54 = arith.addf %scan3A_49, %scan3A_50 : vector<32x1xf32>
      %mul3A = arith.constant 5.000000e-01 : f32
      %mul3A_55 = vector.broadcast %mul3A : f32 to vector<32x1xf32>
      %mul3A_56 = arith.mulf %mul3A_55, %add3A_54 : vector<32x1xf32>
      %sub3A_57 = arith.subf %scan3A_49, %scan3A_52 : vector<32x1xf32>
      %mul3A_58 = arith.mulf %scan3A_51, %sub3A_57 : vector<32x1xf32>
      %sub3A_59 = arith.subf %scan3A_53, %scan3A_51 : vector<32x1xf32>
      %max3A_60 = arith.constant 1.000000e-30 : f32
      %max3A_61 = vector.broadcast %max3A_60 : f32 to vector<32x1xf32>
      %max3A_62 = arith.maximumf %sub3A_59, %max3A_61 : vector<32x1xf32>
      %div3A_63 = arith.divf %mul3A_58, %max3A_62 : vector<32x1xf32>
      %add3A_64 = arith.addf %scan3A_49, %div3A_63 : vector<32x1xf32>
      %lt3A = arith.cmpf olt, %add3A_64, %scan3A_50 : vector<32x1xf32>
      %max3A_65 = arith.maximumf %add3A_64, %mul3A_56 : vector<32x1xf32>
      %select_n3A = arith.select %lt3A, %max3A_65, %mul3A_56 : vector<32x1xi1>, vector<32x1xf32>
      %get3A_66 = arith.constant 0 : index
      %get3A_67 = arith.constant 0 : index
      %get3A_68 = vector.load %arg1[%get3A_66, %get3A_67] : memref<32x32768xf32, #tpu.memory_space<vmem>>, vector<32x32768xf32>
      %sub3A_69 = vector.broadcast %select_n3A : vector<32x1xf32> to vector<32x32768xf32>
      %sub3A_70 = arith.subf %get3A_68, %sub3A_69 : vector<32x32768xf32>
      %max3A_71 = arith.constant 0.000000e+00 : f32
      %max3A_72 = vector.broadcast %max3A_71 : f32 to vector<32x32768xf32>
      %max3A_73 = arith.maximumf %sub3A_70, %max3A_72 : vector<32x32768xf32>
      %reduce_sum3A_74 = arith.constant dense<0.000000e+00> : vector<32xf32>
      %reduce_sum3A_75 = vector.multi_reduction <add>, %max3A_73, %reduce_sum3A_74 [1] : vector<32x32768xf32> to vector<32xf32>
      %broadcast_in_dim3A_76 = vector.shape_cast %reduce_sum3A_75 : vector<32xf32> to vector<32x1xf32>
      %sub3A_77 = arith.constant 1.000000e+00 : f32
      %sub3A_78 = vector.broadcast %sub3A_77 : f32 to vector<32x1xf32>
      %sub3A_79 = arith.subf %broadcast_in_dim3A_76, %sub3A_78 : vector<32x1xf32>
      %ge3A = arith.constant 0.000000e+00 : f32
      %ge3A_80 = vector.broadcast %ge3A : f32 to vector<32x1xf32>
      %ge3A_81 = arith.cmpf oge, %sub3A_79, %ge3A_80 : vector<32x1xf32>
      %select_n3A_82 = arith.select %ge3A_81, %select_n3A, %scan3A_49 : vector<32x1xi1>, vector<32x1xf32>
      %select_n3A_83 = arith.select %ge3A_81, %scan3A_50, %select_n3A : vector<32x1xi1>, vector<32x1xf32>
      %select_n3A_84 = arith.select %ge3A_81, %sub3A_79, %scan3A_51 : vector<32x1xi1>, vector<32x1xf32>
      %select_n3A_85 = arith.select %ge3A_81, %scan3A_49, %scan3A_52 : vector<32x1xi1>, vector<32x1xf32>
      %select_n3A_86 = arith.select %ge3A_81, %scan3A_51, %scan3A_53 : vector<32x1xi1>, vector<32x1xf32>
      scf.yield %select_n3A_82, %select_n3A_83, %select_n3A_84, %select_n3A_85, %select_n3A_86 : vector<32x1xf32>, vector<32x1xf32>, vector<32x1xf32>, vector<32x1xf32>, vector<32x1xf32>
    }
    %get3A_26 = arith.constant 0 : index
    %get3A_27 = arith.constant 0 : index
    %get3A_28 = vector.load %arg1[%get3A_26, %get3A_27] : memref<32x32768xf32, #tpu.memory_space<vmem>>, vector<32x32768xf32>
    %gt3A = vector.broadcast %scan3A_25#0 : vector<32x1xf32> to vector<32x32768xf32>
    %gt3A_29 = arith.cmpf ogt, %get3A_28, %gt3A : vector<32x32768xf32>
    %convert_element_type3A = arith.extui %gt3A_29 : vector<32x32768xi1> to vector<32x32768xi32>
    %convert_element_type3A_30 = arith.sitofp %convert_element_type3A : vector<32x32768xi32> to vector<32x32768xf32>
    %reduce_sum3A_31 = arith.constant dense<0.000000e+00> : vector<32xf32>
    %reduce_sum3A_32 = vector.multi_reduction <add>, %convert_element_type3A_30, %reduce_sum3A_31 [1] : vector<32x32768xf32> to vector<32xf32>
    %broadcast_in_dim3A_33 = vector.shape_cast %reduce_sum3A_32 : vector<32xf32> to vector<32x1xf32>
    %max3A_34 = arith.constant 1.000000e+00 : f32
    %max3A_35 = vector.broadcast %max3A_34 : f32 to vector<32x1xf32>
    %max3A_36 = arith.maximumf %broadcast_in_dim3A_33, %max3A_35 : vector<32x1xf32>
    %div3A = arith.divf %scan3A_25#2, %max3A_36 : vector<32x1xf32>
    %add3A_37 = arith.addf %scan3A_25#0, %div3A : vector<32x1xf32>
    %get3A_38 = arith.constant 0 : index
    %get3A_39 = arith.constant 0 : index
    %get3A_40 = vector.load %arg1[%get3A_38, %get3A_39] : memref<32x32768xf32, #tpu.memory_space<vmem>>, vector<32x32768xf32>
    %sub3A_41 = vector.broadcast %add3A_37 : vector<32x1xf32> to vector<32x32768xf32>
    %sub3A_42 = arith.subf %get3A_40, %sub3A_41 : vector<32x32768xf32>
    %max3A_43 = arith.constant 0.000000e+00 : f32
    %max3A_44 = vector.broadcast %max3A_43 : f32 to vector<32x32768xf32>
    %max3A_45 = arith.maximumf %sub3A_42, %max3A_44 : vector<32x32768xf32>
    %swap3A = arith.constant 0 : index
    %swap3A_46 = arith.constant 0 : index
    %swap3A_47 = vector.load %arg2[%swap3A, %swap3A_46] : memref<32x32768xf32, #tpu.memory_space<vmem>>, vector<32x32768xf32>
    tpu.vector_store %arg2[%swap3A, %swap3A_46], %max3A_45 {strides = array<i32>} : memref<32x32768xf32, #tpu.memory_space<vmem>>, vector<32x32768xf32>,
    return
  }
  func.func @transform_0(%arg0: i32) -> (i32, i32) {
    %c0_i32 = arith.constant 0 : i32
    %c0_i32_0 = arith.constant 0 : i32
    return %arg0, %c0_i32 : i32, i32
  }
  func.func @transform_1(%arg0: i32) -> (i32, i32) {
    %c0_i32 = arith.constant 0 : i32
    %c0_i32_0 = arith.constant 0 : i32
    return %arg0, %c0_i32 : i32, i32
  }
}

</mosaic_0001>

<sc_bundles>
// kernel: kernel.4.cloned.1.call-start
scs
__scs_entry_jumppad:
0x0: {  	(pc) =	sbr.rel $0x88, $3  }
0x1: {  	(tag) =	ssettag $0x0;
	lr =	simm.s32 $0x1  }
0x2: {  	[smem:$0x3FA0] =	sst lr;
	_ =	strace $0xD0000000  }
0x3: {  	_ = 	snop  }
0x4: {  	_ = 	snop  }
0x5: {  	_ = 	snop  }
0x6: {  	_ = 	snop  }
0x7: {  	_ = 	snop  }
__scs_overlays_trampoline_lowered:
0x8: {  	[smem:$0x3FAF] =	sst s0  }
0x9: {  	[smem:$0x3FB0] =	sst s1  }
0xa: {  	[smem:$0x3FB1] =	sst s2  }
0xb: {  	[smem:$0x3FB2] =	sst s3  }
0xc: {  	[smem:$0x3FB3] =	sst s4  }
0xd: {  	[smem:$0x3FB4] =	sst s5  }
0xe: {  	[smem:$0x3FB5] =	sst s6  }
0xf: {  	[smem:$0x3FB6] =	sst s7  }
0x10: {  	[smem:$0x3FB7] =	sst s8  }
0x11: {  	[smem:$0x3FB8] =	sst s9;
	s0 =	simm.s32 @!p0 $0x0  }
0x12: {  	s1 =	sld [smem:$0x3F9E];
	s0 =	simm.s32 @p0 $0x1  }
0x13: {  	[smem:$0x3FB9] =	sst s0;
	s0 =	simm.s32 @!p1 $0x0  }
0x14: {  	s2 =	sld [smem:$0x3F9D];
	s0 =	simm.s32 @p1 $0x1  }
0x15: {  	[smem:$0x3FBA] =	sst s0;
	s0 =	simm.s32 @!p2 $0x0  }
0x16: {  	s3 =	sld [smem:$0x3FDB];
	s0 =	simm.s32 @p2 $0x1  }
0x17: {  	s4 =	simm.s32 $0x1BF5;
	[smem:$0x3FBC] =	sst s0  }
0x18: {  	s0 =	sld [smem:$0x3F9F];
	_ =	swait.ge [sflag:s4], $0x0  }
0x19: {  	s7 =	sld [smem:$0x3FA0]  }
0x1a: {  	s8 =	sadd.s32 $0xFFFFE003, lr  }
0x1b: {  	s9 =	sadd.s32 $0xFFFFFEF7, lr;
	s5 =	simm.s32 $0xFFFFFFFF;
	p2 =	slt.u32 s8, $0xFFFFF086  }
0x1c: {  	p1 =	slt.u32 s9, $0xF7A;
	s5 =	simm.s32 @!p2 $0x0  }
0x1d: {  	s5 =	simm.s32 @p1 $0x1;
	p0 =	seq.s32 s7, s2  }
0x1e: {  	s7 =	smul.u32 @!p0 $0xF7A, s2;
	p2 =	seq.s32 @!p0 s5, $0x0  }
0x1f: {  	s9 =	smul.u32 $0xF7A, s1;
	s8 =	simm.s32 @!p0 $0x1BF5;
	p2 =	por !p2, p0  }
0x20: {  	[sflag:s8] =	ssyncset.s32 @!p0 $0xFFFFF086;
	s6 =	sadd.s32 @!p0 s3, s7;
	s7 =	simm.s32 @!p0 $0x108  }
0x21: {  	s3 =	sadd.s32 s3, s9;
	s6 =	sadd.s32 @!p0 $0x88, s6;
	s7 =	simm.s32 @p2 $0x1082  }
0x22: {  	[simem:s7], [sflag:s8] =	dma.local @!p0 [hbm:s6], $0xF7A  }
0x23: {  	s9 =	sor.u32 $0xD0000000, s2;
	s6 =	simm.s32 $0x108;
	_ =	swait.ge @!p0 [sflag:s8], $0x0  }
0x24: {  	s3 =	sadd.s32 $0x88, s3;
	s6 =	simm.s32 @!p1 $0x1082;
	[sflag:s4] =	ssyncset.s32 $0xFFFFF086  }
0x25: {  	[simem:s6], [sflag:s4] =	dma.local [hbm:s3], $0xF7A  }
0x26: {  	[smem:$0x3FA0] =	sst s1;
	(tag) =	ssettag s2;
	_ =	strace s9  }
0x27: {  	s1 =	sld [smem:$0x3FB0]  }
0x28: {  	s2 =	sld [smem:$0x3FB1]  }
0x29: {  	s4 =	sld [smem:$0x3FB3]  }
0x2a: {  	p0 =	seq.s32 s5, $0x0;
	s5 =	sld [smem:$0x3FB4]  }
0x2b: {  	s6 =	sld [smem:$0x3FB5]  }
0x2c: {  	s7 =	sld [smem:$0x3FB6]  }
0x2d: {  	s3 =	simm.s32 $0x108;
	s8 =	sld [smem:$0x3FB7]  }
0x2e: {  	s3 =	simm.s32 @!p0 $0x1082;
	s9 =	sld [smem:$0x3FB8]  }
0x2f: {  	lr =	sadd.s32 s0, s3;
	s0 =	sld [smem:$0x3FAF]  }
0x30: {  	s3 =	sld [smem:$0x3FB2]  }
0x31: {  	[smem:$0x3FBB] =	sst s10  }
0x32: {  	s10 =	sld [smem:$0x3FB9];
	_ =	sdelay $0x3  }
0x33: {  	p0 =	seq.s32 s10, $0x1;
	s10 =	sld [smem:$0x3FBB];
	_ =	sdelay $0x3  }
0x34: {  	[smem:$0x3FBB] =	sst s10  }
0x35: {  	s10 =	sld [smem:$0x3FBA];
	_ =	sdelay $0x3  }
0x36: {  	p1 =	seq.s32 s10, $0x1;
	s10 =	sld [smem:$0x3FBB];
	_ =	sdelay $0x3  }
0x37: {  	[smem:$0x3FBB] =	sst s10  }
0x38: {  	s10 =	sld [smem:$0x3FBC]  }
0x39: {  	_ = 	snop;
	(pc) =	sbr.ind lr, $3  }
0x3a: {  	_ = 	snop  }
0x3b: {  	_ = 	snop  }
0x3c: {  	p2 =	seq.s32 s10, $0x1;
	s10 =	sld [smem:$0x3FBB]  }
0x3d: {  	_ =	shalt  }
0x3e: {  	_ =	shalt  }
0x3f: {  	_ =	shalt  }
0x40: {  	_ =	shalt  }
0x41: {  	_ =	shalt  }
0x42: {  	_ =	shalt  }
0x43: {  	_ =	shalt  }
0x44: {  	_ =	shalt  }
0x45: {  	_ =	shalt  }
0x46: {  	_ =	shalt  }
0x47: {  	_ =	shalt  }
0x48: {  	_ =	shalt  }
0x49: {  	_ =	shalt  }
0x4a: {  	_ =	shalt  }
0x4b: {  	_ =	shalt  }
0x4c: {  	_ =	shalt  }
0x4d: {  	_ =	shalt  }
0x4e: {  	_ =	shalt  }
0x4f: {  	_ =	shalt  }
0x50: {  	_ =	shalt  }
0x51: {  	_ =	shalt  }
0x52: {  	_ =	shalt  }
0x53: {  	_ =	shalt  }
0x54: {  	_ =	shalt  }
0x55: {  	_ =	shalt  }
0x56: {  	_ =	shalt  }
0x57: {  	_ =	shalt  }
0x58: {  	_ =	shalt  }
0x59: {  	_ =	shalt  }
0x5a: {  	_ =	shalt  }
0x5b: {  	_ =	shalt  }
0x5c: {  	_ =	shalt  }
0x5d: {  	_ =	shalt  }
0x5e: {  	_ =	shalt  }
0x5f: {  	_ =	shalt  }
0x60: {  	_ =	shalt  }
0x61: {  	_ =	shalt  }
0x62: {  	_ =	shalt  }
0x63: {  	_ =	shalt  }
0x64: {  	_ =	shalt  }
0x65: {  	_ =	shalt  }
0x66: {  	_ =	shalt  }
0x67: {  	_ =	shalt  }
0x68: {  	_ =	shalt  }
0x69: {  	_ =	shalt  }
0x6a: {  	_ =	shalt  }
0x6b: {  	_ =	shalt  }
0x6c: {  	_ =	shalt  }
0x6d: {  	_ =	shalt  }
0x6e: {  	_ =	shalt  }
0x6f: {  	_ =	shalt  }
0x70: {  	_ =	shalt  }
0x71: {  	_ =	shalt  }
0x72: {  	_ =	shalt  }
0x73: {  	_ =	shalt  }
0x74: {  	_ =	shalt  }
0x75: {  	_ =	shalt  }
0x76: {  	_ =	shalt  }
0x77: {  	_ =	shalt  }
0x78: {  	_ =	shalt  }
0x79: {  	_ =	shalt  }
0x7a: {  	_ =	shalt  }
0x7b: {  	_ =	shalt  }
0x7c: {  	_ =	shalt  }
0x7d: {  	_ =	shalt  }
0x7e: {  	_ =	shalt  }
0x7f: {  	_ =	shalt  }
0x80: {  	_ =	shalt  }
0x81: {  	_ =	shalt  }
0x82: {  	_ =	shalt  }
0x83: {  	_ =	shalt  }
0x84: {  	_ =	shalt  }
0x85: {  	_ =	shalt  }
0x86: {  	_ =	shalt  }
0x87: {  	_ =	shalt  }
.Lfunc_end0:
.L_simem_size_0:
called_computation_lowered:
.L_overlay_start_0:
0x88: {  	s2 =	sld [smem:$0x3FD9]  }
0x89: {  	s3 =	sld [smem:$0x3FFE];
	_ =	sdelay $0x1  }
0x8a: {  	s1 =	srdreg.scid  }
0x8b: {  	s0 =	sand.u32 $0x1, s1  }
0x8c: {  	s16 =	sshll.u32 s0, $0xA;
	s2 =	sadd.s32 s3, s2  }
0x8d: {  	s2 =	sadd.s32 s2, s16  }
0x8e: {  	[smem:$0x3FC7] =	sst s2  }
0x8f: {  	_ = 	snop  }
0x90: {  	(tm) =	ssettm $0x1  }
0x91: {  	s17 =	sld [smem:$0x3FFB];
	_ =	sdelay $0x3  }
0x92: {  	_ =	strace s17  }
0x93: {  	s2 =	sld [smem:$0x3FFC];
	_ =	sdelay $0x3  }
0x94: {  	_ =	strace s2  }
0x95: {  	s2 =	sld [smem:$0x3FFD];
	_ =	sdelay $0x3  }
0x96: {  	_ =	strace s2  }
0x97: {  	_ =	strace $0x8FFFFFFF  }
0x98: {  	s18 =	sld [smem:$0x3FDB];
	_ =	sdelay $0x1  }
0x99: {  	s19 =	simm.s32 $_scs_section_size  }
0x9a: {  	s4 =	simm.s32 $_size__tile_overlayer_lowered;
	s5 =	simm.s32 $_tile_overlayer_lowered  }
0x9b: {  	s22 =	simm.s32 $0x1BFF;
	s21 =	sshll.u32 s5, $0x1;
	s2 =	sadd.s32 s19, s18  }
0x9c: {  	s6 =	simm.s32 $0x0;
	s20 =	sshll.u32 s4, $0x1;
	s4 =	sadd.s32 s21, s2  }
0x9d: {  	[timem:s6], [sflag:s22] =	dma.local [hbm:s4], s20  }
0x9e: {  	_ =	swait.ge [sflag:s22], s20  }
0x9f: {  	s3 =	ssub.s32 $0x0, s20;
	[sflag:s22] =	ssyncset.done $0x0  }
0xa0: {  	[sflag:s22] =	ssyncadd.s32 s3;
	_ =	sdelay $0x1  }
0xa1: {  	s23 =	simm.s32 $0x1B8B  }
0xa2: {  	_ =	swait.ge [sflag:s23], $0x1  }
0xa3: {  	[sflag:s23] =	ssyncset.done $0x0  }
0xa4: {  	s25 =	simm.s32 $0x1B8E;
	s24 =	sld [smem:$0x3FFE];
	[sflag:s23] =	ssyncadd.s32 $0xFFFFFFFF  }
0xa5: {  	s26 =	simm.s32 $execute0_lowered;
	[smem:$0x3FD2] =	sst s25  }
0xa6: {  	s4 =	sshll.u32 s26, $0x1;
	_ =	strace $0x80000046;
	[dreg:$0x1] =	wrdreg $0xFFFFFFFF  }
0xa7: {  	s28 =	simm.s32 $_size_execute0_lowered;
	s2 =	sadd.s32 s2, s4;
	[dreg:$0x0] =	wrdreg $0x0  }
0xa8: {  	s4 =	sshll.u32 s28, $0x1;
	[dreg:$0x2] =	wrdreg s2  }
0xa9: {  	[dreg:$0x3] =	wrdreg s4  }
0xaa: {  	[dreg:$0x4] =	wrdreg $0xC0  }
0xab: {  	_ =	task [dreg:s6], $0x5FFFF  }
0xac: {  	[dreg:$0x1] =	wrdreg $0xFFFFFFFF  }
0xad: {  	[dreg:$0x0] =	wrdreg $0x60  }
0xae: {  	[dreg:$0x2] =	wrdreg s24  }
0xaf: {  	[dreg:$0x3] =	wrdreg $0x9  }
0xb0: {  	_ =	task.clear_ibuf [dreg:s6], $0x4FFFF;
	_ =	strace $0x90000046  }
0xb1: {  	s29 =	simm.s32 $0x9;
	_ =	strace $0x80000048  }
0xb2: {  	_ =	swait.ge [sflag:s29], $0x1  }
0xb3: {  	[sflag:s29] =	ssyncadd.s32 $0xFFFFFFFF  }
0xb4: {  	_ =	strace $0x90000048  }
0xb5: {  	_ =	sfence  }
0xb6: {  	s30 =	sld [smem:$0x0];
	_ =	sdelay $0x2  }
0xb7: {  	s31 =	sshll.u32 s1, $0xD;
	s1 =	sshrl.u32 s1, $0x2  }
0xb8: {  	s3 =	sand.u32 $0x4000, s31;
	s1 =	sadd.s32 s1, s30  }
0xb9: {  	s0 =	sor.u32 s3, s0;
	s1 =	sshll.u32 s1, $0x11  }
0xba: {  	s0 =	sor.u32 s1, s0  }
0xbb: {  	s0 =	sadd.s32 $0x8F2B, s0  }
0xbc: {  	[sflag:s0] =	ssyncadd.remote.s32 $0x1  }
0xbd: {  	_ =	sfence.sel $0xFFFF  }
0xbe: {  	[dreg:$0x0] =	wrdreg $0xFFFFFFFF;
	(pc) =	sbr.abs _section_cstart, $3  }
0xbf: {  	[dreg:$0x1] =	wrdreg $0xFFFFFFFF  }
0xc0: {  	_ =	task.clear_ibuf [dreg:s6], $0x2FFFF;
	_ =	strace $0x9FFFFFFF  }
0xc1: {  	(tm) =	ssettm $0x7FFFFFFF  }
tec
execute0_lowered:
.L_overlay_start_1:
0x0: {  	(tag) =	ssettag $0x1  }
0x1: {  	s3 =	rddreg [dreg:$0x0]  }
0x2: {  	s2 =	srdreg.scid;
	s1 =	stileid.u32  }
0x3: {  	s0 =	rddreg [dreg:$0x1];
	s8 =	simm.s32 $0x1;
	s9 =	simm.s32 $0x8000  }
0x4: {  	s10 =	simm.s32 $0x0;
	s4 =	sand.u32 $0x1, s2;
	s29 =	sshll.u32 s1, $0x5  }
0x5: {  	s5 =	sshll.u32 s1, $0xD;
	s2 =	simm.s32 $0x0;
	s6 =	sshll.u32 s4, $0x4  }
0x6: {  	s7 =	sand.u32 $0x60, s29;
	s5 =	sand.u32 $0x18000, s5;
	[smem:$0x7FF] =	sst s2  }
0x7: {  	s4 =	ssub.s32 $0x2, s4;
	s6 =	sor.u32 s6, s7;
	_ =	strace $0x80000047  }
0x8: {  	s30 =	sshrl.u32 s4, $0x1;
	s7 =	simm.s32 $0x400;
	s5 =	sor.u32 s5, s6  }
0x9: {  	s31 =	ssub.s32 s4, s30;
	s6 =	simm.s32 $0x80;
	s5 =	sadd.s32 s5, s3  }
0xa: {  	v0 =	vimm.f32 $0.0e+00;
	s3 =	sadd.s32 $0x1400, s5;
	s4 =	sadd.s32 $0x21400, s5;
	s5 =	smax.u32 s31, $0x1  }
.LBB2_1:
0xb: {  	[tilespmem:s2], [sflag:$0x1] =	stream.strided.gather [hbm4b:s3+s6], $0x8000, s7, s6, $0x38;
	[tilespmem:$0x10000] =	vst v63  }
0xc: {  	_ =	swait.ge [sflag:s8], $0x8000  }
0xd: {  	[sflag:s8] =	ssyncset.done $0x0  }
0xe: {  	s13 =	simm.s32 $0x0;
	[sflag:s8] =	ssyncadd.s32 $0xFFFF8000  }
0xf: {  	v1 =	vld [tilespmem:s13+$0x1F0]  }
0x10: {  	v3 =	vld [tilespmem:s13+$0x0]  }
0x11: {  	v4 =	vld [tilespmem:s13+$0x10]  }
0x12: {  	v5 =	vld [tilespmem:s13+$0x20]  }
0x13: {  	v6 =	vld [tilespmem:s13+$0x30]  }
0x14: {  	v7 =	vld [tilespmem:s13+$0x40]  }
0x15: {  	v8 =	vld [tilespmem:s13+$0x50]  }
0x16: {  	v9 =	vld [tilespmem:s13+$0x60]  }
0x17: {  	v10 =	vld [tilespmem:s13+$0x70]  }
0x18: {  	v11 =	vld [tilespmem:s13+$0x80]  }
0x19: {  	v12 =	vld [tilespmem:s13+$0x90]  }
0x1a: {  	v13 =	vld [tilespmem:s13+$0xA0]  }
0x1b: {  	v14 =	vld [tilespmem:s13+$0xB0]  }
0x1c: {  	v15 =	vld [tilespmem:s13+$0xC0]  }
0x1d: {  	v16 =	vld [tilespmem:s13+$0xD0]  }
0x1e: {  	v17 =	vld [tilespmem:s13+$0xE0]  }
0x1f: {  	v33 =	vld [tilespmem:s13+$0xF0]  }
0x20: {  	v34 =	vld [tilespmem:s13+$0x100]  }
0x21: {  	v35 =	vld [tilespmem:s13+$0x110]  }
0x22: {  	v36 =	vld [tilespmem:s13+$0x120]  }
0x23: {  	v37 =	vld [tilespmem:s13+$0x130]  }
0x24: {  	v2 =	vimm.f32 $-Inf;
	v38 =	vld [tilespmem:s13+$0x140]  }
0x25: {  	v39 =	vld [tilespmem:s13+$0x150];
	v1 =	vmax.f32 v2, v1  }
0x26: {  	v31 =	vmax.f32 v2, v3;
	v32 =	vmax.f32 v2, v4;
	v30 =	vmax.f32 v2, v5;
	v3 =	vld [tilespmem:s13+$0x160]  }
0x27: {  	v29 =	vmax.f32 v2, v6;
	v28 =	vmax.f32 v2, v7;
	v27 =	vmax.f32 v2, v8;
	v4 =	vld [tilespmem:s13+$0x170]  }
0x28: {  	v26 =	vmax.f32 v2, v9;
	v25 =	vmax.f32 v2, v10;
	v24 =	vmax.f32 v2, v11;
	v5 =	vld [tilespmem:s13+$0x180]  }
0x29: {  	v23 =	vmax.f32 v2, v12;
	v22 =	vmax.f32 v2, v13;
	v21 =	vmax.f32 v2, v14;
	v6 =	vld [tilespmem:s13+$0x190]  }
0x2a: {  	v20 =	vmax.f32 v2, v15;
	v19 =	vmax.f32 v2, v16;
	v18 =	vmax.f32 v2, v17  }
0x2b: {  	v17 =	vmax.f32 v2, v33;
	v16 =	vmax.f32 v2, v34;
	v15 =	vmax.f32 v2, v35;
	v35 =	vld [tilespmem:s13+$0x1A0]  }
0x2c: {  	v14 =	vmax.f32 v2, v36;
	v13 =	vmax.f32 v2, v37;
	v12 =	vmax.f32 v2, v38;
	v33 =	vld [tilespmem:s13+$0x1B0]  }
0x2d: {  	v11 =	vmax.f32 v2, v39;
	v36 =	vld [tilespmem:s13+$0x1C0];
	v10 =	vmax.f32 v2, v3;
	v9 =	vmax.f32 v2, v4  }
0x2e: {  	v34 =	vld [tilespmem:s13+$0x1D0];
	v8 =	vmax.f32 v2, v5;
	v7 =	vmax.f32 v2, v6;
	v5 =	vimm.f32 $-Inf  }
0x2f: {  	s11 =	simm.s32 $0x200;
	s12 =	simm.s32 $0x1000;
	v37 =	vld [tilespmem:s13+$0x1E0];
	v6 =	vimm.f32 $-Inf;
	v4 =	vimm.f32 $-Inf;
	v3 =	vimm.f32 $-Inf  }
.LBB2_2:
0x30: {  	p0 =	sne.s32 s12, $0x1F800;
	v38 =	vld [tilespmem:s11+$0x1F0];
	v2 =	vmax.f32 v2, v35  }
0x31: {  	v35 =	vld [tilespmem:s11+$0x0];
	v5 =	vmax.f32 v5, v33  }
0x32: {  	v33 =	vld [tilespmem:s11+$0x10];
	v6 =	vmax.f32 v6, v36  }
0x33: {  	v36 =	vld [tilespmem:s11+$0x20];
	v4 =	vmax.f32 v4, v34  }
0x34: {  	v34 =	vld [tilespmem:s11+$0x30];
	v3 =	vmax.f32 v3, v37  }
0x35: {  	v37 =	vld [tilespmem:s11+$0x40];
	v1 =	vmax.f32 v1, v38  }
0x36: {  	v31 =	vmax.f32 v31, v35;
	v35 =	vld [tilespmem:s11+$0x50]  }
0x37: {  	v32 =	vmax.f32 v32, v33;
	v33 =	vld [tilespmem:s11+$0x60]  }
0x38: {  	v30 =	vmax.f32 v30, v36;
	v36 =	vld [tilespmem:s11+$0x70]  }
0x39: {  	v29 =	vmax.f32 v29, v34;
	v34 =	vld [tilespmem:s11+$0x80]  }
0x3a: {  	v28 =	vmax.f32 v28, v37;
	v37 =	vld [tilespmem:s11+$0x90]  }
0x3b: {  	v27 =	vmax.f32 v27, v35;
	v35 =	vld [tilespmem:s11+$0xA0]  }
0x3c: {  	v26 =	vmax.f32 v26, v33;
	v33 =	vld [tilespmem:s11+$0xB0]  }
0x3d: {  	v25 =	vmax.f32 v25, v36;
	v36 =	vld [tilespmem:s11+$0xC0]  }
0x3e: {  	v24 =	vmax.f32 v24, v34;
	v34 =	vld [tilespmem:s11+$0xD0]  }
0x3f: {  	v23 =	vmax.f32 v23, v37;
	v37 =	vld [tilespmem:s11+$0xE0]  }
0x40: {  	v22 =	vmax.f32 v22, v35;
	v35 =	vld [tilespmem:s11+$0xF0]  }
0x41: {  	v21 =	vmax.f32 v21, v33;
	v33 =	vld [tilespmem:s11+$0x100]  }
0x42: {  	v20 =	vmax.f32 v20, v36;
	v36 =	vld [tilespmem:s11+$0x110]  }
0x43: {  	v19 =	vmax.f32 v19, v34;
	v34 =	vld [tilespmem:s11+$0x120]  }
0x44: {  	v18 =	vmax.f32 v18, v37;
	v37 =	vld [tilespmem:s11+$0x130]  }
0x45: {  	v17 =	vmax.f32 v17, v35;
	v35 =	vld [tilespmem:s11+$0x140]  }
0x46: {  	v16 =	vmax.f32 v16, v33;
	v33 =	vld [tilespmem:s11+$0x150]  }
0x47: {  	v15 =	vmax.f32 v15, v36;
	v36 =	vld [tilespmem:s11+$0x160]  }
0x48: {  	v14 =	vmax.f32 v14, v34;
	v34 =	vld [tilespmem:s11+$0x170]  }
0x49: {  	v13 =	vmax.f32 v13, v37;
	v37 =	vld [tilespmem:s11+$0x180]  }
0x4a: {  	v12 =	vmax.f32 v12, v35;
	v38 =	vld [tilespmem:s11+$0x190]  }
.Ltmp0:
0x4b: {  	v11 =	vmax.f32 v11, v33;
	v35 =	vld [tilespmem:s11+$0x1A0];
	(pc) =	sbr.rel @p0 .LBB2_2-.Ltmp0, $4  }
0x4c: {  	v10 =	vmax.f32 v10, v36;
	v33 =	vld [tilespmem:s11+$0x1B0]  }
0x4d: {  	v9 =	vmax.f32 v9, v34;
	v36 =	vld [tilespmem:s11+$0x1C0]  }
0x4e: {  	v8 =	vmax.f32 v8, v37;
	v34 =	vld [tilespmem:s11+$0x1D0]  }
0x4f: {  	v7 =	vmax.f32 v7, v38;
	v37 =	vld [tilespmem:s11+$0x1E0];
	s11 =	sshra.s32 s12, $0x2;
	s12 =	sadd.s32 $0x800, s12  }
0x50: {  	v38 =	vld [tilespmem:s11+$0x0]  }
0x51: {  	v39 =	vld [tilespmem:s11+$0x10]  }
0x52: {  	v40 =	vld [tilespmem:s11+$0x20]  }
0x53: {  	v41 =	vld [tilespmem:s11+$0x30]  }
0x54: {  	v42 =	vld [tilespmem:s11+$0x40]  }
0x55: {  	v43 =	vld [tilespmem:s11+$0x50]  }
0x56: {  	v61 =	vld [tilespmem:s11+$0x60];
	v31 =	vmax.f32 v31, v38;
	v32 =	vmax.f32 v32, v39  }
0x57: {  	v62 =	vld [tilespmem:s11+$0x70];
	v30 =	vmax.f32 v30, v40;
	v31 =	vmax.f32 v31, v32  }
0x58: {  	v63 =	vld [tilespmem:s11+$0x80];
	v29 =	vmax.f32 v29, v41;
	v30 =	vmax.f32 v31, v30  }
0x59: {  	v28 =	vmax.f32 v28, v42;
	v31 =	vld [tilespmem:s11+$0x90];
	v29 =	vmax.f32 v30, v29  }
0x5a: {  	v27 =	vmax.f32 v27, v43;
	v30 =	vld [tilespmem:s11+$0xA0];
	v28 =	vmax.f32 v29, v28  }
0x5b: {  	v26 =	vmax.f32 v26, v61;
	v29 =	vld [tilespmem:s11+$0xB0];
	v27 =	vmax.f32 v28, v27  }
0x5c: {  	v25 =	vmax.f32 v25, v62;
	v28 =	vld [tilespmem:s11+$0xC0];
	v26 =	vmax.f32 v27, v26  }
0x5d: {  	v24 =	vmax.f32 v24, v63;
	v27 =	vld [tilespmem:s11+$0xD0];
	v25 =	vmax.f32 v26, v25  }
0x5e: {  	v23 =	vmax.f32 v23, v31;
	v26 =	vld [tilespmem:s11+$0xE0];
	v24 =	vmax.f32 v25, v24  }
0x5f: {  	v22 =	vmax.f32 v22, v30;
	v25 =	vld [tilespmem:s11+$0xF0];
	v23 =	vmax.f32 v24, v23  }
0x60: {  	v21 =	vmax.f32 v21, v29;
	v24 =	vld [tilespmem:s11+$0x100];
	v22 =	vmax.f32 v23, v22  }
0x61: {  	v20 =	vmax.f32 v20, v28;
	v23 =	vld [tilespmem:s11+$0x110];
	v21 =	vmax.f32 v22, v21  }
0x62: {  	v19 =	vmax.f32 v19, v27;
	v22 =	vld [tilespmem:s11+$0x120];
	v20 =	vmax.f32 v21, v20  }
0x63: {  	v18 =	vmax.f32 v18, v26;
	v21 =	vld [tilespmem:s11+$0x130];
	v19 =	vmax.f32 v20, v19  }
0x64: {  	v17 =	vmax.f32 v17, v25;
	v20 =	vld [tilespmem:s11+$0x140];
	v18 =	vmax.f32 v19, v18  }
0x65: {  	v16 =	vmax.f32 v16, v24;
	v19 =	vld [tilespmem:s11+$0x150];
	v17 =	vmax.f32 v18, v17  }
0x66: {  	v15 =	vmax.f32 v15, v23;
	v18 =	vld [tilespmem:s11+$0x160];
	v16 =	vmax.f32 v17, v16  }
0x67: {  	v14 =	vmax.f32 v14, v22;
	v17 =	vld [tilespmem:s11+$0x170];
	v15 =	vmax.f32 v16, v15  }
0x68: {  	v13 =	vmax.f32 v13, v21;
	v16 =	vld [tilespmem:s11+$0x180];
	v14 =	vmax.f32 v15, v14  }
0x69: {  	v12 =	vmax.f32 v12, v20;
	v15 =	vld [tilespmem:s11+$0x190];
	v13 =	vmax.f32 v14, v13  }
0x6a: {  	v11 =	vmax.f32 v11, v19;
	v14 =	vld [tilespmem:s11+$0x1A0];
	v12 =	vmax.f32 v13, v12  }
0x6b: {  	v10 =	vmax.f32 v10, v18;
	v13 =	vld [tilespmem:s11+$0x1B0];
	v11 =	vmax.f32 v12, v11  }
0x6c: {  	v9 =	vmax.f32 v9, v17;
	v12 =	vld [tilespmem:s11+$0x1C0];
	v10 =	vmax.f32 v11, v10  }
0x6d: {  	v8 =	vmax.f32 v8, v16;
	v11 =	vld [tilespmem:s11+$0x1D0];
	v9 =	vmax.f32 v10, v9  }
0x6e: {  	v2 =	vmax.f32 v2, v35;
	v7 =	vmax.f32 v7, v15;
	v10 =	vld [tilespmem:s11+$0x1E0];
	v8 =	vmax.f32 v9, v8  }
0x6f: {  	v5 =	vmax.f32 v5, v33;
	v9 =	vld [tilespmem:s11+$0x1F0];
	v2 =	vmax.f32 v2, v14;
	v7 =	vmax.f32 v8, v7  }
0x70: {  	v6 =	vmax.f32 v6, v36;
	v5 =	vmax.f32 v5, v13;
	v2 =	vmax.f32 v7, v2  }
0x71: {  	v4 =	vmax.f32 v4, v34;
	v6 =	vmax.f32 v6, v12;
	v2 =	vmax.f32 v2, v5  }
0x72: {  	v3 =	vmax.f32 v3, v37;
	v4 =	vmax.f32 v4, v11;
	v2 =	vmax.f32 v2, v6  }
0x73: {  	v3 =	vmax.f32 v3, v10;
	v2 =	vmax.f32 v2, v4  }
0x74: {  	v1 =	vmax.f32 v1, v9;
	v2 =	vmax.f32 v2, v3  }
0x75: {  	v1 =	vmax.f32 v2, v1  }
0x76: {  	(v2sf) =	vpush v1, $0x0  }
0x77: {  	(v2sf) =	vpush v1, $0x1  }
0x78: {  	(v2sf) =	vpush v1, $0x2  }
0x79: {  	(v2sf) =	vpush v1, $0x3  }
0x7a: {  	(v2sf) =	vpush v1, $0x4  }
0x7b: {  	(v2sf) =	vpush v1, $0x5  }
0x7c: {  	(v2sf) =	vpush v1, $0x6  }
0x7d: {  	(v2sf) =	vpush v1, $0x7  }
0x7e: {  	(v2sf) =	vpush v1, $0x8  }
0x7f: {  	(v2sf) =	vpush v1, $0x9  }
0x80: {  	(v2sf) =	vpush v1, $0xA  }
0x81: {  	(v2sf) =	vpush v1, $0xB  }
0x82: {  	(v2sf) =	vpush v1, $0xC  }
0x83: {  	(v2sf) =	vpush v1, $0xD  }
0x84: {  	(v2sf) =	vpush v1, $0xE  }
0x85: {  	s17 =	spop (v2sf);
	(v2sf) =	vpush v1, $0xF  }
0x86: {  	s12 =	spop (v2sf)  }
0x87: {  	s13 =	spop (v2sf);
	s11 =	smax.f32 s17, s12  }
0x88: {  	s18 =	spop (v2sf);
	s11 =	smax.f32 s11, s13  }
0x89: {  	s19 =	spop (v2sf);
	s11 =	smax.f32 s11, s18  }
0x8a: {  	s20 =	spop (v2sf);
	s11 =	smax.f32 s11, s19  }
0x8b: {  	s21 =	spop (v2sf);
	s11 =	smax.f32 s11, s20  }
0x8c: {  	s22 =	spop (v2sf);
	s11 =	smax.f32 s11, s21  }
0x8d: {  	s23 =	spop (v2sf);
	s11 =	smax.f32 s11, s22  }
0x8e: {  	s24 =	spop (v2sf);
	s11 =	smax.f32 s11, s23  }
0x8f: {  	s25 =	spop (v2sf);
	s11 =	smax.f32 s11, s24  }
0x90: {  	s30 =	simm.s32 $0x0;
	s26 =	spop (v2sf);
	s11 =	smax.f32 s11, s25  }
0x91: {  	v16 =	vld [tilespmem:s30+$0x190];
	s28 =	spop (v2sf);
	s11 =	smax.f32 s11, s26  }
0x92: {  	v5 =	vld [tilespmem:s30+$0x10];
	s29 =	spop (v2sf);
	s11 =	smax.f32 s11, s28  }
0x93: {  	v4 =	vld [tilespmem:s30+$0x0];
	s14 =	spop (v2sf);
	s11 =	smax.f32 s11, s29  }
0x94: {  	v3 =	vld [tilespmem:s30+$0x1F0];
	s11 =	smax.f32 s11, s14;
	s31 =	spop (v2sf)  }
0x95: {  	v6 =	vld [tilespmem:s30+$0x20];
	s11 =	smax.f32 s11, s31  }
0x96: {  	v7 =	vld [tilespmem:s30+$0x30];
	v1 =	vmov s11  }
0x97: {  	v2 =	vadd.f32 $-1.000000000e+00, v1  }
0x98: {  	v8 =	vld [tilespmem:s30+$0x40]  }
0x99: {  	v28 =	vimm.f32 $0.0e+00;
	v10 =	vld [tilespmem:s30+$0x50];
	v3 =	vsub.f32 v3, v2;
	v9 =	vsub.f32 v4, v2  }
0x9a: {  	v11 =	vld [tilespmem:s30+$0x60];
	v4 =	vimm.f32 $0.0e+00;
	v5 =	vsub.f32 v5, v2;
	v6 =	vsub.f32 v6, v2  }
0x9b: {  	v12 =	vld [tilespmem:s30+$0x70];
	v7 =	vsub.f32 v7, v2;
	v40 =	vsub.f32 v16, v2;
	v9 =	vmax.f32 v9, $0.0e+00  }
0x9c: {  	v3 =	vmax.f32 v3, $0.0e+00;
	v5 =	vmax.f32 v5, $0.0e+00;
	v29 =	vadd.f32 v9, v4;
	v9 =	vld [tilespmem:s30+$0x80]  }
0x9d: {  	v33 =	vadd.f32 v5, v4;
	v5 =	vmax.f32 v6, $0.0e+00;
	v6 =	vsub.f32 v8, v2;
	v8 =	vld [tilespmem:s30+$0x90]  }
0x9e: {  	v34 =	vadd.f32 v5, v4;
	v5 =	vmax.f32 v7, $0.0e+00;
	v7 =	vsub.f32 v10, v2;
	v10 =	vld [tilespmem:s30+$0xA0]  }
0x9f: {  	v32 =	vadd.f32 v5, v4;
	v5 =	vmax.f32 v6, $0.0e+00;
	v6 =	vsub.f32 v11, v2;
	v11 =	vld [tilespmem:s30+$0xB0]  }
0xa0: {  	v31 =	vadd.f32 v5, v4;
	v5 =	vmax.f32 v7, $0.0e+00;
	v7 =	vsub.f32 v12, v2;
	v12 =	vld [tilespmem:s30+$0xC0]  }
0xa1: {  	v30 =	vadd.f32 v5, v4;
	v5 =	vmax.f32 v6, $0.0e+00;
	v6 =	vsub.f32 v9, v2;
	v9 =	vld [tilespmem:s30+$0xD0]  }
0xa2: {  	v27 =	vadd.f32 v5, v4;
	v5 =	vmax.f32 v7, $0.0e+00;
	v7 =	vsub.f32 v8, v2;
	v8 =	vld [tilespmem:s30+$0xE0]  }
0xa3: {  	v26 =	vadd.f32 v5, v4;
	v5 =	vmax.f32 v6, $0.0e+00;
	v6 =	vsub.f32 v10, v2;
	v10 =	vld [tilespmem:s30+$0xF0]  }
0xa4: {  	v25 =	vadd.f32 v5, v4;
	v5 =	vmax.f32 v7, $0.0e+00;
	v7 =	vsub.f32 v11, v2;
	v11 =	vld [tilespmem:s30+$0x100]  }
0xa5: {  	v24 =	vadd.f32 v5, v4;
	v5 =	vmax.f32 v6, $0.0e+00;
	v6 =	vsub.f32 v12, v2;
	v12 =	vld [tilespmem:s30+$0x110]  }
0xa6: {  	v23 =	vadd.f32 v5, v4;
	v5 =	vmax.f32 v7, $0.0e+00;
	v7 =	vsub.f32 v9, v2;
	v9 =	vld [tilespmem:s30+$0x120]  }
0xa7: {  	v22 =	vadd.f32 v5, v4;
	v5 =	vmax.f32 v6, $0.0e+00;
	v6 =	vsub.f32 v8, v2;
	v8 =	vld [tilespmem:s30+$0x130]  }
0xa8: {  	v21 =	vadd.f32 v5, v4;
	v5 =	vmax.f32 v7, $0.0e+00;
	v7 =	vsub.f32 v10, v2;
	v10 =	vld [tilespmem:s30+$0x140]  }
0xa9: {  	v20 =	vadd.f32 v5, v4;
	v5 =	vmax.f32 v6, $0.0e+00;
	v6 =	vsub.f32 v11, v2  }
0xaa: {  	v11 =	vld [tilespmem:s30+$0x150];
	v19 =	vadd.f32 v5, v4;
	v5 =	vmax.f32 v7, $0.0e+00;
	v7 =	vsub.f32 v12, v2  }
0xab: {  	v12 =	vld [tilespmem:s30+$0x160];
	v18 =	vadd.f32 v5, v4;
	v5 =	vmax.f32 v6, $0.0e+00;
	v6 =	vsub.f32 v9, v2  }
0xac: {  	v9 =	vld [tilespmem:s30+$0x170];
	v17 =	vadd.f32 v5, v4;
	v5 =	vmax.f32 v7, $0.0e+00;
	v7 =	vsub.f32 v8, v2  }
0xad: {  	v8 =	vld [tilespmem:s30+$0x180];
	v15 =	vadd.f32 v5, v4;
	v5 =	vmax.f32 v6, $0.0e+00;
	v6 =	vsub.f32 v10, v2  }
0xae: {  	v16 =	vimm.f32 $0.0e+00;
	v3 =	vadd.f32 v3, v4;
	v14 =	vadd.f32 v5, v4  }
0xaf: {  	v5 =	vsub.f32 v11, v2;
	v7 =	vmax.f32 v7, $0.0e+00;
	v6 =	vmax.f32 v6, $0.0e+00  }
0xb0: {  	v39 =	vld [tilespmem:s30+$0x1A0];
	v11 =	vsub.f32 v12, v2;
	v13 =	vadd.f32 v7, v4;
	v7 =	vimm.f32 $0.0e+00  }
0xb1: {  	v38 =	vld [tilespmem:s30+$0x1B0];
	v12 =	vadd.f32 v6, v4;
	v5 =	vmax.f32 v5, $0.0e+00;
	v6 =	vsub.f32 v9, v2  }
0xb2: {  	v37 =	vld [tilespmem:s30+$0x1C0];
	v10 =	vadd.f32 v5, v4;
	v5 =	vmax.f32 v11, $0.0e+00;
	v41 =	vsub.f32 v8, v2  }
0xb3: {  	v36 =	vld [tilespmem:s30+$0x1D0];
	v11 =	vimm.f32 $0.0e+00;
	v8 =	vimm.f32 $0.0e+00;
	v9 =	vadd.f32 v5, v4  }
0xb4: {  	v35 =	vld [tilespmem:s30+$0x1E0];
	s12 =	simm.s32 $0x1000;
	s11 =	simm.s32 $0x200;
	v42 =	vmax.f32 v6, $0.0e+00;
	v6 =	vimm.f32 $0.0e+00;
	v5 =	vimm.f32 $0.0e+00  }
.LBB2_4:
0xb5: {  	p0 =	sne.s32 s12, $0x1F800;
	v43 =	vld [tilespmem:s11+$0x1F0];
	v4 =	vadd.f32 v42, v4;
	v41 =	vmax.f32 v41, $0.0e+00;
	v39 =	vsub.f32 v39, v2  }
0xb6: {  	v42 =	vld [tilespmem:s11+$0x0];
	v28 =	vadd.f32 v41, v28;
	v40 =	vmax.f32 v40, $0.0e+00;
	v38 =	vsub.f32 v38, v2  }
0xb7: {  	v41 =	vld [tilespmem:s11+$0x10];
	v16 =	vadd.f32 v40, v16;
	v39 =	vmax.f32 v39, $0.0e+00;
	v37 =	vsub.f32 v37, v2  }
0xb8: {  	v40 =	vld [tilespmem:s11+$0x20];
	v11 =	vadd.f32 v39, v11;
	v38 =	vmax.f32 v38, $0.0e+00;
	v36 =	vsub.f32 v36, v2  }
0xb9: {  	v39 =	vld [tilespmem:s11+$0x30];
	v8 =	vadd.f32 v38, v8;
	v37 =	vmax.f32 v37, $0.0e+00;
	v35 =	vsub.f32 v35, v2  }
0xba: {  	v38 =	vld [tilespmem:s11+$0x40];
	v43 =	vsub.f32 v43, v2;
	v7 =	vadd.f32 v37, v7;
	v36 =	vmax.f32 v36, $0.0e+00  }
0xbb: {  	v37 =	vsub.f32 v42, v2;
	v42 =	vld [tilespmem:s11+$0x50];
	v6 =	vadd.f32 v36, v6;
	v35 =	vmax.f32 v35, $0.0e+00  }
0xbc: {  	v36 =	vsub.f32 v41, v2;
	v41 =	vld [tilespmem:s11+$0x60];
	v43 =	vmax.f32 v43, $0.0e+00;
	v5 =	vadd.f32 v35, v5  }
0xbd: {  	v35 =	vmax.f32 v37, $0.0e+00;
	v37 =	vsub.f32 v40, v2;
	v40 =	vld [tilespmem:s11+$0x70];
	v3 =	vadd.f32 v43, v3  }
0xbe: {  	v29 =	vadd.f32 v35, v29;
	v35 =	vmax.f32 v36, $0.0e+00;
	v36 =	vsub.f32 v39, v2;
	v39 =	vld [tilespmem:s11+$0x80]  }
0xbf: {  	v33 =	vadd.f32 v35, v33;
	v35 =	vmax.f32 v37, $0.0e+00;
	v37 =	vsub.f32 v38, v2;
	v38 =	vld [tilespmem:s11+$0x90]  }
0xc0: {  	v34 =	vadd.f32 v35, v34;
	v35 =	vmax.f32 v36, $0.0e+00;
	v36 =	vsub.f32 v42, v2;
	v42 =	vld [tilespmem:s11+$0xA0]  }
0xc1: {  	v32 =	vadd.f32 v35, v32;
	v35 =	vmax.f32 v37, $0.0e+00;
	v37 =	vsub.f32 v41, v2;
	v41 =	vld [tilespmem:s11+$0xB0]  }
0xc2: {  	v31 =	vadd.f32 v35, v31;
	v35 =	vmax.f32 v36, $0.0e+00;
	v36 =	vsub.f32 v40, v2;
	v40 =	vld [tilespmem:s11+$0xC0]  }
0xc3: {  	v30 =	vadd.f32 v35, v30;
	v35 =	vmax.f32 v37, $0.0e+00;
	v37 =	vsub.f32 v39, v2;
	v39 =	vld [tilespmem:s11+$0xD0]  }
0xc4: {  	v27 =	vadd.f32 v35, v27;
	v35 =	vmax.f32 v36, $0.0e+00;
	v36 =	vsub.f32 v38, v2;
	v38 =	vld [tilespmem:s11+$0xE0]  }
0xc5: {  	v26 =	vadd.f32 v35, v26;
	v35 =	vmax.f32 v37, $0.0e+00;
	v37 =	vsub.f32 v42, v2;
	v42 =	vld [tilespmem:s11+$0xF0]  }
0xc6: {  	v25 =	vadd.f32 v35, v25;
	v35 =	vmax.f32 v36, $0.0e+00;
	v36 =	vsub.f32 v41, v2;
	v41 =	vld [tilespmem:s11+$0x100]  }
0xc7: {  	v24 =	vadd.f32 v35, v24;
	v35 =	vmax.f32 v37, $0.0e+00;
	v37 =	vsub.f32 v40, v2;
	v40 =	vld [tilespmem:s11+$0x110]  }
0xc8: {  	v23 =	vadd.f32 v35, v23;
	v35 =	vmax.f32 v36, $0.0e+00;
	v36 =	vsub.f32 v39, v2;
	v39 =	vld [tilespmem:s11+$0x120]  }
0xc9: {  	v22 =	vadd.f32 v35, v22;
	v35 =	vmax.f32 v37, $0.0e+00;
	v37 =	vsub.f32 v38, v2;
	v38 =	vld [tilespmem:s11+$0x130]  }
0xca: {  	v21 =	vadd.f32 v35, v21;
	v35 =	vmax.f32 v36, $0.0e+00;
	v36 =	vsub.f32 v42, v2;
	v42 =	vld [tilespmem:s11+$0x140]  }
0xcb: {  	v20 =	vadd.f32 v35, v20;
	v35 =	vmax.f32 v37, $0.0e+00;
	v37 =	vsub.f32 v41, v2;
	v41 =	vld [tilespmem:s11+$0x150]  }
0xcc: {  	v19 =	vadd.f32 v35, v19;
	v35 =	vmax.f32 v36, $0.0e+00;
	v36 =	vsub.f32 v40, v2;
	v40 =	vld [tilespmem:s11+$0x160]  }
0xcd: {  	v18 =	vadd.f32 v35, v18;
	v35 =	vmax.f32 v37, $0.0e+00;
	v37 =	vsub.f32 v39, v2;
	v43 =	vld [tilespmem:s11+$0x170]  }
0xce: {  	v17 =	vadd.f32 v35, v17;
	v35 =	vmax.f32 v36, $0.0e+00;
	v36 =	vsub.f32 v38, v2;
	v44 =	vld [tilespmem:s11+$0x180]  }
0xcf: {  	v15 =	vadd.f32 v35, v15;
	v35 =	vmax.f32 v37, $0.0e+00;
	v37 =	vsub.f32 v42, v2;
	v45 =	vld [tilespmem:s11+$0x190]  }
.Ltmp1:
0xd0: {  	v14 =	vadd.f32 v35, v14;
	v35 =	vmax.f32 v36, $0.0e+00;
	v36 =	vsub.f32 v41, v2;
	v39 =	vld [tilespmem:s11+$0x1A0];
	(pc) =	sbr.rel @p0 .LBB2_4-.Ltmp1, $4  }
0xd1: {  	v13 =	vadd.f32 v35, v13;
	v35 =	vmax.f32 v37, $0.0e+00;
	v40 =	vsub.f32 v40, v2;
	v38 =	vld [tilespmem:s11+$0x1B0]  }
0xd2: {  	v12 =	vadd.f32 v35, v12;
	v35 =	vmax.f32 v36, $0.0e+00;
	v42 =	vsub.f32 v43, v2;
	v37 =	vld [tilespmem:s11+$0x1C0]  }
0xd3: {  	v10 =	vadd.f32 v35, v10;
	v35 =	vmax.f32 v40, $0.0e+00;
	v41 =	vsub.f32 v44, v2;
	v36 =	vld [tilespmem:s11+$0x1D0]  }
0xd4: {  	v9 =	vadd.f32 v35, v9;
	v42 =	vmax.f32 v42, $0.0e+00;
	v40 =	vsub.f32 v45, v2;
	v35 =	vld [tilespmem:s11+$0x1E0];
	s11 =	sshra.s32 s12, $0x2;
	s12 =	sadd.s32 $0x800, s12  }
0xd5: {  	v43 =	vld [tilespmem:s11+$0x0]  }
0xd6: {  	v44 =	vld [tilespmem:s11+$0x10];
	_ =	sdelay $0x1  }
0xd7: {  	v45 =	vld [tilespmem:s11+$0x20];
	_ =	sdelay $0x1  }
0xd8: {  	v46 =	vld [tilespmem:s11+$0x30]  }
0xd9: {  	v43 =	vsub.f32 v43, v2;
	v44 =	vsub.f32 v44, v2  }
0xda: {  	v47 =	vld [tilespmem:s11+$0x40]  }
0xdb: {  	v45 =	vsub.f32 v45, v2;
	v43 =	vmax.f32 v43, $0.0e+00;
	v44 =	vmax.f32 v44, $0.0e+00  }
0xdc: {  	v51 =	vld [tilespmem:s11+$0x50];
	v29 =	vadd.f32 v43, v29;
	v33 =	vadd.f32 v44, v33  }
0xdd: {  	v52 =	vsub.f32 v46, v2;
	v45 =	vmax.f32 v45, $0.0e+00  }
0xde: {  	v53 =	vld [tilespmem:s11+$0x60];
	v34 =	vadd.f32 v45, v34;
	v29 =	vadd.f32 v33, v29  }
0xdf: {  	v54 =	vsub.f32 v47, v2;
	v44 =	vmax.f32 v52, $0.0e+00  }
0xe0: {  	v55 =	vld [tilespmem:s11+$0x70];
	v32 =	vadd.f32 v44, v32;
	v29 =	vadd.f32 v34, v29  }
0xe1: {  	v56 =	vmax.f32 v54, $0.0e+00;
	v43 =	vsub.f32 v51, v2  }
0xe2: {  	v57 =	vld [tilespmem:s11+$0x80];
	v31 =	vadd.f32 v56, v31;
	v29 =	vadd.f32 v32, v29  }
0xe3: {  	v33 =	vsub.f32 v53, v2;
	v43 =	vmax.f32 v43, $0.0e+00  }
0xe4: {  	v58 =	vld [tilespmem:s11+$0x90];
	v30 =	vadd.f32 v43, v30;
	v29 =	vadd.f32 v31, v29  }
0xe5: {  	v59 =	vsub.f32 v55, v2;
	v33 =	vmax.f32 v33, $0.0e+00  }
0xe6: {  	v60 =	vld [tilespmem:s11+$0xA0];
	v27 =	vadd.f32 v33, v27;
	v29 =	vadd.f32 v30, v29  }
0xe7: {  	v61 =	vsub.f32 v57, v2;
	v31 =	vmax.f32 v59, $0.0e+00  }
0xe8: {  	v62 =	vld [tilespmem:s11+$0xB0];
	v26 =	vadd.f32 v31, v26;
	v27 =	vadd.f32 v27, v29  }
0xe9: {  	v63 =	vsub.f32 v58, v2;
	v30 =	vmax.f32 v61, $0.0e+00  }
0xea: {  	v33 =	vld [tilespmem:s11+$0xC0];
	v25 =	vadd.f32 v30, v25;
	v26 =	vadd.f32 v26, v27  }
0xeb: {  	v34 =	vsub.f32 v60, v2;
	v29 =	vmax.f32 v63, $0.0e+00  }
0xec: {  	v43 =	vld [tilespmem:s11+$0xD0];
	v24 =	vadd.f32 v29, v24;
	v25 =	vadd.f32 v25, v26  }
0xed: {  	v44 =	vsub.f32 v62, v2;
	v27 =	vmax.f32 v34, $0.0e+00  }
0xee: {  	v45 =	vld [tilespmem:s11+$0xE0];
	v23 =	vadd.f32 v27, v23;
	v24 =	vadd.f32 v24, v25  }
0xef: {  	v46 =	vsub.f32 v33, v2;
	v26 =	vmax.f32 v44, $0.0e+00  }
0xf0: {  	v47 =	vld [tilespmem:s11+$0xF0];
	v22 =	vadd.f32 v26, v22;
	v23 =	vadd.f32 v23, v24  }
0xf1: {  	v48 =	vsub.f32 v43, v2;
	v25 =	vmax.f32 v46, $0.0e+00  }
0xf2: {  	v49 =	vld [tilespmem:s11+$0x100];
	v21 =	vadd.f32 v25, v21;
	v22 =	vadd.f32 v22, v23  }
0xf3: {  	v50 =	vsub.f32 v45, v2;
	v24 =	vmax.f32 v48, $0.0e+00  }
0xf4: {  	v51 =	vld [tilespmem:s11+$0x110];
	v20 =	vadd.f32 v24, v20;
	v21 =	vadd.f32 v21, v22  }
0xf5: {  	v52 =	vsub.f32 v47, v2;
	v23 =	vmax.f32 v50, $0.0e+00  }
0xf6: {  	v53 =	vld [tilespmem:s11+$0x120];
	v19 =	vadd.f32 v23, v19;
	v20 =	vadd.f32 v20, v21  }
0xf7: {  	v54 =	vsub.f32 v49, v2;
	v22 =	vmax.f32 v52, $0.0e+00  }
0xf8: {  	v55 =	vld [tilespmem:s11+$0x130];
	v18 =	vadd.f32 v22, v18;
	v19 =	vadd.f32 v19, v20  }
0xf9: {  	v4 =	vadd.f32 v42, v4;
	v56 =	vsub.f32 v51, v2;
	v21 =	vmax.f32 v54, $0.0e+00  }
0xfa: {  	v57 =	vld [tilespmem:s11+$0x140];
	v17 =	vadd.f32 v21, v17;
	v18 =	vadd.f32 v18, v19  }
0xfb: {  	v42 =	vsub.f32 v37, v2;
	v58 =	vsub.f32 v53, v2;
	v20 =	vmax.f32 v56, $0.0e+00  }
0xfc: {  	v62 =	vmax.f32 v41, $0.0e+00;
	v59 =	vld [tilespmem:s11+$0x150];
	v15 =	vadd.f32 v20, v15;
	v17 =	vadd.f32 v17, v18  }
0xfd: {  	v28 =	vadd.f32 v62, v28;
	v61 =	vsub.f32 v55, v2;
	v19 =	vmax.f32 v58, $0.0e+00  }
0xfe: {  	v63 =	vld [tilespmem:s11+$0x160];
	v14 =	vadd.f32 v19, v14;
	v15 =	vadd.f32 v15, v17  }
0xff: {  	v60 =	vsub.f32 v39, v2;
	v29 =	vsub.f32 v57, v2;
	v20 =	vmax.f32 v61, $0.0e+00  }
0x100: {  	v30 =	vld [tilespmem:s11+$0x170];
	v13 =	vadd.f32 v20, v13;
	v14 =	vadd.f32 v14, v15  }
0x101: {  	v41 =	vld [tilespmem:s11+$0x190];
	v31 =	vsub.f32 v38, v2;
	v32 =	vsub.f32 v59, v2;
	v19 =	vmax.f32 v29, $0.0e+00  }
0x102: {  	v34 =	vld [tilespmem:s11+$0x180];
	v12 =	vadd.f32 v19, v12;
	v13 =	vadd.f32 v13, v14  }
0x103: {  	v33 =	vmax.f32 v40, $0.0e+00;
	v40 =	vmax.f32 v32, $0.0e+00;
	v39 =	vsub.f32 v63, v2  }
0x104: {  	v47 =	vld [tilespmem:s11+$0x1B0];
	v10 =	vadd.f32 v40, v10;
	v12 =	vadd.f32 v12, v13  }
0x105: {  	v38 =	vadd.f32 v33, v16;
	v43 =	vsub.f32 v30, v2;
	v16 =	vmax.f32 v39, $0.0e+00  }
0x106: {  	v44 =	vld [tilespmem:s11+$0x1A0];
	v9 =	vadd.f32 v16, v9;
	v10 =	vadd.f32 v10, v12  }
0x107: {  	v49 =	vsub.f32 v41, v2;
	v46 =	vmax.f32 v43, $0.0e+00;
	v45 =	vsub.f32 v34, v2  }
0x108: {  	v4 =	vadd.f32 v46, v4;
	v50 =	vld [tilespmem:s11+$0x1C0];
	v9 =	vadd.f32 v9, v10  }
0x109: {  	v55 =	vsub.f32 v47, v2;
	v48 =	vsub.f32 v36, v2;
	v12 =	vmax.f32 v45, $0.0e+00  }
0x10a: {  	v18 =	vmax.f32 v60, $0.0e+00;
	v12 =	vadd.f32 v12, v28;
	v4 =	vadd.f32 v4, v9  }
0x10b: {  	v51 =	vsub.f32 v44, v2;
	v52 =	vmax.f32 v49, $0.0e+00;
	v11 =	vadd.f32 v18, v11  }
0x10c: {  	v53 =	vld [tilespmem:s11+$0x1D0];
	v15 =	vmax.f32 v31, $0.0e+00;
	v14 =	vadd.f32 v52, v38;
	v4 =	vadd.f32 v12, v4  }
0x10d: {  	v57 =	vsub.f32 v50, v2;
	v8 =	vadd.f32 v15, v8;
	v9 =	vmax.f32 v51, $0.0e+00  }
0x10e: {  	v56 =	vld [tilespmem:s11+$0x1E0];
	v13 =	vmax.f32 v42, $0.0e+00;
	v9 =	vadd.f32 v9, v11;
	v4 =	vadd.f32 v14, v4  }
0x10f: {  	v54 =	vsub.f32 v35, v2;
	v58 =	vmax.f32 v55, $0.0e+00;
	v7 =	vadd.f32 v13, v7  }
0x110: {  	v59 =	vld [tilespmem:s11+$0x1F0];
	v61 =	vmax.f32 v57, $0.0e+00;
	v8 =	vadd.f32 v58, v8;
	v4 =	vadd.f32 v9, v4  }
0x111: {  	v60 =	vsub.f32 v53, v2;
	v7 =	vadd.f32 v61, v7;
	v10 =	vmax.f32 v48, $0.0e+00  }
0x112: {  	v62 =	vmax.f32 v54, $0.0e+00;
	v6 =	vadd.f32 v10, v6;
	v4 =	vadd.f32 v8, v4  }
0x113: {  	v5 =	vadd.f32 v62, v5;
	v63 =	vsub.f32 v56, v2;
	v9 =	vmax.f32 v60, $0.0e+00  }
0x114: {  	v6 =	vadd.f32 v9, v6;
	v4 =	vadd.f32 v7, v4  }
0x115: {  	v8 =	vmax.f32 v63, $0.0e+00;
	v7 =	vsub.f32 v59, v2  }
0x116: {  	v5 =	vadd.f32 v8, v5;
	v4 =	vadd.f32 v6, v4  }
0x117: {  	v6 =	vmax.f32 v7, $0.0e+00  }
0x118: {  	v3 =	vadd.f32 v6, v3;
	v4 =	vadd.f32 v5, v4;
	_ =	sdelay $0x1  }
0x119: {  	v3 =	vadd.f32 v3, v4;
	_ =	sdelay $0x1  }
0x11a: {  	(v2sf) =	vpush v3, $0x0  }
0x11b: {  	(v2sf) =	vpush v3, $0x1;
	_ =	sdelay $0x1  }
0x11c: {  	(v2sf) =	vpush v3, $0x2;
	_ =	sdelay $0x1  }
0x11d: {  	(v2sf) =	vpush v3, $0x3;
	_ =	sdelay $0x1  }
0x11e: {  	(v2sf) =	vpush v3, $0x4;
	_ =	sdelay $0x1  }
0x11f: {  	(v2sf) =	vpush v3, $0x5;
	_ =	sdelay $0x1  }
0x120: {  	(v2sf) =	vpush v3, $0x6;
	_ =	sdelay $0x1  }
0x121: {  	(v2sf) =	vpush v3, $0x7;
	_ =	sdelay $0x1  }
0x122: {  	s16 =	spop (v2sf);
	(v2sf) =	vpush v3, $0x8  }
0x123: {  	s12 =	spop (v2sf)  }
0x124: {  	(v2sf) =	vpush v3, $0x9;
	s11 =	sadd.f32 s12, s16  }
0x125: {  	s17 =	spop (v2sf)  }
0x126: {  	(v2sf) =	vpush v3, $0xA;
	s11 =	sadd.f32 s11, s17  }
0x127: {  	s18 =	spop (v2sf)  }
0x128: {  	(v2sf) =	vpush v3, $0xB;
	s11 =	sadd.f32 s11, s18  }
0x129: {  	s19 =	spop (v2sf)  }
0x12a: {  	(v2sf) =	vpush v3, $0xC;
	s11 =	sadd.f32 s11, s19  }
0x12b: {  	s20 =	spop (v2sf)  }
0x12c: {  	(v2sf) =	vpush v3, $0xD;
	s11 =	sadd.f32 s11, s20  }
0x12d: {  	s21 =	spop (v2sf)  }
0x12e: {  	(v2sf) =	vpush v3, $0xE;
	s11 =	sadd.f32 s11, s21  }
0x12f: {  	s22 =	spop (v2sf)  }
0x130: {  	(v2sf) =	vpush v3, $0xF;
	s11 =	sadd.f32 s11, s22  }
0x131: {  	s23 =	spop (v2sf)  }
0x132: {  	s11 =	sadd.f32 s11, s23  }
0x133: {  	s24 =	spop (v2sf)  }
0x134: {  	s11 =	sadd.f32 s11, s24  }
0x135: {  	s25 =	spop (v2sf)  }
0x136: {  	s11 =	sadd.f32 s11, s25  }
0x137: {  	s26 =	spop (v2sf)  }
0x138: {  	s11 =	sadd.f32 s11, s26  }
0x139: {  	s28 =	spop (v2sf)  }
0x13a: {  	s11 =	sadd.f32 s11, s28  }
0x13b: {  	s29 =	spop (v2sf)  }
0x13c: {  	s11 =	sadd.f32 s11, s29  }
0x13d: {  	s30 =	spop (v2sf)  }
0x13e: {  	s11 =	sadd.f32 s11, s30  }
0x13f: {  	s31 =	spop (v2sf)  }
0x140: {  	s11 =	sadd.f32 s11, s31;
	_ =	sdelay $0x1  }
0x141: {  	v3 =	vmov s11  }
0x142: {  	v3 =	vadd.f32 $-1.000000000e+00, v3;
	_ =	sdelay $0x1  }
0x143: {  	v5 =	vbroadcast v3, $0x0;
	_ =	sdelay $0x1  }
0x144: {  	s11 =	simm.s32 $0x0;
	v3 =	vadd.f32 $-1.000000000e+00, v2;
	v4 =	vadd.f32 $1.000000000e+00, v5  }
.LBB2_6:
0x145: {  	_ = 	snop  }
0x146: {  	v6 =	vsub.f32 v4, v5;
	_ =	sdelay $0x1  }
0x147: {  	v6 =	vmax.f32 v6, $9.999999680e-21  }
0x148: {  	v7 =	vsub.s32 $0x7EF311C7, v6  }
0x149: {  	v8 =	vmul.f32 v7, v6;
	_ =	sdelay $0x1  }
0x14a: {  	v8 =	vsub.f32 $2.000000000e+00, v8;
	_ =	sdelay $0x1  }
0x14b: {  	v7 =	vmul.f32 v7, v8;
	_ =	sdelay $0x1  }
0x14c: {  	v8 =	vmul.f32 v7, v6;
	_ =	sdelay $0x1  }
0x14d: {  	v8 =	vsub.f32 $2.000000000e+00, v8;
	_ =	sdelay $0x1  }
0x14e: {  	v7 =	vmul.f32 v8, v7;
	_ =	sdelay $0x1  }
0x14f: {  	v6 =	vmul.f32 v7, v6;
	_ =	sdelay $0x1  }
0x150: {  	v8 =	vsub.f32 v2, v3;
	v6 =	vsub.f32 $2.000000000e+00, v6;
	_ =	sdelay $0x1  }
0x151: {  	v8 =	vmul.f32 v8, v5;
	v6 =	vmul.f32 v6, v7  }
0x152: {  	s14 =	simm.s32 $0x0  }
0x153: {  	v9 =	vld [tilespmem:s14+$0x1F0];
	v7 =	vadd.f32 v1, v2;
	v6 =	vmul.f32 v6, v8  }
0x154: {  	v10 =	vld [tilespmem:s14+$0x0]  }
0x155: {  	v11 =	vld [tilespmem:s14+$0x10];
	v7 =	vmul.f32 $5.000000000e-01, v7;
	v6 =	vadd.f32 v6, v2  }
0x156: {  	v12 =	vld [tilespmem:s14+$0x20]  }
0x157: {  	v20 =	vld [tilespmem:s14+$0x180];
	vm0 =	vlt.f32 v6, v1;
	v6 =	vmax.f32 v6, v7  }
0x158: {  	v13 =	vld [tilespmem:s14+$0x30];
	v8 =	vsel vm0, v6, v7  }
0x159: {  	v14 =	vld [tilespmem:s14+$0x40];
	v6 =	vsub.f32 v9, v8  }
0x15a: {  	v7 =	vimm.f32 $0.0e+00;
	v9 =	vsub.f32 v10, v8;
	v10 =	vld [tilespmem:s14+$0x50]  }
0x15b: {  	v15 =	vld [tilespmem:s14+$0x60];
	v11 =	vsub.f32 v11, v8;
	v12 =	vsub.f32 v12, v8;
	v6 =	vmax.f32 v6, $0.0e+00  }
0x15c: {  	v16 =	vld [tilespmem:s14+$0x70];
	v45 =	vsub.f32 v20, v8;
	v9 =	vmax.f32 v9, $0.0e+00;
	v6 =	vadd.f32 v6, v7  }
0x15d: {  	v33 =	vadd.f32 v9, v7;
	v9 =	vmax.f32 v11, $0.0e+00;
	v11 =	vsub.f32 v13, v8;
	v13 =	vld [tilespmem:s14+$0x80]  }
0x15e: {  	v37 =	vadd.f32 v9, v7;
	v9 =	vmax.f32 v12, $0.0e+00;
	v12 =	vsub.f32 v14, v8;
	v14 =	vld [tilespmem:s14+$0x90]  }
0x15f: {  	v38 =	vadd.f32 v9, v7;
	v9 =	vmax.f32 v11, $0.0e+00;
	v10 =	vsub.f32 v10, v8;
	v11 =	vld [tilespmem:s14+$0xA0]  }
0x160: {  	v36 =	vadd.f32 v9, v7;
	v9 =	vmax.f32 v12, $0.0e+00;
	v12 =	vsub.f32 v15, v8;
	v15 =	vld [tilespmem:s14+$0xB0]  }
0x161: {  	v35 =	vadd.f32 v9, v7;
	v9 =	vmax.f32 v10, $0.0e+00;
	v10 =	vsub.f32 v16, v8;
	v16 =	vld [tilespmem:s14+$0xC0]  }
0x162: {  	v34 =	vadd.f32 v9, v7;
	v9 =	vmax.f32 v12, $0.0e+00;
	v12 =	vsub.f32 v13, v8;
	v13 =	vld [tilespmem:s14+$0xD0]  }
0x163: {  	v31 =	vadd.f32 v9, v7;
	v9 =	vmax.f32 v10, $0.0e+00;
	v10 =	vsub.f32 v14, v8;
	v14 =	vld [tilespmem:s14+$0xE0]  }
0x164: {  	v30 =	vadd.f32 v9, v7;
	v9 =	vmax.f32 v12, $0.0e+00;
	v11 =	vsub.f32 v11, v8;
	v12 =	vld [tilespmem:s14+$0xF0]  }
0x165: {  	v29 =	vadd.f32 v9, v7;
	v9 =	vmax.f32 v10, $0.0e+00;
	v10 =	vsub.f32 v15, v8;
	v15 =	vld [tilespmem:s14+$0x100]  }
0x166: {  	v28 =	vadd.f32 v9, v7;
	v9 =	vmax.f32 v11, $0.0e+00;
	v11 =	vsub.f32 v16, v8;
	v16 =	vld [tilespmem:s14+$0x110]  }
0x167: {  	v27 =	vadd.f32 v9, v7;
	v9 =	vmax.f32 v10, $0.0e+00;
	v10 =	vsub.f32 v13, v8;
	v13 =	vld [tilespmem:s14+$0x120]  }
0x168: {  	v26 =	vadd.f32 v9, v7;
	v9 =	vmax.f32 v11, $0.0e+00;
	v11 =	vsub.f32 v14, v8;
	v14 =	vld [tilespmem:s14+$0x130]  }
0x169: {  	v25 =	vadd.f32 v9, v7;
	v9 =	vmax.f32 v10, $0.0e+00;
	v10 =	vsub.f32 v12, v8;
	v12 =	vld [tilespmem:s14+$0x140]  }
0x16a: {  	v24 =	vadd.f32 v9, v7;
	v9 =	vmax.f32 v11, $0.0e+00;
	v11 =	vsub.f32 v15, v8;
	v15 =	vld [tilespmem:s14+$0x150]  }
0x16b: {  	v23 =	vadd.f32 v9, v7;
	v9 =	vmax.f32 v10, $0.0e+00;
	v10 =	vsub.f32 v16, v8;
	v16 =	vld [tilespmem:s14+$0x160]  }
0x16c: {  	v22 =	vadd.f32 v9, v7;
	v9 =	vmax.f32 v11, $0.0e+00;
	v11 =	vsub.f32 v13, v8  }
0x16d: {  	v13 =	vld [tilespmem:s14+$0x170];
	v21 =	vadd.f32 v9, v7;
	v9 =	vmax.f32 v10, $0.0e+00;
	v10 =	vsub.f32 v14, v8  }
0x16e: {  	v19 =	vadd.f32 v9, v7;
	v9 =	vmax.f32 v11, $0.0e+00;
	v11 =	vsub.f32 v12, v8  }
0x16f: {  	v32 =	vimm.f32 $0.0e+00;
	v12 =	vld [tilespmem:s14+$0x190];
	v18 =	vadd.f32 v9, v7;
	v9 =	vsub.f32 v15, v8  }
0x170: {  	v10 =	vmax.f32 v10, $0.0e+00;
	v11 =	vmax.f32 v11, $0.0e+00;
	v15 =	vsub.f32 v16, v8  }
0x171: {  	v43 =	vld [tilespmem:s14+$0x1A0];
	v20 =	vimm.f32 $0.0e+00;
	v17 =	vadd.f32 v10, v7;
	v16 =	vadd.f32 v11, v7  }
0x172: {  	v42 =	vld [tilespmem:s14+$0x1B0];
	v9 =	vmax.f32 v9, $0.0e+00;
	v10 =	vsub.f32 v13, v8;
	v11 =	vimm.f32 $0.0e+00  }
0x173: {  	v41 =	vld [tilespmem:s14+$0x1C0];
	v14 =	vadd.f32 v9, v7;
	v9 =	vmax.f32 v15, $0.0e+00;
	v15 =	vimm.f32 $0.0e+00  }
0x174: {  	v40 =	vld [tilespmem:s14+$0x1D0];
	v13 =	vadd.f32 v9, v7;
	v46 =	vmax.f32 v10, $0.0e+00;
	v44 =	vsub.f32 v12, v8  }
0x175: {  	s12 =	simm.s32 $0x200;
	s13 =	simm.s32 $0x1000;
	v39 =	vld [tilespmem:s14+$0x1E0];
	v12 =	vimm.f32 $0.0e+00;
	v10 =	vimm.f32 $0.0e+00;
	v9 =	vimm.f32 $0.0e+00  }
.LBB2_7:
0x176: {  	p0 =	sne.s32 s13, $0x1F800;
	v47 =	vld [tilespmem:s12+$0x1F0];
	v7 =	vadd.f32 v46, v7;
	v45 =	vmax.f32 v45, $0.0e+00;
	v43 =	vsub.f32 v43, v8  }
0x177: {  	v46 =	vld [tilespmem:s12+$0x0];
	v32 =	vadd.f32 v45, v32;
	v44 =	vmax.f32 v44, $0.0e+00;
	v42 =	vsub.f32 v42, v8  }
0x178: {  	v45 =	vld [tilespmem:s12+$0x10];
	v20 =	vadd.f32 v44, v20;
	v43 =	vmax.f32 v43, $0.0e+00;
	v41 =	vsub.f32 v41, v8  }
0x179: {  	v44 =	vld [tilespmem:s12+$0x20];
	v15 =	vadd.f32 v43, v15;
	v42 =	vmax.f32 v42, $0.0e+00;
	v40 =	vsub.f32 v40, v8  }
0x17a: {  	v43 =	vld [tilespmem:s12+$0x30];
	v12 =	vadd.f32 v42, v12;
	v41 =	vmax.f32 v41, $0.0e+00;
	v39 =	vsub.f32 v39, v8  }
0x17b: {  	v42 =	vld [tilespmem:s12+$0x40];
	v47 =	vsub.f32 v47, v8;
	v11 =	vadd.f32 v41, v11;
	v40 =	vmax.f32 v40, $0.0e+00  }
0x17c: {  	v41 =	vsub.f32 v46, v8;
	v46 =	vld [tilespmem:s12+$0x50];
	v10 =	vadd.f32 v40, v10;
	v39 =	vmax.f32 v39, $0.0e+00  }
0x17d: {  	v40 =	vsub.f32 v45, v8;
	v45 =	vld [tilespmem:s12+$0x60];
	v47 =	vmax.f32 v47, $0.0e+00;
	v9 =	vadd.f32 v39, v9  }
0x17e: {  	v39 =	vmax.f32 v41, $0.0e+00;
	v41 =	vsub.f32 v44, v8;
	v44 =	vld [tilespmem:s12+$0x70];
	v6 =	vadd.f32 v47, v6  }
0x17f: {  	v33 =	vadd.f32 v39, v33;
	v39 =	vmax.f32 v40, $0.0e+00;
	v40 =	vsub.f32 v43, v8;
	v43 =	vld [tilespmem:s12+$0x80]  }
0x180: {  	v37 =	vadd.f32 v39, v37;
	v39 =	vmax.f32 v41, $0.0e+00;
	v41 =	vsub.f32 v42, v8;
	v42 =	vld [tilespmem:s12+$0x90]  }
0x181: {  	v38 =	vadd.f32 v39, v38;
	v39 =	vmax.f32 v40, $0.0e+00;
	v40 =	vsub.f32 v46, v8;
	v46 =	vld [tilespmem:s12+$0xA0]  }
0x182: {  	v36 =	vadd.f32 v39, v36;
	v39 =	vmax.f32 v41, $0.0e+00;
	v41 =	vsub.f32 v45, v8;
	v45 =	vld [tilespmem:s12+$0xB0]  }
0x183: {  	v35 =	vadd.f32 v39, v35;
	v39 =	vmax.f32 v40, $0.0e+00;
	v40 =	vsub.f32 v44, v8;
	v44 =	vld [tilespmem:s12+$0xC0]  }
0x184: {  	v34 =	vadd.f32 v39, v34;
	v39 =	vmax.f32 v41, $0.0e+00;
	v41 =	vsub.f32 v43, v8;
	v43 =	vld [tilespmem:s12+$0xD0]  }
0x185: {  	v31 =	vadd.f32 v39, v31;
	v39 =	vmax.f32 v40, $0.0e+00;
	v40 =	vsub.f32 v42, v8;
	v42 =	vld [tilespmem:s12+$0xE0]  }
0x186: {  	v30 =	vadd.f32 v39, v30;
	v39 =	vmax.f32 v41, $0.0e+00;
	v41 =	vsub.f32 v46, v8;
	v46 =	vld [tilespmem:s12+$0xF0]  }
0x187: {  	v29 =	vadd.f32 v39, v29;
	v39 =	vmax.f32 v40, $0.0e+00;
	v40 =	vsub.f32 v45, v8;
	v45 =	vld [tilespmem:s12+$0x100]  }
0x188: {  	v28 =	vadd.f32 v39, v28;
	v39 =	vmax.f32 v41, $0.0e+00;
	v41 =	vsub.f32 v44, v8;
	v44 =	vld [tilespmem:s12+$0x110]  }
0x189: {  	v27 =	vadd.f32 v39, v27;
	v39 =	vmax.f32 v40, $0.0e+00;
	v40 =	vsub.f32 v43, v8;
	v43 =	vld [tilespmem:s12+$0x120]  }
0x18a: {  	v26 =	vadd.f32 v39, v26;
	v39 =	vmax.f32 v41, $0.0e+00;
	v41 =	vsub.f32 v42, v8;
	v42 =	vld [tilespmem:s12+$0x130]  }
0x18b: {  	v25 =	vadd.f32 v39, v25;
	v39 =	vmax.f32 v40, $0.0e+00;
	v40 =	vsub.f32 v46, v8;
	v46 =	vld [tilespmem:s12+$0x140]  }
0x18c: {  	v24 =	vadd.f32 v39, v24;
	v39 =	vmax.f32 v41, $0.0e+00;
	v41 =	vsub.f32 v45, v8;
	v45 =	vld [tilespmem:s12+$0x150]  }
0x18d: {  	v23 =	vadd.f32 v39, v23;
	v39 =	vmax.f32 v40, $0.0e+00;
	v40 =	vsub.f32 v44, v8;
	v44 =	vld [tilespmem:s12+$0x160]  }
0x18e: {  	v22 =	vadd.f32 v39, v22;
	v39 =	vmax.f32 v41, $0.0e+00;
	v41 =	vsub.f32 v43, v8;
	v47 =	vld [tilespmem:s12+$0x170]  }
0x18f: {  	v21 =	vadd.f32 v39, v21;
	v39 =	vmax.f32 v40, $0.0e+00;
	v40 =	vsub.f32 v42, v8;
	v48 =	vld [tilespmem:s12+$0x180]  }
0x190: {  	v19 =	vadd.f32 v39, v19;
	v39 =	vmax.f32 v41, $0.0e+00;
	v41 =	vsub.f32 v46, v8;
	v49 =	vld [tilespmem:s12+$0x190]  }
.Ltmp2:
0x191: {  	v18 =	vadd.f32 v39, v18;
	v39 =	vmax.f32 v40, $0.0e+00;
	v40 =	vsub.f32 v45, v8;
	v43 =	vld [tilespmem:s12+$0x1A0];
	(pc) =	sbr.rel @p0 .LBB2_7-.Ltmp2, $4  }
0x192: {  	v17 =	vadd.f32 v39, v17;
	v39 =	vmax.f32 v41, $0.0e+00;
	v44 =	vsub.f32 v44, v8;
	v42 =	vld [tilespmem:s12+$0x1B0]  }
0x193: {  	v16 =	vadd.f32 v39, v16;
	v39 =	vmax.f32 v40, $0.0e+00;
	v46 =	vsub.f32 v47, v8;
	v41 =	vld [tilespmem:s12+$0x1C0]  }
0x194: {  	v14 =	vadd.f32 v39, v14;
	v39 =	vmax.f32 v44, $0.0e+00;
	v45 =	vsub.f32 v48, v8;
	v40 =	vld [tilespmem:s12+$0x1D0]  }
0x195: {  	v13 =	vadd.f32 v39, v13;
	v46 =	vmax.f32 v46, $0.0e+00;
	v44 =	vsub.f32 v49, v8;
	v39 =	vld [tilespmem:s12+$0x1E0];
	s12 =	sshra.s32 s13, $0x2;
	s13 =	sadd.s32 $0x800, s13  }
0x196: {  	v47 =	vld [tilespmem:s12+$0x0]  }
0x197: {  	v48 =	vld [tilespmem:s12+$0x10];
	_ =	sdelay $0x1  }
0x198: {  	v49 =	vld [tilespmem:s12+$0x20];
	_ =	sdelay $0x1  }
0x199: {  	v50 =	vld [tilespmem:s12+$0x30]  }
0x19a: {  	v47 =	vsub.f32 v47, v8;
	v48 =	vsub.f32 v48, v8  }
0x19b: {  	v51 =	vld [tilespmem:s12+$0x40]  }
0x19c: {  	v49 =	vsub.f32 v49, v8;
	v47 =	vmax.f32 v47, $0.0e+00;
	v48 =	vmax.f32 v48, $0.0e+00  }
0x19d: {  	v58 =	vld [tilespmem:s12+$0x50];
	v33 =	vadd.f32 v47, v33;
	v37 =	vadd.f32 v48, v37  }
0x19e: {  	v59 =	vsub.f32 v50, v8;
	v49 =	vmax.f32 v49, $0.0e+00  }
0x19f: {  	v60 =	vld [tilespmem:s12+$0x60];
	v38 =	vadd.f32 v49, v38;
	v33 =	vadd.f32 v37, v33  }
0x1a0: {  	v61 =	vsub.f32 v51, v8;
	v48 =	vmax.f32 v59, $0.0e+00  }
0x1a1: {  	v62 =	vld [tilespmem:s12+$0x70];
	v36 =	vadd.f32 v48, v36;
	v33 =	vadd.f32 v38, v33  }
0x1a2: {  	v63 =	vmax.f32 v61, $0.0e+00;
	v47 =	vsub.f32 v58, v8  }
0x1a3: {  	v52 =	vld [tilespmem:s12+$0x80];
	v35 =	vadd.f32 v63, v35;
	v33 =	vadd.f32 v36, v33  }
0x1a4: {  	v37 =	vsub.f32 v60, v8;
	v47 =	vmax.f32 v47, $0.0e+00  }
0x1a5: {  	v53 =	vld [tilespmem:s12+$0x90];
	v34 =	vadd.f32 v47, v34;
	v33 =	vadd.f32 v35, v33  }
0x1a6: {  	v54 =	vsub.f32 v62, v8;
	v37 =	vmax.f32 v37, $0.0e+00  }
0x1a7: {  	v55 =	vld [tilespmem:s12+$0xA0];
	v31 =	vadd.f32 v37, v31;
	v33 =	vadd.f32 v34, v33  }
0x1a8: {  	v56 =	vsub.f32 v52, v8;
	v35 =	vmax.f32 v54, $0.0e+00  }
0x1a9: {  	v57 =	vld [tilespmem:s12+$0xB0];
	v30 =	vadd.f32 v35, v30;
	v31 =	vadd.f32 v31, v33  }
0x1aa: {  	v58 =	vsub.f32 v53, v8;
	v34 =	vmax.f32 v56, $0.0e+00  }
0x1ab: {  	v59 =	vld [tilespmem:s12+$0xC0];
	v29 =	vadd.f32 v34, v29;
	v30 =	vadd.f32 v30, v31  }
0x1ac: {  	v60 =	vsub.f32 v55, v8;
	v33 =	vmax.f32 v58, $0.0e+00  }
0x1ad: {  	v61 =	vld [tilespmem:s12+$0xD0];
	v28 =	vadd.f32 v33, v28;
	v29 =	vadd.f32 v29, v30  }
0x1ae: {  	v62 =	vsub.f32 v57, v8;
	v31 =	vmax.f32 v60, $0.0e+00  }
0x1af: {  	v63 =	vld [tilespmem:s12+$0xE0];
	v27 =	vadd.f32 v31, v27;
	v28 =	vadd.f32 v28, v29  }
0x1b0: {  	v35 =	vsub.f32 v59, v8;
	v30 =	vmax.f32 v62, $0.0e+00  }
0x1b1: {  	v36 =	vld [tilespmem:s12+$0xF0];
	v26 =	vadd.f32 v30, v26;
	v27 =	vadd.f32 v27, v28  }
0x1b2: {  	v37 =	vsub.f32 v61, v8;
	v29 =	vmax.f32 v35, $0.0e+00  }
0x1b3: {  	v38 =	vld [tilespmem:s12+$0x100];
	v25 =	vadd.f32 v29, v25;
	v26 =	vadd.f32 v26, v27  }
0x1b4: {  	v47 =	vsub.f32 v63, v8;
	v28 =	vmax.f32 v37, $0.0e+00  }
0x1b5: {  	v48 =	vld [tilespmem:s12+$0x110];
	v24 =	vadd.f32 v28, v24;
	v25 =	vadd.f32 v25, v26  }
0x1b6: {  	v49 =	vsub.f32 v36, v8;
	v27 =	vmax.f32 v47, $0.0e+00  }
0x1b7: {  	v50 =	vld [tilespmem:s12+$0x120];
	v23 =	vadd.f32 v27, v23;
	v24 =	vadd.f32 v24, v25  }
0x1b8: {  	v51 =	vsub.f32 v38, v8;
	v26 =	vmax.f32 v49, $0.0e+00  }
0x1b9: {  	v52 =	vld [tilespmem:s12+$0x130];
	v22 =	vadd.f32 v26, v22;
	v23 =	vadd.f32 v23, v24  }
0x1ba: {  	v53 =	vsub.f32 v48, v8;
	v25 =	vmax.f32 v51, $0.0e+00  }
0x1bb: {  	v54 =	vld [tilespmem:s12+$0x140];
	v21 =	vadd.f32 v25, v21;
	v22 =	vadd.f32 v22, v23  }
0x1bc: {  	v7 =	vadd.f32 v46, v7;
	v55 =	vsub.f32 v50, v8;
	v24 =	vmax.f32 v53, $0.0e+00  }
0x1bd: {  	v56 =	vld [tilespmem:s12+$0x150];
	v19 =	vadd.f32 v24, v19;
	v21 =	vadd.f32 v21, v22  }
0x1be: {  	v46 =	vsub.f32 v40, v8;
	v58 =	vsub.f32 v52, v8;
	v23 =	vmax.f32 v55, $0.0e+00  }
0x1bf: {  	v60 =	vld [tilespmem:s12+$0x160];
	v18 =	vadd.f32 v23, v18;
	v19 =	vadd.f32 v19, v21  }
0x1c0: {  	v38 =	vsub.f32 v41, v8;
	v62 =	vsub.f32 v54, v8;
	v24 =	vmax.f32 v58, $0.0e+00  }
0x1c1: {  	v63 =	vld [tilespmem:s12+$0x170];
	v59 =	vmax.f32 v45, $0.0e+00;
	v17 =	vadd.f32 v24, v17;
	v18 =	vadd.f32 v18, v19  }
0x1c2: {  	v61 =	vadd.f32 v59, v32;
	v31 =	vsub.f32 v56, v8;
	v23 =	vmax.f32 v62, $0.0e+00  }
0x1c3: {  	v33 =	vld [tilespmem:s12+$0x180];
	v16 =	vadd.f32 v23, v16;
	v17 =	vadd.f32 v17, v18  }
0x1c4: {  	v30 =	vsub.f32 v42, v8;
	v36 =	vmax.f32 v31, $0.0e+00;
	v42 =	vld [tilespmem:s12+$0x1A0];
	v35 =	vsub.f32 v60, v8  }
0x1c5: {  	v32 =	vmax.f32 v44, $0.0e+00;
	v14 =	vadd.f32 v36, v14;
	v37 =	vld [tilespmem:s12+$0x190];
	v16 =	vadd.f32 v16, v17  }
0x1c6: {  	v41 =	vsub.f32 v63, v8;
	v34 =	vadd.f32 v32, v20;
	v20 =	vmax.f32 v35, $0.0e+00  }
0x1c7: {  	v45 =	vld [tilespmem:s12+$0x1B0];
	v13 =	vadd.f32 v20, v13;
	v14 =	vadd.f32 v14, v16  }
0x1c8: {  	v57 =	vsub.f32 v43, v8;
	v44 =	vmax.f32 v41, $0.0e+00;
	v43 =	vsub.f32 v33, v8  }
0x1c9: {  	v48 =	vld [tilespmem:s12+$0x1C0];
	v7 =	vadd.f32 v44, v7;
	v13 =	vadd.f32 v13, v14  }
0x1ca: {  	v49 =	vsub.f32 v42, v8;
	v47 =	vsub.f32 v37, v8;
	v16 =	vmax.f32 v43, $0.0e+00  }
0x1cb: {  	v22 =	vmax.f32 v57, $0.0e+00;
	v16 =	vadd.f32 v16, v61;
	v7 =	vadd.f32 v7, v13  }
0x1cc: {  	v50 =	vmax.f32 v47, $0.0e+00;
	v53 =	vsub.f32 v45, v8;
	v15 =	vadd.f32 v22, v15  }
0x1cd: {  	v51 =	vld [tilespmem:s12+$0x1D0];
	v19 =	vmax.f32 v30, $0.0e+00;
	v18 =	vadd.f32 v50, v34;
	v7 =	vadd.f32 v16, v7  }
0x1ce: {  	v55 =	vsub.f32 v48, v8;
	v12 =	vadd.f32 v19, v12;
	v13 =	vmax.f32 v49, $0.0e+00  }
0x1cf: {  	v54 =	vld [tilespmem:s12+$0x1E0];
	v17 =	vmax.f32 v38, $0.0e+00;
	v13 =	vadd.f32 v13, v15;
	v7 =	vadd.f32 v18, v7  }
0x1d0: {  	v52 =	vsub.f32 v39, v8;
	v56 =	vmax.f32 v53, $0.0e+00;
	v11 =	vadd.f32 v17, v11  }
0x1d1: {  	v57 =	vld [tilespmem:s12+$0x1F0];
	v59 =	vmax.f32 v55, $0.0e+00;
	v12 =	vadd.f32 v56, v12;
	v7 =	vadd.f32 v13, v7  }
0x1d2: {  	v58 =	vsub.f32 v51, v8;
	v11 =	vadd.f32 v59, v11;
	v14 =	vmax.f32 v46, $0.0e+00  }
0x1d3: {  	v60 =	vmax.f32 v52, $0.0e+00;
	v10 =	vadd.f32 v14, v10;
	v7 =	vadd.f32 v12, v7  }
0x1d4: {  	v9 =	vadd.f32 v60, v9;
	v61 =	vsub.f32 v54, v8;
	v13 =	vmax.f32 v58, $0.0e+00  }
0x1d5: {  	v10 =	vadd.f32 v13, v10;
	v7 =	vadd.f32 v11, v7  }
0x1d6: {  	v62 =	vsub.f32 v57, v8;
	v12 =	vmax.f32 v61, $0.0e+00  }
0x1d7: {  	v9 =	vadd.f32 v12, v9;
	v7 =	vadd.f32 v10, v7  }
0x1d8: {  	v63 =	vmax.f32 v62, $0.0e+00  }
0x1d9: {  	v6 =	vadd.f32 v63, v6;
	v7 =	vadd.f32 v9, v7;
	_ =	sdelay $0x1  }
0x1da: {  	v6 =	vadd.f32 v6, v7;
	_ =	sdelay $0x1  }
0x1db: {  	(v2sf) =	vpush v6, $0x0  }
0x1dc: {  	(v2sf) =	vpush v6, $0x1;
	_ =	sdelay $0x1  }
0x1dd: {  	(v2sf) =	vpush v6, $0x2;
	_ =	sdelay $0x1  }
0x1de: {  	(v2sf) =	vpush v6, $0x3;
	_ =	sdelay $0x1  }
0x1df: {  	(v2sf) =	vpush v6, $0x4;
	_ =	sdelay $0x1  }
0x1e0: {  	(v2sf) =	vpush v6, $0x5;
	_ =	sdelay $0x1  }
0x1e1: {  	(v2sf) =	vpush v6, $0x6;
	_ =	sdelay $0x1  }
0x1e2: {  	(v2sf) =	vpush v6, $0x7;
	_ =	sdelay $0x1  }
0x1e3: {  	s16 =	spop (v2sf);
	(v2sf) =	vpush v6, $0x8  }
0x1e4: {  	s13 =	spop (v2sf)  }
0x1e5: {  	(v2sf) =	vpush v6, $0x9;
	s12 =	sadd.f32 s13, s16  }
0x1e6: {  	s17 =	spop (v2sf)  }
0x1e7: {  	(v2sf) =	vpush v6, $0xA;
	s12 =	sadd.f32 s12, s17  }
0x1e8: {  	s18 =	spop (v2sf)  }
0x1e9: {  	(v2sf) =	vpush v6, $0xB;
	s12 =	sadd.f32 s12, s18  }
0x1ea: {  	s19 =	spop (v2sf)  }
0x1eb: {  	(v2sf) =	vpush v6, $0xC;
	s12 =	sadd.f32 s12, s19  }
0x1ec: {  	s20 =	spop (v2sf)  }
0x1ed: {  	(v2sf) =	vpush v6, $0xD;
	s12 =	sadd.f32 s12, s20  }
0x1ee: {  	s21 =	spop (v2sf)  }
0x1ef: {  	(v2sf) =	vpush v6, $0xE;
	s12 =	sadd.f32 s12, s21  }
0x1f0: {  	s22 =	spop (v2sf)  }
0x1f1: {  	(v2sf) =	vpush v6, $0xF;
	s12 =	sadd.f32 s12, s22  }
0x1f2: {  	s23 =	spop (v2sf)  }
0x1f3: {  	s12 =	sadd.f32 s12, s23  }
0x1f4: {  	s24 =	spop (v2sf)  }
0x1f5: {  	s12 =	sadd.f32 s12, s24  }
0x1f6: {  	s25 =	spop (v2sf)  }
0x1f7: {  	s12 =	sadd.f32 s12, s25  }
0x1f8: {  	s26 =	spop (v2sf)  }
0x1f9: {  	s12 =	sadd.f32 s12, s26  }
0x1fa: {  	s28 =	spop (v2sf)  }
0x1fb: {  	s12 =	sadd.f32 s12, s28  }
0x1fc: {  	s29 =	spop (v2sf)  }
0x1fd: {  	s12 =	sadd.f32 s12, s29  }
0x1fe: {  	s30 =	spop (v2sf)  }
0x1ff: {  	s12 =	sadd.f32 s12, s30  }
0x200: {  	s31 =	spop (v2sf)  }
0x201: {  	s12 =	sadd.f32 s12, s31;
	_ =	sdelay $0x1  }
0x202: {  	v6 =	vmov s12  }
0x203: {  	s11 =	sadd.s32 $0x1, s11;
	v6 =	vadd.f32 $-1.000000000e+00, v6  }
0x204: {  	p0 =	sne.s32 s11, $0x6  }
.Ltmp3:
0x205: {  	v7 =	vbroadcast v6, $0x0;
	(pc) =	sbr.rel @p0 .LBB2_6-.Ltmp3, $4  }
0x206: {  	_ = 	snop  }
0x207: {  	vm0 =	vge.f32 v7, $0.0e+00  }
0x208: {  	v6 =	vsel vm0, v8, v2;
	v7 =	vsel vm0, v7, v5;
	v3 =	vsel vm0, v2, v3  }
0x209: {  	v4 =	vsel vm0, v5, v4;
	v1 =	vsel vm0, v1, v8;
	v5 =	vmovc v7;
	v2 =	vmov v6  }
0x20a: {  	s13 =	simm.s32 $0x0  }
0x20b: {  	v1 =	vld [tilespmem:s13+$0x1F0]  }
0x20c: {  	v3 =	vld [tilespmem:s13+$0x0]  }
0x20d: {  	v4 =	vld [tilespmem:s13+$0x10]  }
0x20e: {  	v5 =	vld [tilespmem:s13+$0x20]  }
0x20f: {  	v8 =	vld [tilespmem:s13+$0x30]  }
0x210: {  	v2 =	vimm.f32 $0.0e+00;
	v9 =	vld [tilespmem:s13+$0x40]  }
0x211: {  	v18 =	vimm.f32 $0.0e+00;
	vm0 =	vgt.f32 v1, v6;
	vm1 =	vgt.f32 v3, v6;
	v3 =	vld [tilespmem:s13+$0x50]  }
0x212: {  	v1 =	vsel vm0, $0x3F800000, v0;
	v10 =	vsel vm1, $0x3F800000, v0;
	vm0 =	vgt.f32 v4, v6;
	v4 =	vld [tilespmem:s13+$0x60]  }
0x213: {  	v30 =	vadd.f32 v10, v2;
	v10 =	vsel vm0, $0x3F800000, v0;
	vm0 =	vgt.f32 v5, v6;
	v5 =	vld [tilespmem:s13+$0x70]  }
0x214: {  	v32 =	vadd.f32 v10, v2;
	v10 =	vsel vm0, $0x3F800000, v0;
	vm0 =	vgt.f32 v8, v6;
	v8 =	vld [tilespmem:s13+$0x80]  }
0x215: {  	v34 =	vadd.f32 v10, v2;
	v10 =	vsel vm0, $0x3F800000, v0;
	vm0 =	vgt.f32 v9, v6;
	v9 =	vld [tilespmem:s13+$0x90]  }
0x216: {  	v33 =	vadd.f32 v10, v2;
	v10 =	vsel vm0, $0x3F800000, v0;
	vm0 =	vgt.f32 v3, v6;
	v3 =	vld [tilespmem:s13+$0xA0]  }
0x217: {  	v31 =	vadd.f32 v10, v2;
	v10 =	vsel vm0, $0x3F800000, v0;
	vm0 =	vgt.f32 v4, v6;
	v4 =	vld [tilespmem:s13+$0xB0]  }
0x218: {  	v29 =	vadd.f32 v10, v2;
	v10 =	vsel vm0, $0x3F800000, v0;
	vm0 =	vgt.f32 v5, v6;
	v5 =	vld [tilespmem:s13+$0xC0]  }
0x219: {  	v28 =	vadd.f32 v10, v2;
	v10 =	vsel vm0, $0x3F800000, v0;
	vm0 =	vgt.f32 v8, v6;
	v8 =	vld [tilespmem:s13+$0xD0]  }
0x21a: {  	v27 =	vadd.f32 v10, v2;
	v10 =	vsel vm0, $0x3F800000, v0;
	vm0 =	vgt.f32 v9, v6;
	v9 =	vld [tilespmem:s13+$0xE0]  }
0x21b: {  	v26 =	vadd.f32 v10, v2;
	v10 =	vsel vm0, $0x3F800000, v0;
	vm0 =	vgt.f32 v3, v6;
	v3 =	vld [tilespmem:s13+$0xF0]  }
0x21c: {  	v25 =	vadd.f32 v10, v2;
	v10 =	vsel vm0, $0x3F800000, v0;
	vm0 =	vgt.f32 v4, v6;
	v4 =	vld [tilespmem:s13+$0x100]  }
0x21d: {  	v24 =	vadd.f32 v10, v2;
	v10 =	vsel vm0, $0x3F800000, v0;
	vm0 =	vgt.f32 v5, v6;
	v5 =	vld [tilespmem:s13+$0x110]  }
0x21e: {  	v23 =	vadd.f32 v10, v2;
	v10 =	vsel vm0, $0x3F800000, v0;
	vm0 =	vgt.f32 v8, v6;
	v8 =	vld [tilespmem:s13+$0x120]  }
0x21f: {  	v22 =	vadd.f32 v10, v2;
	v10 =	vsel vm0, $0x3F800000, v0;
	vm0 =	vgt.f32 v9, v6;
	v9 =	vld [tilespmem:s13+$0x130]  }
0x220: {  	v21 =	vadd.f32 v10, v2;
	v10 =	vsel vm0, $0x3F800000, v0;
	vm0 =	vgt.f32 v3, v6;
	v3 =	vld [tilespmem:s13+$0x140]  }
0x221: {  	v20 =	vadd.f32 v10, v2;
	v10 =	vsel vm0, $0x3F800000, v0;
	vm0 =	vgt.f32 v4, v6  }
0x222: {  	v4 =	vld [tilespmem:s13+$0x150];
	v19 =	vadd.f32 v10, v2;
	v10 =	vsel vm0, $0x3F800000, v0;
	vm0 =	vgt.f32 v5, v6  }
0x223: {  	v5 =	vld [tilespmem:s13+$0x160];
	v17 =	vadd.f32 v10, v2;
	v10 =	vsel vm0, $0x3F800000, v0;
	vm0 =	vgt.f32 v8, v6  }
0x224: {  	v8 =	vld [tilespmem:s13+$0x170];
	v16 =	vadd.f32 v10, v2;
	v10 =	vsel vm0, $0x3F800000, v0;
	vm0 =	vgt.f32 v9, v6  }
0x225: {  	v9 =	vld [tilespmem:s13+$0x180];
	v15 =	vadd.f32 v10, v2;
	v10 =	vsel vm0, $0x3F800000, v0;
	vm0 =	vgt.f32 v3, v6  }
0x226: {  	v12 =	vimm.f32 $0.0e+00;
	v14 =	vadd.f32 v10, v2;
	v10 =	vsel vm0, $0x3F800000, v0  }
0x227: {  	v1 =	vadd.f32 v1, v2;
	v3 =	vld [tilespmem:s13+$0x190];
	vm0 =	vgt.f32 v4, v6;
	v13 =	vadd.f32 v10, v2  }
0x228: {  	v39 =	vld [tilespmem:s13+$0x1A0];
	v4 =	vsel vm0, $0x3F800000, v0;
	vm0 =	vgt.f32 v5, v6;
	v5 =	vimm.f32 $0.0e+00  }
0x229: {  	v38 =	vld [tilespmem:s13+$0x1B0];
	v11 =	vadd.f32 v4, v2;
	v4 =	vsel vm0, $0x3F800000, v0;
	vm0 =	vgt.f32 v8, v6  }
0x22a: {  	v37 =	vld [tilespmem:s13+$0x1C0];
	v10 =	vadd.f32 v4, v2;
	v4 =	vsel vm0, $0x3F800000, v0;
	vm0 =	vgt.f32 v9, v6  }
0x22b: {  	v36 =	vld [tilespmem:s13+$0x1D0];
	v8 =	vimm.f32 $0.0e+00;
	v9 =	vadd.f32 v4, v2;
	v40 =	vsel vm0, $0x3F800000, v0  }
0x22c: {  	s11 =	simm.s32 $0x200;
	s12 =	simm.s32 $0x1000;
	v35 =	vld [tilespmem:s13+$0x1E0];
	vm0 =	vgt.f32 v3, v6;
	v4 =	vimm.f32 $0.0e+00;
	v3 =	vimm.f32 $0.0e+00  }
.LBB2_10:
0x22d: {  	p0 =	sne.s32 s12, $0x1F800;
	v41 =	vld [tilespmem:s11+$0x1F0];
	v2 =	vadd.f32 v40, v2;
	v40 =	vsel vm0, $0x3F800000, v0;
	vm0 =	vgt.f32 v39, v6  }
0x22e: {  	v39 =	vld [tilespmem:s11+$0x0];
	v18 =	vadd.f32 v40, v18;
	v40 =	vsel vm0, $0x3F800000, v0;
	vm0 =	vgt.f32 v38, v6  }
0x22f: {  	v38 =	vld [tilespmem:s11+$0x10];
	v12 =	vadd.f32 v40, v12;
	v40 =	vsel vm0, $0x3F800000, v0;
	vm0 =	vgt.f32 v37, v6  }
0x230: {  	v37 =	vld [tilespmem:s11+$0x20];
	v8 =	vadd.f32 v40, v8;
	v40 =	vsel vm0, $0x3F800000, v0;
	vm0 =	vgt.f32 v36, v6  }
0x231: {  	v36 =	vld [tilespmem:s11+$0x30];
	v5 =	vadd.f32 v40, v5;
	v40 =	vsel vm0, $0x3F800000, v0;
	vm0 =	vgt.f32 v35, v6  }
0x232: {  	v35 =	vld [tilespmem:s11+$0x40];
	vm1 =	vgt.f32 v41, v6;
	v4 =	vadd.f32 v40, v4;
	v40 =	vsel vm0, $0x3F800000, v0  }
0x233: {  	vm0 =	vgt.f32 v39, v6;
	v39 =	vld [tilespmem:s11+$0x50];
	v41 =	vsel vm1, $0x3F800000, v0;
	v3 =	vadd.f32 v40, v3  }
0x234: {  	v40 =	vsel vm0, $0x3F800000, v0;
	vm0 =	vgt.f32 v38, v6;
	v38 =	vld [tilespmem:s11+$0x60];
	v1 =	vadd.f32 v41, v1  }
0x235: {  	v30 =	vadd.f32 v40, v30;
	v40 =	vsel vm0, $0x3F800000, v0;
	vm0 =	vgt.f32 v37, v6;
	v37 =	vld [tilespmem:s11+$0x70]  }
0x236: {  	v32 =	vadd.f32 v40, v32;
	v40 =	vsel vm0, $0x3F800000, v0;
	vm0 =	vgt.f32 v36, v6;
	v36 =	vld [tilespmem:s11+$0x80]  }
0x237: {  	v34 =	vadd.f32 v40, v34;
	v40 =	vsel vm0, $0x3F800000, v0;
	vm0 =	vgt.f32 v35, v6;
	v35 =	vld [tilespmem:s11+$0x90]  }
0x238: {  	v33 =	vadd.f32 v40, v33;
	v40 =	vsel vm0, $0x3F800000, v0;
	vm0 =	vgt.f32 v39, v6;
	v39 =	vld [tilespmem:s11+$0xA0]  }
0x239: {  	v31 =	vadd.f32 v40, v31;
	v40 =	vsel vm0, $0x3F800000, v0;
	vm0 =	vgt.f32 v38, v6;
	v38 =	vld [tilespmem:s11+$0xB0]  }
0x23a: {  	v29 =	vadd.f32 v40, v29;
	v40 =	vsel vm0, $0x3F800000, v0;
	vm0 =	vgt.f32 v37, v6;
	v37 =	vld [tilespmem:s11+$0xC0]  }
0x23b: {  	v28 =	vadd.f32 v40, v28;
	v40 =	vsel vm0, $0x3F800000, v0;
	vm0 =	vgt.f32 v36, v6;
	v36 =	vld [tilespmem:s11+$0xD0]  }
0x23c: {  	v27 =	vadd.f32 v40, v27;
	v40 =	vsel vm0, $0x3F800000, v0;
	vm0 =	vgt.f32 v35, v6;
	v35 =	vld [tilespmem:s11+$0xE0]  }
0x23d: {  	v26 =	vadd.f32 v40, v26;
	v40 =	vsel vm0, $0x3F800000, v0;
	vm0 =	vgt.f32 v39, v6;
	v39 =	vld [tilespmem:s11+$0xF0]  }
0x23e: {  	v25 =	vadd.f32 v40, v25;
	v40 =	vsel vm0, $0x3F800000, v0;
	vm0 =	vgt.f32 v38, v6;
	v38 =	vld [tilespmem:s11+$0x100]  }
0x23f: {  	v24 =	vadd.f32 v40, v24;
	v40 =	vsel vm0, $0x3F800000, v0;
	vm0 =	vgt.f32 v37, v6;
	v37 =	vld [tilespmem:s11+$0x110]  }
0x240: {  	v23 =	vadd.f32 v40, v23;
	v40 =	vsel vm0, $0x3F800000, v0;
	vm0 =	vgt.f32 v36, v6;
	v36 =	vld [tilespmem:s11+$0x120]  }
0x241: {  	v22 =	vadd.f32 v40, v22;
	v40 =	vsel vm0, $0x3F800000, v0;
	vm0 =	vgt.f32 v35, v6;
	v35 =	vld [tilespmem:s11+$0x130]  }
0x242: {  	v21 =	vadd.f32 v40, v21;
	v40 =	vsel vm0, $0x3F800000, v0;
	vm0 =	vgt.f32 v39, v6;
	v39 =	vld [tilespmem:s11+$0x140]  }
0x243: {  	v20 =	vadd.f32 v40, v20;
	v40 =	vsel vm0, $0x3F800000, v0;
	vm0 =	vgt.f32 v38, v6;
	v38 =	vld [tilespmem:s11+$0x150]  }
0x244: {  	v19 =	vadd.f32 v40, v19;
	v40 =	vsel vm0, $0x3F800000, v0;
	vm0 =	vgt.f32 v37, v6;
	v37 =	vld [tilespmem:s11+$0x160]  }
0x245: {  	v17 =	vadd.f32 v40, v17;
	v40 =	vsel vm0, $0x3F800000, v0;
	vm0 =	vgt.f32 v36, v6;
	v36 =	vld [tilespmem:s11+$0x170]  }
0x246: {  	v16 =	vadd.f32 v40, v16;
	v40 =	vsel vm0, $0x3F800000, v0;
	vm0 =	vgt.f32 v35, v6;
	v35 =	vld [tilespmem:s11+$0x180]  }
0x247: {  	v15 =	vadd.f32 v40, v15;
	v40 =	vsel vm0, $0x3F800000, v0;
	vm0 =	vgt.f32 v39, v6;
	v41 =	vld [tilespmem:s11+$0x190]  }
.Ltmp4:
0x248: {  	v14 =	vadd.f32 v40, v14;
	v40 =	vsel vm0, $0x3F800000, v0;
	vm0 =	vgt.f32 v38, v6;
	v39 =	vld [tilespmem:s11+$0x1A0];
	(pc) =	sbr.rel @p0 .LBB2_10-.Ltmp4, $4  }
0x249: {  	v13 =	vadd.f32 v40, v13;
	v40 =	vsel vm0, $0x3F800000, v0;
	vm0 =	vgt.f32 v37, v6;
	v38 =	vld [tilespmem:s11+$0x1B0]  }
0x24a: {  	v11 =	vadd.f32 v40, v11;
	v40 =	vsel vm0, $0x3F800000, v0;
	vm0 =	vgt.f32 v36, v6;
	v37 =	vld [tilespmem:s11+$0x1C0]  }
0x24b: {  	v10 =	vadd.f32 v40, v10;
	v40 =	vsel vm0, $0x3F800000, v0;
	vm0 =	vgt.f32 v35, v6;
	v36 =	vld [tilespmem:s11+$0x1D0]  }
0x24c: {  	v9 =	vadd.f32 v40, v9;
	v40 =	vsel vm0, $0x3F800000, v0;
	vm0 =	vgt.f32 v41, v6;
	v35 =	vld [tilespmem:s11+$0x1E0];
	s11 =	sshra.s32 s12, $0x2;
	s12 =	sadd.s32 $0x800, s12  }
0x24d: {  	v41 =	vld [tilespmem:s11+$0x0]  }
0x24e: {  	v42 =	vld [tilespmem:s11+$0x10];
	_ =	sdelay $0x1  }
0x24f: {  	v43 =	vld [tilespmem:s11+$0x20];
	_ =	sdelay $0x1  }
0x250: {  	v44 =	vld [tilespmem:s11+$0x30]  }
0x251: {  	vm1 =	vgt.f32 v41, v6;
	vm2 =	vgt.f32 v42, v6  }
0x252: {  	v50 =	vld [tilespmem:s11+$0x40];
	v41 =	vsel vm1, $0x3F800000, v0;
	v45 =	vsel vm2, $0x3F800000, v0  }
0x253: {  	vm5 =	vgt.f32 v43, v6;
	v30 =	vadd.f32 v41, v30;
	v32 =	vadd.f32 v45, v32  }
0x254: {  	v51 =	vld [tilespmem:s11+$0x50];
	v43 =	vsel vm5, $0x3F800000, v0  }
0x255: {  	vm6 =	vgt.f32 v44, v6;
	v34 =	vadd.f32 v43, v34;
	v30 =	vadd.f32 v32, v30  }
0x256: {  	v52 =	vld [tilespmem:s11+$0x60];
	v53 =	vsel vm6, $0x3F800000, v0  }
0x257: {  	vm7 =	vgt.f32 v50, v6;
	v33 =	vadd.f32 v53, v33;
	v30 =	vadd.f32 v34, v30  }
0x258: {  	v54 =	vld [tilespmem:s11+$0x70];
	v42 =	vsel vm7, $0x3F800000, v0  }
0x259: {  	vm8 =	vgt.f32 v51, v6;
	v31 =	vadd.f32 v42, v31;
	v30 =	vadd.f32 v33, v30  }
0x25a: {  	v55 =	vld [tilespmem:s11+$0x80];
	v41 =	vsel vm8, $0x3F800000, v0  }
0x25b: {  	vm9 =	vgt.f32 v52, v6;
	v29 =	vadd.f32 v41, v29;
	v30 =	vadd.f32 v31, v30  }
0x25c: {  	v56 =	vld [tilespmem:s11+$0x90];
	v32 =	vsel vm9, $0x3F800000, v0  }
0x25d: {  	vm10 =	vgt.f32 v54, v6;
	v28 =	vadd.f32 v32, v28;
	v29 =	vadd.f32 v29, v30  }
0x25e: {  	v57 =	vld [tilespmem:s11+$0xA0];
	v58 =	vsel vm10, $0x3F800000, v0  }
0x25f: {  	vm11 =	vgt.f32 v55, v6;
	v27 =	vadd.f32 v58, v27;
	v28 =	vadd.f32 v28, v29  }
0x260: {  	v59 =	vld [tilespmem:s11+$0xB0];
	v60 =	vsel vm11, $0x3F800000, v0  }
0x261: {  	vm12 =	vgt.f32 v56, v6;
	v26 =	vadd.f32 v60, v26;
	v27 =	vadd.f32 v27, v28  }
0x262: {  	v61 =	vld [tilespmem:s11+$0xC0];
	v31 =	vsel vm12, $0x3F800000, v0  }
0x263: {  	vm13 =	vgt.f32 v57, v6;
	v25 =	vadd.f32 v31, v25;
	v26 =	vadd.f32 v26, v27  }
0x264: {  	v62 =	vld [tilespmem:s11+$0xD0];
	v30 =	vsel vm13, $0x3F800000, v0  }
0x265: {  	vm14 =	vgt.f32 v59, v6;
	v24 =	vadd.f32 v30, v24;
	v25 =	vadd.f32 v25, v26  }
0x266: {  	v63 =	vld [tilespmem:s11+$0xE0];
	v29 =	vsel vm14, $0x3F800000, v0  }
0x267: {  	vm15 =	vgt.f32 v61, v6;
	v23 =	vadd.f32 v29, v23;
	v24 =	vadd.f32 v24, v25  }
0x268: {  	v32 =	vld [tilespmem:s11+$0xF0];
	v28 =	vsel vm15, $0x3F800000, v0  }
0x269: {  	vm4 =	vgt.f32 v62, v6;
	v22 =	vadd.f32 v28, v22;
	v23 =	vadd.f32 v23, v24  }
0x26a: {  	v33 =	vld [tilespmem:s11+$0x100];
	v27 =	vsel vm4, $0x3F800000, v0  }
0x26b: {  	vm5 =	vgt.f32 v63, v6;
	v21 =	vadd.f32 v27, v21;
	v22 =	vadd.f32 v22, v23  }
0x26c: {  	v34 =	vld [tilespmem:s11+$0x110];
	v26 =	vsel vm5, $0x3F800000, v0  }
0x26d: {  	vm6 =	vgt.f32 v32, v6;
	v20 =	vadd.f32 v26, v20;
	v21 =	vadd.f32 v21, v22  }
0x26e: {  	v41 =	vld [tilespmem:s11+$0x120];
	v25 =	vsel vm6, $0x3F800000, v0  }
0x26f: {  	vm7 =	vgt.f32 v33, v6;
	v19 =	vadd.f32 v25, v19;
	v20 =	vadd.f32 v20, v21  }
0x270: {  	v42 =	vld [tilespmem:s11+$0x130];
	v24 =	vsel vm7, $0x3F800000, v0  }
0x271: {  	vm8 =	vgt.f32 v34, v6;
	v17 =	vadd.f32 v24, v17;
	v19 =	vadd.f32 v19, v20  }
0x272: {  	v43 =	vld [tilespmem:s11+$0x140];
	v23 =	vsel vm8, $0x3F800000, v0  }
0x273: {  	vm9 =	vgt.f32 v41, v6;
	v16 =	vadd.f32 v23, v16;
	v17 =	vadd.f32 v17, v19  }
0x274: {  	v44 =	vld [tilespmem:s11+$0x150];
	v22 =	vsel vm9, $0x3F800000, v0  }
0x275: {  	vm10 =	vgt.f32 v42, v6;
	v15 =	vadd.f32 v22, v15;
	v16 =	vadd.f32 v16, v17  }
0x276: {  	v45 =	vld [tilespmem:s11+$0x160];
	v21 =	vsel vm10, $0x3F800000, v0  }
0x277: {  	vm11 =	vgt.f32 v43, v6;
	v14 =	vadd.f32 v21, v14;
	v15 =	vadd.f32 v15, v16  }
0x278: {  	v2 =	vadd.f32 v40, v2;
	v46 =	vld [tilespmem:s11+$0x170];
	v20 =	vsel vm11, $0x3F800000, v0  }
0x279: {  	v48 =	vld [tilespmem:s11+$0x180];
	vm12 =	vgt.f32 v44, v6;
	v13 =	vadd.f32 v20, v13;
	v14 =	vadd.f32 v14, v15  }
0x27a: {  	v47 =	vsel vm0, $0x3F800000, v0;
	v49 =	vsel vm12, $0x3F800000, v0;
	vm13 =	vgt.f32 v39, v6  }
0x27b: {  	v11 =	vadd.f32 v49, v11;
	vm14 =	vgt.f32 v45, v6;
	v13 =	vadd.f32 v13, v14  }
0x27c: {  	v50 =	vadd.f32 v47, v18;
	v52 =	vld [tilespmem:s11+$0x190];
	v51 =	vsel vm13, $0x3F800000, v0;
	v53 =	vsel vm14, $0x3F800000, v0  }
0x27d: {  	v54 =	vld [tilespmem:s11+$0x1A0];
	vm15 =	vgt.f32 v46, v6;
	v10 =	vadd.f32 v53, v10;
	v11 =	vadd.f32 v11, v13  }
0x27e: {  	v12 =	vadd.f32 v51, v12;
	v55 =	vsel vm15, $0x3F800000, v0;
	vm5 =	vgt.f32 v48, v6  }
0x27f: {  	v9 =	vadd.f32 v55, v9;
	v57 =	vsel vm5, $0x3F800000, v0;
	v10 =	vadd.f32 v10, v11  }
0x280: {  	v56 =	vld [tilespmem:s11+$0x1B0];
	vm4 =	vgt.f32 v38, v6;
	vm6 =	vgt.f32 v37, v6;
	v2 =	vadd.f32 v57, v2  }
0x281: {  	vm7 =	vgt.f32 v52, v6;
	v11 =	vsel vm4, $0x3F800000, v0;
	v9 =	vadd.f32 v9, v10  }
0x282: {  	v58 =	vsel vm7, $0x3F800000, v0;
	vm8 =	vgt.f32 v54, v6;
	v8 =	vadd.f32 v11, v8;
	v11 =	vld [tilespmem:s11+$0x1C0]  }
0x283: {  	v59 =	vadd.f32 v58, v50;
	v10 =	vsel vm6, $0x3F800000, v0;
	v2 =	vadd.f32 v2, v9  }
0x284: {  	vm9 =	vgt.f32 v36, v6;
	v5 =	vadd.f32 v10, v5;
	v10 =	vsel vm8, $0x3F800000, v0;
	v9 =	vld [tilespmem:s11+$0x1D0]  }
0x285: {  	vm10 =	vgt.f32 v56, v6;
	v10 =	vadd.f32 v10, v12;
	v2 =	vadd.f32 v59, v2  }
0x286: {  	v61 =	vld [tilespmem:s11+$0x1E0];
	v60 =	vsel vm9, $0x3F800000, v0;
	v62 =	vsel vm10, $0x3F800000, v0;
	vm11 =	vgt.f32 v35, v6  }
0x287: {  	v8 =	vadd.f32 v62, v8;
	vm12 =	vgt.f32 v11, v6;
	v2 =	vadd.f32 v10, v2  }
0x288: {  	v4 =	vadd.f32 v60, v4;
	v11 =	vsel vm11, $0x3F800000, v0;
	v63 =	vsel vm12, $0x3F800000, v0;
	v10 =	vld [tilespmem:s11+$0x1F0]  }
0x289: {  	v5 =	vadd.f32 v63, v5;
	vm13 =	vgt.f32 v9, v6;
	v2 =	vadd.f32 v8, v2  }
0x28a: {  	v3 =	vadd.f32 v11, v3;
	v8 =	vsel vm13, $0x3F800000, v0  }
0x28b: {  	vm14 =	vgt.f32 v61, v6;
	v4 =	vadd.f32 v8, v4;
	v2 =	vadd.f32 v5, v2  }
0x28c: {  	v5 =	vsel vm14, $0x3F800000, v0  }
0x28d: {  	vm15 =	vgt.f32 v10, v6;
	v3 =	vadd.f32 v5, v3;
	v2 =	vadd.f32 v4, v2  }
0x28e: {  	v4 =	vsel vm15, $0x3F800000, v0  }
0x28f: {  	v1 =	vadd.f32 v4, v1;
	v2 =	vadd.f32 v3, v2;
	_ =	sdelay $0x1  }
0x290: {  	v1 =	vadd.f32 v1, v2;
	_ =	sdelay $0x1  }
0x291: {  	(v2sf) =	vpush v1, $0x0  }
0x292: {  	(v2sf) =	vpush v1, $0x1;
	_ =	sdelay $0x1  }
0x293: {  	(v2sf) =	vpush v1, $0x2;
	_ =	sdelay $0x1  }
0x294: {  	(v2sf) =	vpush v1, $0x3;
	_ =	sdelay $0x1  }
0x295: {  	(v2sf) =	vpush v1, $0x4;
	_ =	sdelay $0x1  }
0x296: {  	(v2sf) =	vpush v1, $0x5;
	_ =	sdelay $0x1  }
0x297: {  	(v2sf) =	vpush v1, $0x6;
	_ =	sdelay $0x1  }
0x298: {  	(v2sf) =	vpush v1, $0x7;
	_ =	sdelay $0x1  }
0x299: {  	s16 =	spop (v2sf);
	(v2sf) =	vpush v1, $0x8  }
0x29a: {  	s12 =	spop (v2sf)  }
0x29b: {  	(v2sf) =	vpush v1, $0x9;
	s11 =	sadd.f32 s12, s16  }
0x29c: {  	s17 =	spop (v2sf)  }
0x29d: {  	(v2sf) =	vpush v1, $0xA;
	s11 =	sadd.f32 s11, s17  }
0x29e: {  	s18 =	spop (v2sf)  }
0x29f: {  	(v2sf) =	vpush v1, $0xB;
	s11 =	sadd.f32 s11, s18  }
0x2a0: {  	s19 =	spop (v2sf)  }
0x2a1: {  	(v2sf) =	vpush v1, $0xC;
	s11 =	sadd.f32 s11, s19  }
0x2a2: {  	s20 =	spop (v2sf)  }
0x2a3: {  	(v2sf) =	vpush v1, $0xD;
	s11 =	sadd.f32 s11, s20  }
0x2a4: {  	s21 =	spop (v2sf)  }
0x2a5: {  	(v2sf) =	vpush v1, $0xE;
	s11 =	sadd.f32 s11, s21  }
0x2a6: {  	s22 =	spop (v2sf)  }
0x2a7: {  	(v2sf) =	vpush v1, $0xF;
	s11 =	sadd.f32 s11, s22  }
0x2a8: {  	s23 =	spop (v2sf)  }
0x2a9: {  	s11 =	sadd.f32 s11, s23  }
0x2aa: {  	s24 =	spop (v2sf)  }
0x2ab: {  	s11 =	sadd.f32 s11, s24  }
0x2ac: {  	s25 =	spop (v2sf)  }
0x2ad: {  	s11 =	sadd.f32 s11, s25  }
0x2ae: {  	s26 =	spop (v2sf)  }
0x2af: {  	s11 =	sadd.f32 s11, s26  }
0x2b0: {  	s28 =	spop (v2sf)  }
0x2b1: {  	s11 =	sadd.f32 s11, s28  }
0x2b2: {  	s29 =	spop (v2sf)  }
0x2b3: {  	s11 =	sadd.f32 s11, s29  }
0x2b4: {  	s30 =	spop (v2sf)  }
0x2b5: {  	s11 =	sadd.f32 s11, s30  }
0x2b6: {  	s31 =	spop (v2sf)  }
0x2b7: {  	s11 =	sadd.f32 s11, s31;
	_ =	sdelay $0x1  }
0x2b8: {  	v1 =	vmov s11  }
0x2b9: {  	v1 =	vmax.f32 v1, $1.000000000e+00  }
0x2ba: {  	v1 =	vbroadcast v1, $0x0;
	_ =	sdelay $0x1  }
0x2bb: {  	v2 =	vsub.s32 $0x7EF311C7, v1  }
0x2bc: {  	v3 =	vmul.f32 v2, v1;
	_ =	sdelay $0x1  }
0x2bd: {  	v3 =	vsub.f32 $2.000000000e+00, v3;
	_ =	sdelay $0x1  }
0x2be: {  	v2 =	vmul.f32 v2, v3;
	_ =	sdelay $0x1  }
0x2bf: {  	v3 =	vmul.f32 v2, v1;
	_ =	sdelay $0x1  }
0x2c0: {  	v3 =	vsub.f32 $2.000000000e+00, v3;
	_ =	sdelay $0x1  }
0x2c1: {  	v2 =	vmul.f32 v3, v2;
	_ =	sdelay $0x1  }
0x2c2: {  	v1 =	vmul.f32 v2, v1;
	_ =	sdelay $0x1  }
0x2c3: {  	v1 =	vsub.f32 $2.000000000e+00, v1;
	_ =	sdelay $0x1  }
0x2c4: {  	s11 =	simm.s32 $0x0;
	v1 =	vmul.f32 v1, v2  }
0x2c5: {  	v2 =	vld [tilespmem:s11+$0x1F0]  }
0x2c6: {  	v3 =	vld [tilespmem:s11+$0x0];
	v1 =	vmul.f32 v1, v7  }
0x2c7: {  	v4 =	vld [tilespmem:s11+$0x10]  }
0x2c8: {  	v1 =	vadd.f32 v1, v6  }
0x2c9: {  	v5 =	vld [tilespmem:s11+$0x20]  }
0x2ca: {  	v6 =	vld [tilespmem:s11+$0x30];
	v2 =	vsub.f32 v2, v1  }
0x2cb: {  	v3 =	vsub.f32 v3, v1  }
0x2cc: {  	v7 =	vld [tilespmem:s11+$0x40];
	v4 =	vsub.f32 v4, v1;
	v2 =	vmax.f32 v2, $0.0e+00  }
0x2cd: {  	v8 =	vld [tilespmem:s11+$0x50];
	v3 =	vmax.f32 v3, $0.0e+00;
	[tilespmem:s11+$0x81F0] =	vst v2  }
0x2ce: {  	[tilespmem:s11+$0x8000] =	vst v3;
	v2 =	vsub.f32 v5, v1;
	v3 =	vmax.f32 v4, $0.0e+00  }
0x2cf: {  	v9 =	vld [tilespmem:s11+$0x60];
	[tilespmem:s11+$0x8010] =	vst v3;
	v3 =	vsub.f32 v6, v1  }
0x2d0: {  	v10 =	vld [tilespmem:s11+$0x70];
	v2 =	vmax.f32 v2, $0.0e+00  }
0x2d1: {  	[tilespmem:s11+$0x8020] =	vst v2;
	v2 =	vsub.f32 v7, v1;
	v3 =	vmax.f32 v3, $0.0e+00  }
0x2d2: {  	v4 =	vld [tilespmem:s11+$0x80];
	[tilespmem:s11+$0x8030] =	vst v3;
	v3 =	vsub.f32 v8, v1  }
0x2d3: {  	v5 =	vld [tilespmem:s11+$0x90];
	v2 =	vmax.f32 v2, $0.0e+00  }
0x2d4: {  	[tilespmem:s11+$0x8040] =	vst v2;
	v2 =	vsub.f32 v9, v1;
	v3 =	vmax.f32 v3, $0.0e+00  }
0x2d5: {  	v6 =	vld [tilespmem:s11+$0xA0];
	[tilespmem:s11+$0x8050] =	vst v3;
	v3 =	vsub.f32 v10, v1  }
0x2d6: {  	v7 =	vld [tilespmem:s11+$0xB0];
	v2 =	vmax.f32 v2, $0.0e+00  }
0x2d7: {  	[tilespmem:s11+$0x8060] =	vst v2;
	v2 =	vsub.f32 v4, v1;
	v3 =	vmax.f32 v3, $0.0e+00  }
0x2d8: {  	v8 =	vld [tilespmem:s11+$0xC0];
	[tilespmem:s11+$0x8070] =	vst v3;
	v3 =	vsub.f32 v5, v1  }
0x2d9: {  	v9 =	vld [tilespmem:s11+$0xD0];
	v2 =	vmax.f32 v2, $0.0e+00  }
0x2da: {  	[tilespmem:s11+$0x8080] =	vst v2;
	v2 =	vsub.f32 v6, v1;
	v3 =	vmax.f32 v3, $0.0e+00  }
0x2db: {  	v4 =	vld [tilespmem:s11+$0xE0];
	[tilespmem:s11+$0x8090] =	vst v3;
	v3 =	vsub.f32 v7, v1  }
0x2dc: {  	v5 =	vld [tilespmem:s11+$0xF0];
	v2 =	vmax.f32 v2, $0.0e+00  }
0x2dd: {  	[tilespmem:s11+$0x80A0] =	vst v2;
	v2 =	vsub.f32 v8, v1;
	v3 =	vmax.f32 v3, $0.0e+00  }
0x2de: {  	v6 =	vld [tilespmem:s11+$0x100];
	[tilespmem:s11+$0x80B0] =	vst v3;
	v3 =	vsub.f32 v9, v1  }
0x2df: {  	v7 =	vld [tilespmem:s11+$0x110];
	v2 =	vmax.f32 v2, $0.0e+00  }
0x2e0: {  	[tilespmem:s11+$0x80C0] =	vst v2;
	v2 =	vsub.f32 v4, v1;
	v3 =	vmax.f32 v3, $0.0e+00  }
0x2e1: {  	v8 =	vld [tilespmem:s11+$0x120];
	[tilespmem:s11+$0x80D0] =	vst v3;
	v3 =	vsub.f32 v5, v1  }
0x2e2: {  	v9 =	vld [tilespmem:s11+$0x130];
	v2 =	vmax.f32 v2, $0.0e+00  }
0x2e3: {  	v4 =	vld [tilespmem:s11+$0x140];
	[tilespmem:s11+$0x80E0] =	vst v2;
	v2 =	vsub.f32 v6, v1;
	v3 =	vmax.f32 v3, $0.0e+00  }
0x2e4: {  	v5 =	vld [tilespmem:s11+$0x150];
	[tilespmem:s11+$0x80F0] =	vst v3;
	v3 =	vsub.f32 v7, v1  }
0x2e5: {  	v6 =	vld [tilespmem:s11+$0x160];
	v2 =	vmax.f32 v2, $0.0e+00  }
0x2e6: {  	v7 =	vld [tilespmem:s11+$0x170];
	[tilespmem:s11+$0x8100] =	vst v2;
	v2 =	vsub.f32 v8, v1;
	v3 =	vmax.f32 v3, $0.0e+00  }
0x2e7: {  	v8 =	vld [tilespmem:s11+$0x180];
	[tilespmem:s11+$0x8110] =	vst v3;
	v3 =	vsub.f32 v9, v1  }
0x2e8: {  	v10 =	vld [tilespmem:s11+$0x190];
	v4 =	vsub.f32 v4, v1;
	v2 =	vmax.f32 v2, $0.0e+00  }
0x2e9: {  	v5 =	vsub.f32 v5, v1;
	[tilespmem:s11+$0x8120] =	vst v2;
	v3 =	vmax.f32 v3, $0.0e+00;
	v2 =	vld [tilespmem:s11+$0x1A0]  }
0x2ea: {  	v4 =	vmax.f32 v4, $0.0e+00;
	v6 =	vsub.f32 v6, v1;
	[tilespmem:s11+$0x8130] =	vst v3;
	v3 =	vld [tilespmem:s11+$0x1B0]  }
0x2eb: {  	[tilespmem:s11+$0x8140] =	vst v4;
	v5 =	vmax.f32 v5, $0.0e+00;
	v4 =	vld [tilespmem:s11+$0x1C0];
	v9 =	vsub.f32 v7, v1  }
0x2ec: {  	[tilespmem:s11+$0x8150] =	vst v5;
	v5 =	vld [tilespmem:s11+$0x1D0];
	v6 =	vmax.f32 v6, $0.0e+00;
	v7 =	vsub.f32 v8, v1  }
0x2ed: {  	s13 =	simm.s32 $0x1000;
	s12 =	simm.s32 $0x200;
	[tilespmem:s11+$0x8160] =	vst v6;
	v9 =	vmax.f32 v9, $0.0e+00;
	v8 =	vsub.f32 v10, v1;
	v6 =	vld [tilespmem:s11+$0x1E0]  }
.LBB2_12:
0x2ee: {  	p0 =	sne.s32 s13, $0x1F800;
	v10 =	vld [tilespmem:s12+$0x1F0];
	[tilespmem:s11+$0x8170] =	vst v9;
	v7 =	vmax.f32 v7, $0.0e+00;
	v2 =	vsub.f32 v2, v1  }
0x2ef: {  	v9 =	vld [tilespmem:s12+$0x0];
	[tilespmem:s11+$0x8180] =	vst v7;
	v7 =	vmax.f32 v8, $0.0e+00;
	v3 =	vsub.f32 v3, v1  }
0x2f0: {  	v8 =	vld [tilespmem:s12+$0x10];
	[tilespmem:s11+$0x8190] =	vst v7;
	v2 =	vmax.f32 v2, $0.0e+00;
	v4 =	vsub.f32 v4, v1  }
0x2f1: {  	v7 =	vld [tilespmem:s12+$0x20];
	[tilespmem:s11+$0x81A0] =	vst v2;
	v2 =	vmax.f32 v3, $0.0e+00;
	v3 =	vsub.f32 v5, v1  }
0x2f2: {  	v5 =	vld [tilespmem:s12+$0x30];
	[tilespmem:s11+$0x81B0] =	vst v2;
	v2 =	vmax.f32 v4, $0.0e+00;
	v4 =	vsub.f32 v6, v1  }
0x2f3: {  	v6 =	vld [tilespmem:s12+$0x40];
	v10 =	vsub.f32 v10, v1;
	[tilespmem:s11+$0x81C0] =	vst v2;
	v2 =	vmax.f32 v3, $0.0e+00  }
0x2f4: {  	v3 =	vsub.f32 v9, v1;
	v9 =	vld [tilespmem:s12+$0x50];
	[tilespmem:s11+$0x81D0] =	vst v2;
	v2 =	vmax.f32 v4, $0.0e+00  }
0x2f5: {  	v4 =	vsub.f32 v8, v1;
	v8 =	vld [tilespmem:s12+$0x60];
	v10 =	vmax.f32 v10, $0.0e+00;
	[tilespmem:s11+$0x81E0] =	vst v2;
	s11 =	smov.u32 s12  }
0x2f6: {  	v2 =	vmax.f32 v3, $0.0e+00;
	v3 =	vsub.f32 v7, v1;
	v7 =	vld [tilespmem:s11+$0x70];
	[tilespmem:s11+$0x81F0] =	vst v10  }
0x2f7: {  	[tilespmem:s11+$0x8000] =	vst v2;
	v2 =	vmax.f32 v4, $0.0e+00;
	v4 =	vsub.f32 v5, v1;
	v5 =	vld [tilespmem:s11+$0x80]  }
0x2f8: {  	[tilespmem:s11+$0x8010] =	vst v2;
	v2 =	vmax.f32 v3, $0.0e+00;
	v3 =	vsub.f32 v6, v1;
	v6 =	vld [tilespmem:s11+$0x90]  }
0x2f9: {  	[tilespmem:s11+$0x8020] =	vst v2;
	v2 =	vmax.f32 v4, $0.0e+00;
	v4 =	vsub.f32 v9, v1;
	v9 =	vld [tilespmem:s11+$0xA0]  }
0x2fa: {  	[tilespmem:s11+$0x8030] =	vst v2;
	v2 =	vmax.f32 v3, $0.0e+00;
	v3 =	vsub.f32 v8, v1;
	v8 =	vld [tilespmem:s11+$0xB0]  }
0x2fb: {  	[tilespmem:s11+$0x8040] =	vst v2;
	v2 =	vmax.f32 v4, $0.0e+00;
	v4 =	vsub.f32 v7, v1;
	v7 =	vld [tilespmem:s11+$0xC0]  }
0x2fc: {  	[tilespmem:s11+$0x8050] =	vst v2;
	v2 =	vmax.f32 v3, $0.0e+00;
	v3 =	vsub.f32 v5, v1;
	v5 =	vld [tilespmem:s11+$0xD0]  }
0x2fd: {  	[tilespmem:s11+$0x8060] =	vst v2;
	v2 =	vmax.f32 v4, $0.0e+00;
	v4 =	vsub.f32 v6, v1;
	v6 =	vld [tilespmem:s11+$0xE0]  }
0x2fe: {  	[tilespmem:s11+$0x8070] =	vst v2;
	v2 =	vmax.f32 v3, $0.0e+00;
	v3 =	vsub.f32 v9, v1;
	v9 =	vld [tilespmem:s11+$0xF0]  }
0x2ff: {  	[tilespmem:s11+$0x8080] =	vst v2;
	v2 =	vmax.f32 v4, $0.0e+00;
	v4 =	vsub.f32 v8, v1;
	v8 =	vld [tilespmem:s11+$0x100]  }
0x300: {  	[tilespmem:s11+$0x8090] =	vst v2;
	v2 =	vmax.f32 v3, $0.0e+00;
	v3 =	vsub.f32 v7, v1;
	v7 =	vld [tilespmem:s11+$0x110]  }
0x301: {  	[tilespmem:s11+$0x80A0] =	vst v2;
	v2 =	vmax.f32 v4, $0.0e+00;
	v4 =	vsub.f32 v5, v1;
	v5 =	vld [tilespmem:s11+$0x120]  }
0x302: {  	[tilespmem:s11+$0x80B0] =	vst v2;
	v2 =	vmax.f32 v3, $0.0e+00;
	v3 =	vsub.f32 v6, v1;
	v6 =	vld [tilespmem:s11+$0x130]  }
0x303: {  	[tilespmem:s11+$0x80C0] =	vst v2;
	v2 =	vmax.f32 v4, $0.0e+00;
	v4 =	vsub.f32 v9, v1;
	v9 =	vld [tilespmem:s11+$0x140]  }
0x304: {  	[tilespmem:s11+$0x80D0] =	vst v2;
	v2 =	vmax.f32 v3, $0.0e+00;
	v3 =	vsub.f32 v8, v1;
	v8 =	vld [tilespmem:s11+$0x150]  }
0x305: {  	[tilespmem:s11+$0x80E0] =	vst v2;
	v2 =	vmax.f32 v4, $0.0e+00;
	v4 =	vsub.f32 v7, v1;
	v7 =	vld [tilespmem:s11+$0x160]  }
0x306: {  	[tilespmem:s11+$0x80F0] =	vst v2;
	v2 =	vmax.f32 v3, $0.0e+00;
	v3 =	vsub.f32 v5, v1;
	v5 =	vld [tilespmem:s11+$0x170]  }
0x307: {  	[tilespmem:s11+$0x8100] =	vst v2;
	v2 =	vmax.f32 v4, $0.0e+00;
	v4 =	vsub.f32 v6, v1;
	v6 =	vld [tilespmem:s11+$0x180]  }
0x308: {  	[tilespmem:s11+$0x8110] =	vst v2;
	v2 =	vmax.f32 v3, $0.0e+00;
	v3 =	vsub.f32 v9, v1;
	v10 =	vld [tilespmem:s11+$0x190]  }
.Ltmp5:
0x309: {  	[tilespmem:s11+$0x8120] =	vst v2;
	v4 =	vmax.f32 v4, $0.0e+00;
	v8 =	vsub.f32 v8, v1;
	v2 =	vld [tilespmem:s11+$0x1A0];
	(pc) =	sbr.rel @p0 .LBB2_12-.Ltmp5, $4  }
0x30a: {  	[tilespmem:s11+$0x8130] =	vst v4;
	v4 =	vmax.f32 v3, $0.0e+00;
	v7 =	vsub.f32 v7, v1;
	v3 =	vld [tilespmem:s11+$0x1B0]  }
0x30b: {  	[tilespmem:s11+$0x8140] =	vst v4;
	v8 =	vmax.f32 v8, $0.0e+00;
	v9 =	vsub.f32 v5, v1;
	v4 =	vld [tilespmem:s11+$0x1C0]  }
0x30c: {  	[tilespmem:s11+$0x8150] =	vst v8;
	v8 =	vmax.f32 v7, $0.0e+00;
	v7 =	vsub.f32 v6, v1;
	v5 =	vld [tilespmem:s11+$0x1D0]  }
0x30d: {  	s12 =	sshra.s32 s13, $0x2;
	s13 =	sadd.s32 $0x800, s13;
	[tilespmem:s11+$0x8160] =	vst v8;
	v9 =	vmax.f32 v9, $0.0e+00;
	v8 =	vsub.f32 v10, v1;
	v6 =	vld [tilespmem:s11+$0x1E0]  }
0x30e: {  	v10 =	vld [tilespmem:s12+$0x1F0];
	[tilespmem:s11+$0x8170] =	vst v9;
	v7 =	vmax.f32 v7, $0.0e+00;
	v2 =	vsub.f32 v2, v1  }
0x30f: {  	v9 =	vld [tilespmem:s12+$0x0];
	[tilespmem:s11+$0x8180] =	vst v7;
	v33 =	vmax.f32 v8, $0.0e+00;
	v3 =	vsub.f32 v3, v1  }
0x310: {  	v34 =	vld [tilespmem:s12+$0x10];
	[tilespmem:s11+$0x8190] =	vst v33;
	v2 =	vmax.f32 v2, $0.0e+00  }
0x311: {  	v7 =	vld [tilespmem:s12+$0x20];
	[tilespmem:s11+$0x81A0] =	vst v2;
	v2 =	vsub.f32 v4, v1;
	v3 =	vmax.f32 v3, $0.0e+00  }
0x312: {  	v35 =	vld [tilespmem:s12+$0x30];
	[tilespmem:s11+$0x81B0] =	vst v3;
	v3 =	vsub.f32 v5, v1  }
0x313: {  	v2 =	vmax.f32 v2, $0.0e+00  }
0x314: {  	v36 =	vld [tilespmem:s12+$0x40];
	[tilespmem:s11+$0x81C0] =	vst v2;
	v2 =	vsub.f32 v6, v1;
	v3 =	vmax.f32 v3, $0.0e+00  }
0x315: {  	v37 =	vld [tilespmem:s12+$0x50];
	[tilespmem:s11+$0x81D0] =	vst v3;
	v3 =	vsub.f32 v10, v1  }
0x316: {  	v2 =	vmax.f32 v2, $0.0e+00  }
0x317: {  	v38 =	vld [tilespmem:s12+$0x60];
	[tilespmem:s11+$0x81E0] =	vst v2;
	v2 =	vmax.f32 v3, $0.0e+00  }
0x318: {  	[tilespmem:s12+$0x81F0] =	vst v2;
	v2 =	vsub.f32 v7, v1;
	_ =	sdelay $0x1  }
0x319: {  	v3 =	vld [tilespmem:s12+$0x70];
	v2 =	vmax.f32 v2, $0.0e+00  }
0x31a: {  	[tilespmem:s12+$0x8020] =	vst v2;
	v2 =	vsub.f32 v36, v1  }
0x31b: {  	v40 =	vld [tilespmem:s12+$0x80]  }
0x31c: {  	v41 =	vld [tilespmem:s12+$0x90];
	v2 =	vmax.f32 v2, $0.0e+00  }
0x31d: {  	[tilespmem:s12+$0x8040] =	vst v2;
	v2 =	vsub.f32 v38, v1  }
0x31e: {  	v42 =	vld [tilespmem:s12+$0xA0];
	v3 =	vsub.f32 v3, v1  }
0x31f: {  	v44 =	vld [tilespmem:s12+$0xB0];
	v2 =	vmax.f32 v2, $0.0e+00  }
0x320: {  	v3 =	vmax.f32 v3, $0.0e+00;
	[tilespmem:s12+$0x8060] =	vst v2;
	v2 =	vsub.f32 v40, v1  }
0x321: {  	v45 =	vld [tilespmem:s12+$0xC0];
	[tilespmem:s12+$0x8070] =	vst v3;
	v3 =	vsub.f32 v41, v1  }
0x322: {  	v46 =	vld [tilespmem:s12+$0xD0];
	v2 =	vmax.f32 v2, $0.0e+00  }
0x323: {  	v3 =	vmax.f32 v3, $0.0e+00;
	[tilespmem:s12+$0x8080] =	vst v2;
	v2 =	vsub.f32 v42, v1  }
0x324: {  	v47 =	vld [tilespmem:s12+$0xE0];
	[tilespmem:s12+$0x8090] =	vst v3;
	v3 =	vsub.f32 v44, v1  }
0x325: {  	v48 =	vld [tilespmem:s12+$0xF0];
	v2 =	vmax.f32 v2, $0.0e+00  }
0x326: {  	v3 =	vmax.f32 v3, $0.0e+00;
	[tilespmem:s12+$0x80A0] =	vst v2;
	v2 =	vsub.f32 v45, v1  }
0x327: {  	v49 =	vld [tilespmem:s12+$0x100];
	[tilespmem:s12+$0x80B0] =	vst v3;
	v3 =	vsub.f32 v46, v1  }
0x328: {  	v50 =	vld [tilespmem:s12+$0x110];
	v2 =	vmax.f32 v2, $0.0e+00  }
0x329: {  	v3 =	vmax.f32 v3, $0.0e+00;
	[tilespmem:s12+$0x80C0] =	vst v2;
	v2 =	vsub.f32 v47, v1  }
0x32a: {  	v51 =	vld [tilespmem:s12+$0x120];
	[tilespmem:s12+$0x80D0] =	vst v3;
	v3 =	vsub.f32 v48, v1  }
0x32b: {  	v9 =	vsub.f32 v9, v1;
	v52 =	vld [tilespmem:s12+$0x130];
	v2 =	vmax.f32 v2, $0.0e+00  }
0x32c: {  	v3 =	vmax.f32 v3, $0.0e+00;
	[tilespmem:s12+$0x80E0] =	vst v2;
	v2 =	vsub.f32 v49, v1  }
0x32d: {  	v9 =	vmax.f32 v9, $0.0e+00;
	v53 =	vld [tilespmem:s12+$0x140];
	[tilespmem:s12+$0x80F0] =	vst v3;
	v3 =	vsub.f32 v50, v1  }
0x32e: {  	v8 =	vsub.f32 v34, v1;
	[tilespmem:s12+$0x8000] =	vst v9;
	v54 =	vld [tilespmem:s12+$0x150];
	v2 =	vmax.f32 v2, $0.0e+00  }
0x32f: {  	v3 =	vmax.f32 v3, $0.0e+00;
	[tilespmem:s12+$0x8100] =	vst v2;
	v2 =	vsub.f32 v51, v1  }
0x330: {  	v39 =	vmax.f32 v8, $0.0e+00;
	v55 =	vld [tilespmem:s12+$0x160];
	[tilespmem:s12+$0x8110] =	vst v3;
	v3 =	vsub.f32 v52, v1  }
0x331: {  	v4 =	vsub.f32 v35, v1;
	[tilespmem:s12+$0x8010] =	vst v39;
	v56 =	vld [tilespmem:s12+$0x170];
	v2 =	vmax.f32 v2, $0.0e+00  }
0x332: {  	v57 =	vld [tilespmem:s12+$0x180];
	v3 =	vmax.f32 v3, $0.0e+00;
	[tilespmem:s12+$0x8120] =	vst v2;
	v2 =	vsub.f32 v53, v1  }
0x333: {  	v58 =	vld [tilespmem:s12+$0x190];
	v4 =	vmax.f32 v4, $0.0e+00;
	[tilespmem:s12+$0x8130] =	vst v3;
	v3 =	vsub.f32 v54, v1  }
0x334: {  	v59 =	vld [tilespmem:s12+$0x1A0];
	[tilespmem:s12+$0x8030] =	vst v4;
	v43 =	vsub.f32 v37, v1;
	v2 =	vmax.f32 v2, $0.0e+00  }
0x335: {  	v60 =	vld [tilespmem:s12+$0x1B0];
	v3 =	vmax.f32 v3, $0.0e+00;
	[tilespmem:s12+$0x8140] =	vst v2;
	v2 =	vsub.f32 v55, v1  }
0x336: {  	v61 =	vld [tilespmem:s12+$0x1C0];
	v4 =	vmax.f32 v43, $0.0e+00;
	[tilespmem:s12+$0x8150] =	vst v3;
	v3 =	vsub.f32 v56, v1  }
0x337: {  	v62 =	vld [tilespmem:s12+$0x1D0];
	[tilespmem:s12+$0x8050] =	vst v4;
	v9 =	vsub.f32 v57, v1;
	v2 =	vmax.f32 v2, $0.0e+00  }
0x338: {  	v63 =	vld [tilespmem:s12+$0x1E0];
	[tilespmem:s12+$0x8160] =	vst v2;
	v2 =	vmax.f32 v3, $0.0e+00;
	v3 =	vsub.f32 v58, v1  }
0x339: {  	v8 =	vsub.f32 v59, v1;
	[tilespmem:s12+$0x8170] =	vst v2;
	v2 =	vmax.f32 v9, $0.0e+00  }
0x33a: {  	[tilespmem:s12+$0x8180] =	vst v2;
	v2 =	vmax.f32 v3, $0.0e+00;
	v3 =	vsub.f32 v60, v1  }
0x33b: {  	v5 =	vsub.f32 v61, v1;
	[tilespmem:s12+$0x8190] =	vst v2;
	v2 =	vmax.f32 v8, $0.0e+00  }
0x33c: {  	[tilespmem:s12+$0x81A0] =	vst v2;
	v2 =	vmax.f32 v3, $0.0e+00;
	v3 =	vsub.f32 v62, v1  }
0x33d: {  	v1 =	vsub.f32 v63, v1;
	[tilespmem:s12+$0x81B0] =	vst v2;
	v2 =	vmax.f32 v5, $0.0e+00  }
0x33e: {  	s10 =	sadd.s32 $0x1, s10;
	[tilespmem:s12+$0x81C0] =	vst v2;
	v2 =	vmax.f32 v3, $0.0e+00  }
0x33f: {  	p0 =	sne.s32 s10, s5;
	v1 =	vmax.f32 v1, $0.0e+00;
	[tilespmem:s12+$0x81D0] =	vst v2  }
.Ltmp6:
0x340: {  	[tilespmem:s12+$0x81E0] =	vst v1;
	(pc) =	sbr.rel @p0 .LBB2_1-.Ltmp6, $4  }
0x341: {  	[hbm4b:s4+s6] =	stream.strided.scatter [tilespmem:s9], [sflag:$0x1], $0x8000, s7, s6, $0x38;
	[tilespmem:$0x10000] =	vst v63  }
0x342: {  	_ =	swait.ge [sflag:s8], $0x8000  }
0x343: {  	[sflag:s8] =	ssyncset.done $0x0  }
0x344: {  	[sflag:s8] =	ssyncadd.s32 $0xFFFF8000  }
0x345: {  	_ =	sfence.sel $0x180000  }
0x346: {  	[bflag:$0x0] =	sbarrier.arrive $0xFFFF  }
0x347: {  	p0 =	sne.s32 s1, $0x0;
	_ =	strace $0x90000047  }
0x348: {  	s0 =	sadd.s32 @!p0 $0x100000, s0;
	[bflag:$0x2] =	sbarrier.arrive $0xFFFF  }
0x349: {  	[sflag:s0] =	ssyncadd.tile.s32 @!p0 $0x1;
	_ =	shalt  }
.Lfunc_end2:
_tile_overlayer_lowered:
.L_overlay_start_2:
0x34a: {  	(tag) =	ssettag $0x2  }
0x34b: {  	s0 =	rddreg [dreg:$0x0];
	s2 =	stileid.u32  }
0x34c: {  	s1 =	rddreg [dreg:$0x1];
	p0 =	sne.s32 s2, $0x0  }
0x34d: {  	s3 =	rddreg [dreg:$0x2];
	[bflag:$0x3] =	sbarrier.arrive $0xFFFF;
	s2 =	simm.s32 @!p0 $0x1C01  }
0x34e: {  	[timem:s3], [sflag:s2] =	dma.local @!p0 [hbm:s0], s1  }
0x34f: {  	s0 =	simm.s32 @!p0 $0x1  }
0x350: {  	_ =	swait.ge @!p0 [sflag:s0], s1  }
0x351: {  	s1 =	ssub.s32 @!p0 $0x0, s1;
	[sflag:s0] =	ssyncset.done @!p0 $0x0  }
0x352: {  	[sflag:s0] =	ssyncadd.s32 @!p0 s1  }
0x353: {  	[bflag:$0x3] =	sbarrier.arrive $0xFFFF  }
0x354: {  	_ =	shalt  }

</sc_bundles>
